<compile_context>
chip_gen: v7x
topology: tpu7x:2x2x1
jax: 0.10.2.dev20260603
libtpu: 0.0.44.dev20260713+nightly
codegen_flags: <defaults>
</compile_context>

<pallas_src>
import dataclasses

import jax
import jax.numpy as jnp
from jax import lax
from jax.experimental import pallas as pl
from jax.experimental.pallas import tpu as pltpu
from jax.experimental.pallas import tpu_sc as plsc

_NUM_CORES = 2
_NUM_SUBCORES = 16
_NUM_WORKERS = _NUM_CORES * _NUM_SUBCORES
_CHUNK = 1600


def kernel(ids, table):
    batch, hist = ids.shape
    vocab, d = table.shape
    num_indices = batch * hist
    per_worker = num_indices // _NUM_WORKERS
    flat = ids.reshape(num_indices)

    mesh = plsc.VectorSubcoreMesh(core_axis_name="c", subcore_axis_name="s")
    cp = dataclasses.replace(pltpu.CompilerParams(), use_tc_tiling_on_sc=False)

    @pl.kernel(
        out_type=jax.ShapeDtypeStruct((batch, hist, d), table.dtype),
        mesh=mesh,
        scratch_types=[
            pltpu.VMEM((_CHUNK,), jnp.int32),
            pltpu.VMEM((_CHUNK, d), table.dtype),
            pltpu.SemaphoreType.DMA,
        ],
        compiler_params=cp,
    )
    def gather_kernel(table_hbm, ids_hbm, out_hbm, idx_v, rows_v, sem):
        wid = lax.axis_index("s") * _NUM_CORES + lax.axis_index("c")
        base = wid * per_worker
        b_base = wid * (per_worker // hist)
        nb = _CHUNK // hist

        @pl.loop(0, per_worker, step=_CHUNK)
        def _(off):
            pltpu.sync_copy(ids_hbm.at[pl.ds(base + off, _CHUNK)], idx_v)
            pltpu.async_copy(table_hbm.at[idx_v], rows_v, sem).wait()
            for b in range(nb):
                pltpu.sync_copy(rows_v.at[pl.ds(b * hist, hist), :],
                                out_hbm.at[b_base + off // hist + b])

    return gather_kernel(table, flat)

# --- scband reference (transcript-rebuilt; emitter-appended) ---
"""Pipeline reference for scband-embedding-18133351924091 (READ-ONLY COPY).

The authoritative reference and input builder live on the scoring server;
editing this copy changes nothing except your own understanding.
"""

import jax, jax.numpy as jnp
import numpy as np

VOCAB = 1000000
D_MODEL = 64
BATCH = 4096
HIST = 50

def setup_inputs(seed: int = 0) -> dict:
    key = jax.random.key(seed)
    k_ids, k_tab = jax.random.split(key)
    ids = jax.random.randint(k_ids, (BATCH, HIST), 0, VOCAB, dtype=jnp.int64 if jax.config.jax_enable_x64 else jnp.int32)
    table = jax.random.normal(k_tab, (VOCAB, D_MODEL), dtype=jnp.float32)
    return {"ids": ids, "table": table}

def reference(ids, table):
    # nn.Embedding forward: gather rows of the embedding table
    return jnp.take(table, ids, axis=0)

if __name__ == "__main__":
    import jax
    _d = setup_inputs()
    print(jax.jit(kernel)(*tuple(_d.values())))

</pallas_src>

<mosaic_0001>
#map = affine_map<(d0, d1) -> (0, 0)>
#map1 = affine_map<(d0, d1) -> (0)>
#map2 = affine_map<(d0, d1) -> (0, 0, 0)>
module attributes {stable_mosaic.version = 14 : i64} {
  func.func @gather_kernel(%arg0: i32, %arg1: i32, %arg2: memref<1000000x64xf32, #tpu.memory_space<hbm>>, %arg3: memref<204800xi32, #tpu.memory_space<hbm>>, %arg4: memref<4096x50x64xf32, #tpu.memory_space<hbm>>, %arg5: memref<1600xi32, #tpu.memory_space<vmem>>, %arg6: memref<1600x64xf32, #tpu.memory_space<vmem>>, %arg7: memref<!tpu.dma_semaphore, #tpu.memory_space<semaphore_mem>>) attributes {dimension_semantics = [#tpu.dimension_semantics<core_parallel>, #tpu.dimension_semantics<subcore_parallel>], iteration_bounds = array<i64: 2, 16>, scalar_prefetch = 0 : i64, scratch_operands = 3 : i64, tpu.core_type = #tpu.core_type<sc_vector_subcore>, window_params = [{transform_indices = #map}, {transform_indices = #map1}, {transform_indices = #map2}]} {
    %mul3A = arith.constant 2 : i32
    %mul3A_0 = arith.muli %arg1, %mul3A : i32
    %add3A = arith.addi %mul3A_0, %arg0 : i32
    %mul3A_1 = arith.constant 6400 : i32
    %mul3A_2 = arith.muli %add3A, %mul3A_1 : i32
    %mul3A_3 = arith.constant 128 : i32
    %mul3A_4 = arith.muli %add3A, %mul3A_3 : i32
    %scan3A = arith.constant 0 : i32
    %scan3A_5 = arith.constant 4 : i32
    %scan3A_6 = arith.addi %scan3A, %scan3A_5 : i32
    %scan3A_7 = arith.constant 1 : i32
    scf.for %scan3A_9 = %scan3A to %scan3A_6 step %scan3A_7  : i32 {
      %mul3A_10 = arith.constant 1600 : i32
      %mul3A_11 = arith.muli %scan3A_9, %mul3A_10 : i32
      %add3A_12 = arith.constant 0 : i32
      %add3A_13 = arith.addi %add3A_12, %mul3A_11 : i32
      %add3A_14 = arith.addi %mul3A_2, %add3A_13 : i32
      "tpu.region"() ({
        %run_scoped3A = tpu.sem_alloc : memref<!tpu.dma_semaphore, #tpu.memory_space<semaphore_mem>>
        %dma_start3A_875 = tpu.memref_slice %arg3[%add3A_14] : memref<204800xi32, #tpu.memory_space<hbm>> -> memref<1600xi32, #tpu.memory_space<hbm>>
        %dma_start3A_876 = tpu.memref_slice %arg3[%add3A_14] : memref<204800xi32, #tpu.memory_space<hbm>> -> memref<1600xi32, #tpu.memory_space<hbm>>
        tpu.enqueue_dma source(%dma_start3A_876 : memref<1600xi32, #tpu.memory_space<hbm>>) target(%arg5 : memref<1600xi32, #tpu.memory_space<vmem>>) target_semaphore(%run_scoped3A : memref<!tpu.dma_semaphore, #tpu.memory_space<semaphore_mem>>)
        %dma_wait3A_877 = tpu.memref_slice %arg3[%add3A_14] : memref<204800xi32, #tpu.memory_space<hbm>> -> memref<1600xi32, #tpu.memory_space<hbm>>
        %dma_wait3A_878 = tpu.memref_slice %arg3[%add3A_14] : memref<204800xi32, #tpu.memory_space<hbm>> -> memref<1600xi32, #tpu.memory_space<hbm>>
        tpu.wait_dma2 semaphore(%run_scoped3A : memref<!tpu.dma_semaphore, #tpu.memory_space<semaphore_mem>>) src(%dma_wait3A_878 : memref<1600xi32, #tpu.memory_space<hbm>>) dst(%arg5 : memref<1600xi32, #tpu.memory_space<vmem>>)
        tpu.yield
      }) : () -> ()
      %dma_start3A = arith.constant 0 : i32
      %dma_start3A_15 = arith.constant 0 : i32
      %dma_start3A_16 = tpu.memref_slice %arg2[%dma_start3A, %dma_start3A_15] : memref<1000000x64xf32, #tpu.memory_space<hbm>> -> memref<1000000x64xf32, #tpu.memory_space<hbm>>
      tpu.enqueue_indirect_dma source(%dma_start3A_16 : memref<1000000x64xf32, #tpu.memory_space<hbm>>) target(%arg6 : memref<1600x64xf32, #tpu.memory_space<vmem>>) offsets(%arg5 : memref<1600xi32, #tpu.memory_space<vmem>>) semaphore(%arg7 : memref<!tpu.dma_semaphore, #tpu.memory_space<semaphore_mem>>)
      %dma_wait3A = arith.constant 0 : i32
      %dma_wait3A_17 = arith.constant 0 : i32
      %dma_wait3A_18 = tpu.memref_slice %arg2[%dma_wait3A, %dma_wait3A_17] : memref<1000000x64xf32, #tpu.memory_space<hbm>> -> memref<1000000x64xf32, #tpu.memory_space<hbm>>
      tpu.wait_indirect_dma semaphore(%arg7 : memref<!tpu.dma_semaphore, #tpu.memory_space<semaphore_mem>>) src(%dma_wait3A_18 : memref<1000000x64xf32, #tpu.memory_space<hbm>>) dst(%arg6 : memref<1600x64xf32, #tpu.memory_space<vmem>>)
      %jit3A = arith.constant 50 : i32
      %div3A = arith.divsi %add3A_13, %jit3A : i32
      %sign3A = arith.constant 0 : i32
      %sign3A_19 = arith.cmpi sgt, %add3A_13, %sign3A : i32
      %sign3A_20 = arith.extui %sign3A_19 : i1 to i32
      %sign3A_21 = arith.constant 0 : i32
      %sign3A_22 = arith.cmpi slt, %add3A_13, %sign3A_21 : i32
      %sign3A_23 = arith.extui %sign3A_22 : i1 to i32
      %sign3A_24 = arith.subi %sign3A_20, %sign3A_23 : i32
      %sign3A_25 = arith.constant 0 : i32
      %sign3A_26 = arith.cmpi sgt, %jit3A, %sign3A_25 : i32
      %sign3A_27 = arith.extui %sign3A_26 : i1 to i32
      %sign3A_28 = arith.constant 0 : i32
      %sign3A_29 = arith.cmpi slt, %jit3A, %sign3A_28 : i32
      %sign3A_30 = arith.extui %sign3A_29 : i1 to i32
      %sign3A_31 = arith.subi %sign3A_27, %sign3A_30 : i32
      %ne3A = arith.cmpi ne, %sign3A_24, %sign3A_31 : i32
      %rem3A = arith.remsi %add3A_13, %jit3A : i32
      %ne3A_32 = arith.constant 0 : i32
      %ne3A_33 = arith.cmpi ne, %rem3A, %ne3A_32 : i32
      %and3A = arith.andi %ne3A, %ne3A_33 : i1
      %sub3A = arith.constant 1 : i32
      %sub3A_34 = arith.subi %div3A, %sub3A : i32
      %select_n3A = arith.select %and3A, %sub3A_34, %div3A : i32
      %add3A_35 = arith.addi %mul3A_4, %select_n3A : i32
      %add3A_36 = arith.constant 0 : i32
      %add3A_37 = arith.addi %add3A_35, %add3A_36 : i32
      "tpu.region"() ({
        %run_scoped3A = tpu.sem_alloc : memref<!tpu.dma_semaphore, #tpu.memory_space<semaphore_mem>>
        %dma_start3A_875 = arith.constant 0 : i32
        %dma_start3A_876 = arith.constant 0 : i32
        %dma_start3A_877 = tpu.memref_slice %arg6[%dma_start3A_875, %dma_start3A_876] : memref<1600x64xf32, #tpu.memory_space<vmem>> -> memref<50x64xf32, #tpu.memory_space<vmem>>
        %dma_start3A_878 = arith.constant 0 : i32
        %dma_start3A_879 = arith.constant 0 : i32
        %dma_start3A_880 = tpu.memref_slice %arg4[%add3A_37, %dma_start3A_878, %dma_start3A_879] : memref<4096x50x64xf32, #tpu.memory_space<hbm>> -> memref<1x50x64xf32, #tpu.memory_space<hbm>>
        %dma_start3A_881 = tpu.memref_squeeze %dma_start3A_880 : memref<1x50x64xf32, #tpu.memory_space<hbm>> -> memref<50x64xf32, #tpu.memory_space<hbm>>
        %dma_start3A_882 = arith.constant 0 : i32
        %dma_start3A_883 = arith.constant 0 : i32
        %dma_start3A_884 = tpu.memref_slice %arg4[%add3A_37, %dma_start3A_882, %dma_start3A_883] : memref<4096x50x64xf32, #tpu.memory_space<hbm>> -> memref<1x50x64xf32, #tpu.memory_space<hbm>>
        %dma_start3A_885 = tpu.memref_squeeze %dma_start3A_884 : memref<1x50x64xf32, #tpu.memory_space<hbm>> -> memref<50x64xf32, #tpu.memory_space<hbm>>
        %dma_start3A_886 = arith.constant 0 : i32
        %dma_start3A_887 = arith.constant 0 : i32
        %dma_start3A_888 = tpu.memref_slice %arg6[%dma_start3A_886, %dma_start3A_887] : memref<1600x64xf32, #tpu.memory_space<vmem>> -> memref<50x64xf32, #tpu.memory_space<vmem>>
        tpu.enqueue_dma source(%dma_start3A_888 : memref<50x64xf32, #tpu.memory_space<vmem>>) target(%dma_start3A_885 : memref<50x64xf32, #tpu.memory_space<hbm>>) target_semaphore(%run_scoped3A : memref<!tpu.dma_semaphore, #tpu.memory_space<semaphore_mem>>)
        %dma_wait3A_889 = arith.constant 0 : i32
        %dma_wait3A_890 = arith.constant 0 : i32
        %dma_wait3A_891 = tpu.memref_slice %arg6[%dma_wait3A_889, %dma_wait3A_890] : memref<1600x64xf32, #tpu.memory_space<vmem>> -> memref<50x64xf32, #tpu.memory_space<vmem>>
        %dma_wait3A_892 = arith.constant 0 : i32
        %dma_wait3A_893 = arith.constant 0 : i32
        %dma_wait3A_894 = tpu.memref_slice %arg4[%add3A_37, %dma_wait3A_892, %dma_wait3A_893] : memref<4096x50x64xf32, #tpu.memory_space<hbm>> -> memref<1x50x64xf32, #tpu.memory_space<hbm>>
        %dma_wait3A_895 = tpu.memref_squeeze %dma_wait3A_894 : memref<1x50x64xf32, #tpu.memory_space<hbm>> -> memref<50x64xf32, #tpu.memory_space<hbm>>
        %dma_wait3A_896 = arith.constant 0 : i32
        %dma_wait3A_897 = arith.constant 0 : i32
        %dma_wait3A_898 = tpu.memref_slice %arg4[%add3A_37, %dma_wait3A_896, %dma_wait3A_897] : memref<4096x50x64xf32, #tpu.memory_space<hbm>> -> memref<1x50x64xf32, #tpu.memory_space<hbm>>
        %dma_wait3A_899 = tpu.memref_squeeze %dma_wait3A_898 : memref<1x50x64xf32, #tpu.memory_space<hbm>> -> memref<50x64xf32, #tpu.memory_space<hbm>>
        %dma_wait3A_900 = arith.constant 0 : i32
        %dma_wait3A_901 = arith.constant 0 : i32
        %dma_wait3A_902 = tpu.memref_slice %arg6[%dma_wait3A_900, %dma_wait3A_901] : memref<1600x64xf32, #tpu.memory_space<vmem>> -> memref<50x64xf32, #tpu.memory_space<vmem>>
        tpu.wait_dma2 semaphore(%run_scoped3A : memref<!tpu.dma_semaphore, #tpu.memory_space<semaphore_mem>>) src(%dma_wait3A_902 : memref<50x64xf32, #tpu.memory_space<vmem>>) dst(%dma_wait3A_899 : memref<50x64xf32, #tpu.memory_space<hbm>>)
        tpu.yield
      }) : () -> ()
      %jit3A_38 = arith.constant 50 : i32
      %div3A_39 = arith.divsi %add3A_13, %jit3A_38 : i32
      %sign3A_40 = arith.constant 0 : i32
      %sign3A_41 = arith.cmpi sgt, %add3A_13, %sign3A_40 : i32
      %sign3A_42 = arith.extui %sign3A_41 : i1 to i32
      %sign3A_43 = arith.constant 0 : i32
      %sign3A_44 = arith.cmpi slt, %add3A_13, %sign3A_43 : i32
      %sign3A_45 = arith.extui %sign3A_44 : i1 to i32
      %sign3A_46 = arith.subi %sign3A_42, %sign3A_45 : i32
      %sign3A_47 = arith.constant 0 : i32
      %sign3A_48 = arith.cmpi sgt, %jit3A_38, %sign3A_47 : i32
      %sign3A_49 = arith.extui %sign3A_48 : i1 to i32
      %sign3A_50 = arith.constant 0 : i32
      %sign3A_51 = arith.cmpi slt, %jit3A_38, %sign3A_50 : i32
      %sign3A_52 = arith.extui %sign3A_51 : i1 to i32
      %sign3A_53 = arith.subi %sign3A_49, %sign3A_52 : i32
      %ne3A_54 = arith.cmpi ne, %sign3A_46, %sign3A_53 : i32
      %rem3A_55 = arith.remsi %add3A_13, %jit3A_38 : i32
      %ne3A_56 = arith.constant 0 : i32
      %ne3A_57 = arith.cmpi ne, %rem3A_55, %ne3A_56 : i32
      %and3A_58 = arith.andi %ne3A_54, %ne3A_57 : i1
      %sub3A_59 = arith.constant 1 : i32
      %sub3A_60 = arith.subi %div3A_39, %sub3A_59 : i32
      %select_n3A_61 = arith.select %and3A_58, %sub3A_60, %div3A_39 : i32
      %add3A_62 = arith.addi %mul3A_4, %select_n3A_61 : i32
      %add3A_63 = arith.constant 1 : i32
      %add3A_64 = arith.addi %add3A_62, %add3A_63 : i32
      "tpu.region"() ({
        %run_scoped3A = tpu.sem_alloc : memref<!tpu.dma_semaphore, #tpu.memory_space<semaphore_mem>>
        %dma_start3A_875 = arith.constant 50 : i32
        %dma_start3A_876 = arith.constant 0 : i32
        %dma_start3A_877 = tpu.memref_slice %arg6[%dma_start3A_875, %dma_start3A_876] : memref<1600x64xf32, #tpu.memory_space<vmem>> -> memref<50x64xf32, #tpu.memory_space<vmem>>
        %dma_start3A_878 = arith.constant 0 : i32
        %dma_start3A_879 = arith.constant 0 : i32
        %dma_start3A_880 = tpu.memref_slice %arg4[%add3A_64, %dma_start3A_878, %dma_start3A_879] : memref<4096x50x64xf32, #tpu.memory_space<hbm>> -> memref<1x50x64xf32, #tpu.memory_space<hbm>>
        %dma_start3A_881 = tpu.memref_squeeze %dma_start3A_880 : memref<1x50x64xf32, #tpu.memory_space<hbm>> -> memref<50x64xf32, #tpu.memory_space<hbm>>
        %dma_start3A_882 = arith.constant 0 : i32
        %dma_start3A_883 = arith.constant 0 : i32
        %dma_start3A_884 = tpu.memref_slice %arg4[%add3A_64, %dma_start3A_882, %dma_start3A_883] : memref<4096x50x64xf32, #tpu.memory_space<hbm>> -> memref<1x50x64xf32, #tpu.memory_space<hbm>>
        %dma_start3A_885 = tpu.memref_squeeze %dma_start3A_884 : memref<1x50x64xf32, #tpu.memory_space<hbm>> -> memref<50x64xf32, #tpu.memory_space<hbm>>
        %dma_start3A_886 = arith.constant 50 : i32
        %dma_start3A_887 = arith.constant 0 : i32
        %dma_start3A_888 = tpu.memref_slice %arg6[%dma_start3A_886, %dma_start3A_887] : memref<1600x64xf32, #tpu.memory_space<vmem>> -> memref<50x64xf32, #tpu.memory_space<vmem>>
        tpu.enqueue_dma source(%dma_start3A_888 : memref<50x64xf32, #tpu.memory_space<vmem>>) target(%dma_start3A_885 : memref<50x64xf32, #tpu.memory_space<hbm>>) target_semaphore(%run_scoped3A : memref<!tpu.dma_semaphore, #tpu.memory_space<semaphore_mem>>)
        %dma_wait3A_889 = arith.constant 50 : i32
        %dma_wait3A_890 = arith.constant 0 : i32
        %dma_wait3A_891 = tpu.memref_slice %arg6[%dma_wait3A_889, %dma_wait3A_890] : memref<1600x64xf32, #tpu.memory_space<vmem>> -> memref<50x64xf32, #tpu.memory_space<vmem>>
        %dma_wait3A_892 = arith.constant 0 : i32
        %dma_wait3A_893 = arith.constant 0 : i32
        %dma_wait3A_894 = tpu.memref_slice %arg4[%add3A_64, %dma_wait3A_892, %dma_wait3A_893] : memref<4096x50x64xf32, #tpu.memory_space<hbm>> -> memref<1x50x64xf32, #tpu.memory_space<hbm>>
        %dma_wait3A_895 = tpu.memref_squeeze %dma_wait3A_894 : memref<1x50x64xf32, #tpu.memory_space<hbm>> -> memref<50x64xf32, #tpu.memory_space<hbm>>
        %dma_wait3A_896 = arith.constant 0 : i32
        %dma_wait3A_897 = arith.constant 0 : i32
        %dma_wait3A_898 = tpu.memref_slice %arg4[%add3A_64, %dma_wait3A_896, %dma_wait3A_897] : memref<4096x50x64xf32, #tpu.memory_space<hbm>> -> memref<1x50x64xf32, #tpu.memory_space<hbm>>
        %dma_wait3A_899 = tpu.memref_squeeze %dma_wait3A_898 : memref<1x50x64xf32, #tpu.memory_space<hbm>> -> memref<50x64xf32, #tpu.memory_space<hbm>>
        %dma_wait3A_900 = arith.constant 50 : i32
        %dma_wait3A_901 = arith.constant 0 : i32
        %dma_wait3A_902 = tpu.memref_slice %arg6[%dma_wait3A_900, %dma_wait3A_901] : memref<1600x64xf32, #tpu.memory_space<vmem>> -> memref<50x64xf32, #tpu.memory_space<vmem>>
        tpu.wait_dma2 semaphore(%run_scoped3A : memref<!tpu.dma_semaphore, #tpu.memory_space<semaphore_mem>>) src(%dma_wait3A_902 : memref<50x64xf32, #tpu.memory_space<vmem>>) dst(%dma_wait3A_899 : memref<50x64xf32, #tpu.memory_space<hbm>>)
        tpu.yield
      }) : () -> ()
      %jit3A_65 = arith.constant 50 : i32
      %div3A_66 = arith.divsi %add3A_13, %jit3A_65 : i32
      %sign3A_67 = arith.constant 0 : i32
      %sign3A_68 = arith.cmpi sgt, %add3A_13, %sign3A_67 : i32
      %sign3A_69 = arith.extui %sign3A_68 : i1 to i32
      %sign3A_70 = arith.constant 0 : i32
      %sign3A_71 = arith.cmpi slt, %add3A_13, %sign3A_70 : i32
      %sign3A_72 = arith.extui %sign3A_71 : i1 to i32
      %sign3A_73 = arith.subi %sign3A_69, %sign3A_72 : i32
      %sign3A_74 = arith.constant 0 : i32
      %sign3A_75 = arith.cmpi sgt, %jit3A_65, %sign3A_74 : i32
      %sign3A_76 = arith.extui %sign3A_75 : i1 to i32
      %sign3A_77 = arith.constant 0 : i32
      %sign3A_78 = arith.cmpi slt, %jit3A_65, %sign3A_77 : i32
      %sign3A_79 = arith.extui %sign3A_78 : i1 to i32
      %sign3A_80 = arith.subi %sign3A_76, %sign3A_79 : i32
      %ne3A_81 = arith.cmpi ne, %sign3A_73, %sign3A_80 : i32
      %rem3A_82 = arith.remsi %add3A_13, %jit3A_65 : i32
      %ne3A_83 = arith.constant 0 : i32
      %ne3A_84 = arith.cmpi ne, %rem3A_82, %ne3A_83 : i32
      %and3A_85 = arith.andi %ne3A_81, %ne3A_84 : i1
      %sub3A_86 = arith.constant 1 : i32
      %sub3A_87 = arith.subi %div3A_66, %sub3A_86 : i32
      %select_n3A_88 = arith.select %and3A_85, %sub3A_87, %div3A_66 : i32
      %add3A_89 = arith.addi %mul3A_4, %select_n3A_88 : i32
      %add3A_90 = arith.constant 2 : i32
      %add3A_91 = arith.addi %add3A_89, %add3A_90 : i32
      "tpu.region"() ({
        %run_scoped3A = tpu.sem_alloc : memref<!tpu.dma_semaphore, #tpu.memory_space<semaphore_mem>>
        %dma_start3A_875 = arith.constant 100 : i32
        %dma_start3A_876 = arith.constant 0 : i32
        %dma_start3A_877 = tpu.memref_slice %arg6[%dma_start3A_875, %dma_start3A_876] : memref<1600x64xf32, #tpu.memory_space<vmem>> -> memref<50x64xf32, #tpu.memory_space<vmem>>
        %dma_start3A_878 = arith.constant 0 : i32
        %dma_start3A_879 = arith.constant 0 : i32
        %dma_start3A_880 = tpu.memref_slice %arg4[%add3A_91, %dma_start3A_878, %dma_start3A_879] : memref<4096x50x64xf32, #tpu.memory_space<hbm>> -> memref<1x50x64xf32, #tpu.memory_space<hbm>>
        %dma_start3A_881 = tpu.memref_squeeze %dma_start3A_880 : memref<1x50x64xf32, #tpu.memory_space<hbm>> -> memref<50x64xf32, #tpu.memory_space<hbm>>
        %dma_start3A_882 = arith.constant 0 : i32
        %dma_start3A_883 = arith.constant 0 : i32
        %dma_start3A_884 = tpu.memref_slice %arg4[%add3A_91, %dma_start3A_882, %dma_start3A_883] : memref<4096x50x64xf32, #tpu.memory_space<hbm>> -> memref<1x50x64xf32, #tpu.memory_space<hbm>>
        %dma_start3A_885 = tpu.memref_squeeze %dma_start3A_884 : memref<1x50x64xf32, #tpu.memory_space<hbm>> -> memref<50x64xf32, #tpu.memory_space<hbm>>
        %dma_start3A_886 = arith.constant 100 : i32
        %dma_start3A_887 = arith.constant 0 : i32
        %dma_start3A_888 = tpu.memref_slice %arg6[%dma_start3A_886, %dma_start3A_887] : memref<1600x64xf32, #tpu.memory_space<vmem>> -> memref<50x64xf32, #tpu.memory_space<vmem>>
        tpu.enqueue_dma source(%dma_start3A_888 : memref<50x64xf32, #tpu.memory_space<vmem>>) target(%dma_start3A_885 : memref<50x64xf32, #tpu.memory_space<hbm>>) target_semaphore(%run_scoped3A : memref<!tpu.dma_semaphore, #tpu.memory_space<semaphore_mem>>)
        %dma_wait3A_889 = arith.constant 100 : i32
        %dma_wait3A_890 = arith.constant 0 : i32
        %dma_wait3A_891 = tpu.memref_slice %arg6[%dma_wait3A_889, %dma_wait3A_890] : memref<1600x64xf32, #tpu.memory_space<vmem>> -> memref<50x64xf32, #tpu.memory_space<vmem>>
        %dma_wait3A_892 = arith.constant 0 : i32
        %dma_wait3A_893 = arith.constant 0 : i32
        %dma_wait3A_894 = tpu.memref_slice %arg4[%add3A_91, %dma_wait3A_892, %dma_wait3A_893] : memref<4096x50x64xf32, #tpu.memory_space<hbm>> -> memref<1x50x64xf32, #tpu.memory_space<hbm>>
        %dma_wait3A_895 = tpu.memref_squeeze %dma_wait3A_894 : memref<1x50x64xf32, #tpu.memory_space<hbm>> -> memref<50x64xf32, #tpu.memory_space<hbm>>
        %dma_wait3A_896 = arith.constant 0 : i32
        %dma_wait3A_897 = arith.constant 0 : i32
        %dma_wait3A_898 = tpu.memref_slice %arg4[%add3A_91, %dma_wait3A_896, %dma_wait3A_897] : memref<4096x50x64xf32, #tpu.memory_space<hbm>> -> memref<1x50x64xf32, #tpu.memory_space<hbm>>
        %dma_wait3A_899 = tpu.memref_squeeze %dma_wait3A_898 : memref<1x50x64xf32, #tpu.memory_space<hbm>> -> memref<50x64xf32, #tpu.memory_space<hbm>>
        %dma_wait3A_900 = arith.constant 100 : i32
        %dma_wait3A_901 = arith.constant 0 : i32
        %dma_wait3A_902 = tpu.memref_slice %arg6[%dma_wait3A_900, %dma_wait3A_901] : memref<1600x64xf32, #tpu.memory_space<vmem>> -> memref<50x64xf32, #tpu.memory_space<vmem>>
        tpu.wait_dma2 semaphore(%run_scoped3A : memref<!tpu.dma_semaphore, #tpu.memory_space<semaphore_mem>>) src(%dma_wait3A_902 : memref<50x64xf32, #tpu.memory_space<vmem>>) dst(%dma_wait3A_899 : memref<50x64xf32, #tpu.memory_space<hbm>>)
        tpu.yield
      }) : () -> ()
      %jit3A_92 = arith.constant 50 : i32
      %div3A_93 = arith.divsi %add3A_13, %jit3A_92 : i32
      %sign3A_94 = arith.constant 0 : i32
      %sign3A_95 = arith.cmpi sgt, %add3A_13, %sign3A_94 : i32
      %sign3A_96 = arith.extui %sign3A_95 : i1 to i32
      %sign3A_97 = arith.constant 0 : i32
      %sign3A_98 = arith.cmpi slt, %add3A_13, %sign3A_97 : i32
      %sign3A_99 = arith.extui %sign3A_98 : i1 to i32
      %sign3A_100 = arith.subi %sign3A_96, %sign3A_99 : i32
      %sign3A_101 = arith.constant 0 : i32
      %sign3A_102 = arith.cmpi sgt, %jit3A_92, %sign3A_101 : i32
      %sign3A_103 = arith.extui %sign3A_102 : i1 to i32
      %sign3A_104 = arith.constant 0 : i32
      %sign3A_105 = arith.cmpi slt, %jit3A_92, %sign3A_104 : i32
      %sign3A_106 = arith.extui %sign3A_105 : i1 to i32
      %sign3A_107 = arith.subi %sign3A_103, %sign3A_106 : i32
      %ne3A_108 = arith.cmpi ne, %sign3A_100, %sign3A_107 : i32
      %rem3A_109 = arith.remsi %add3A_13, %jit3A_92 : i32
      %ne3A_110 = arith.constant 0 : i32
      %ne3A_111 = arith.cmpi ne, %rem3A_109, %ne3A_110 : i32
      %and3A_112 = arith.andi %ne3A_108, %ne3A_111 : i1
      %sub3A_113 = arith.constant 1 : i32
      %sub3A_114 = arith.subi %div3A_93, %sub3A_113 : i32
      %select_n3A_115 = arith.select %and3A_112, %sub3A_114, %div3A_93 : i32
      %add3A_116 = arith.addi %mul3A_4, %select_n3A_115 : i32
      %add3A_117 = arith.constant 3 : i32
      %add3A_118 = arith.addi %add3A_116, %add3A_117 : i32
      "tpu.region"() ({
        %run_scoped3A = tpu.sem_alloc : memref<!tpu.dma_semaphore, #tpu.memory_space<semaphore_mem>>
        %dma_start3A_875 = arith.constant 150 : i32
        %dma_start3A_876 = arith.constant 0 : i32
        %dma_start3A_877 = tpu.memref_slice %arg6[%dma_start3A_875, %dma_start3A_876] : memref<1600x64xf32, #tpu.memory_space<vmem>> -> memref<50x64xf32, #tpu.memory_space<vmem>>
        %dma_start3A_878 = arith.constant 0 : i32
        %dma_start3A_879 = arith.constant 0 : i32
        %dma_start3A_880 = tpu.memref_slice %arg4[%add3A_118, %dma_start3A_878, %dma_start3A_879] : memref<4096x50x64xf32, #tpu.memory_space<hbm>> -> memref<1x50x64xf32, #tpu.memory_space<hbm>>
        %dma_start3A_881 = tpu.memref_squeeze %dma_start3A_880 : memref<1x50x64xf32, #tpu.memory_space<hbm>> -> memref<50x64xf32, #tpu.memory_space<hbm>>
        %dma_start3A_882 = arith.constant 0 : i32
        %dma_start3A_883 = arith.constant 0 : i32
        %dma_start3A_884 = tpu.memref_slice %arg4[%add3A_118, %dma_start3A_882, %dma_start3A_883] : memref<4096x50x64xf32, #tpu.memory_space<hbm>> -> memref<1x50x64xf32, #tpu.memory_space<hbm>>
        %dma_start3A_885 = tpu.memref_squeeze %dma_start3A_884 : memref<1x50x64xf32, #tpu.memory_space<hbm>> -> memref<50x64xf32, #tpu.memory_space<hbm>>
        %dma_start3A_886 = arith.constant 150 : i32
        %dma_start3A_887 = arith.constant 0 : i32
        %dma_start3A_888 = tpu.memref_slice %arg6[%dma_start3A_886, %dma_start3A_887] : memref<1600x64xf32, #tpu.memory_space<vmem>> -> memref<50x64xf32, #tpu.memory_space<vmem>>
        tpu.enqueue_dma source(%dma_start3A_888 : memref<50x64xf32, #tpu.memory_space<vmem>>) target(%dma_start3A_885 : memref<50x64xf32, #tpu.memory_space<hbm>>) target_semaphore(%run_scoped3A : memref<!tpu.dma_semaphore, #tpu.memory_space<semaphore_mem>>)
        %dma_wait3A_889 = arith.constant 150 : i32
        %dma_wait3A_890 = arith.constant 0 : i32
        %dma_wait3A_891 = tpu.memref_slice %arg6[%dma_wait3A_889, %dma_wait3A_890] : memref<1600x64xf32, #tpu.memory_space<vmem>> -> memref<50x64xf32, #tpu.memory_space<vmem>>
        %dma_wait3A_892 = arith.constant 0 : i32
        %dma_wait3A_893 = arith.constant 0 : i32
        %dma_wait3A_894 = tpu.memref_slice %arg4[%add3A_118, %dma_wait3A_892, %dma_wait3A_893] : memref<4096x50x64xf32, #tpu.memory_space<hbm>> -> memref<1x50x64xf32, #tpu.memory_space<hbm>>
        %dma_wait3A_895 = tpu.memref_squeeze %dma_wait3A_894 : memref<1x50x64xf32, #tpu.memory_space<hbm>> -> memref<50x64xf32, #tpu.memory_space<hbm>>
        %dma_wait3A_896 = arith.constant 0 : i32
        %dma_wait3A_897 = arith.constant 0 : i32
        %dma_wait3A_898 = tpu.memref_slice %arg4[%add3A_118, %dma_wait3A_896, %dma_wait3A_897] : memref<4096x50x64xf32, #tpu.memory_space<hbm>> -> memref<1x50x64xf32, #tpu.memory_space<hbm>>
        %dma_wait3A_899 = tpu.memref_squeeze %dma_wait3A_898 : memref<1x50x64xf32, #tpu.memory_space<hbm>> -> memref<50x64xf32, #tpu.memory_space<hbm>>
        %dma_wait3A_900 = arith.constant 150 : i32
        %dma_wait3A_901 = arith.constant 0 : i32
        %dma_wait3A_902 = tpu.memref_slice %arg6[%dma_wait3A_900, %dma_wait3A_901] : memref<1600x64xf32, #tpu.memory_space<vmem>> -> memref<50x64xf32, #tpu.memory_space<vmem>>
        tpu.wait_dma2 semaphore(%run_scoped3A : memref<!tpu.dma_semaphore, #tpu.memory_space<semaphore_mem>>) src(%dma_wait3A_902 : memref<50x64xf32, #tpu.memory_space<vmem>>) dst(%dma_wait3A_899 : memref<50x64xf32, #tpu.memory_space<hbm>>)
        tpu.yield
      }) : () -> ()
      %jit3A_119 = arith.constant 50 : i32
      %div3A_120 = arith.divsi %add3A_13, %jit3A_119 : i32
      %sign3A_121 = arith.constant 0 : i32
      %sign3A_122 = arith.cmpi sgt, %add3A_13, %sign3A_121 : i32
      %sign3A_123 = arith.extui %sign3A_122 : i1 to i32
      %sign3A_124 = arith.constant 0 : i32
      %sign3A_125 = arith.cmpi slt, %add3A_13, %sign3A_124 : i32
      %sign3A_126 = arith.extui %sign3A_125 : i1 to i32
      %sign3A_127 = arith.subi %sign3A_123, %sign3A_126 : i32
      %sign3A_128 = arith.constant 0 : i32
      %sign3A_129 = arith.cmpi sgt, %jit3A_119, %sign3A_128 : i32
      %sign3A_130 = arith.extui %sign3A_129 : i1 to i32
      %sign3A_131 = arith.constant 0 : i32
      %sign3A_132 = arith.cmpi slt, %jit3A_119, %sign3A_131 : i32
      %sign3A_133 = arith.extui %sign3A_132 : i1 to i32
      %sign3A_134 = arith.subi %sign3A_130, %sign3A_133 : i32
      %ne3A_135 = arith.cmpi ne, %sign3A_127, %sign3A_134 : i32
      %rem3A_136 = arith.remsi %add3A_13, %jit3A_119 : i32
      %ne3A_137 = arith.constant 0 : i32
      %ne3A_138 = arith.cmpi ne, %rem3A_136, %ne3A_137 : i32
      %and3A_139 = arith.andi %ne3A_135, %ne3A_138 : i1
      %sub3A_140 = arith.constant 1 : i32
      %sub3A_141 = arith.subi %div3A_120, %sub3A_140 : i32
      %select_n3A_142 = arith.select %and3A_139, %sub3A_141, %div3A_120 : i32
      %add3A_143 = arith.addi %mul3A_4, %select_n3A_142 : i32
      %add3A_144 = arith.constant 4 : i32
      %add3A_145 = arith.addi %add3A_143, %add3A_144 : i32
      "tpu.region"() ({
        %run_scoped3A = tpu.sem_alloc : memref<!tpu.dma_semaphore, #tpu.memory_space<semaphore_mem>>
        %dma_start3A_875 = arith.constant 200 : i32
        %dma_start3A_876 = arith.constant 0 : i32
        %dma_start3A_877 = tpu.memref_slice %arg6[%dma_start3A_875, %dma_start3A_876] : memref<1600x64xf32, #tpu.memory_space<vmem>> -> memref<50x64xf32, #tpu.memory_space<vmem>>
        %dma_start3A_878 = arith.constant 0 : i32
        %dma_start3A_879 = arith.constant 0 : i32
        %dma_start3A_880 = tpu.memref_slice %arg4[%add3A_145, %dma_start3A_878, %dma_start3A_879] : memref<4096x50x64xf32, #tpu.memory_space<hbm>> -> memref<1x50x64xf32, #tpu.memory_space<hbm>>
        %dma_start3A_881 = tpu.memref_squeeze %dma_start3A_880 : memref<1x50x64xf32, #tpu.memory_space<hbm>> -> memref<50x64xf32, #tpu.memory_space<hbm>>
        %dma_start3A_882 = arith.constant 0 : i32
        %dma_start3A_883 = arith.constant 0 : i32
        %dma_start3A_884 = tpu.memref_slice %arg4[%add3A_145, %dma_start3A_882, %dma_start3A_883] : memref<4096x50x64xf32, #tpu.memory_space<hbm>> -> memref<1x50x64xf32, #tpu.memory_space<hbm>>
        %dma_start3A_885 = tpu.memref_squeeze %dma_start3A_884 : memref<1x50x64xf32, #tpu.memory_space<hbm>> -> memref<50x64xf32, #tpu.memory_space<hbm>>
        %dma_start3A_886 = arith.constant 200 : i32
        %dma_start3A_887 = arith.constant 0 : i32
        %dma_start3A_888 = tpu.memref_slice %arg6[%dma_start3A_886, %dma_start3A_887] : memref<1600x64xf32, #tpu.memory_space<vmem>> -> memref<50x64xf32, #tpu.memory_space<vmem>>
        tpu.enqueue_dma source(%dma_start3A_888 : memref<50x64xf32, #tpu.memory_space<vmem>>) target(%dma_start3A_885 : memref<50x64xf32, #tpu.memory_space<hbm>>) target_semaphore(%run_scoped3A : memref<!tpu.dma_semaphore, #tpu.memory_space<semaphore_mem>>)
        %dma_wait3A_889 = arith.constant 200 : i32
        %dma_wait3A_890 = arith.constant 0 : i32
        %dma_wait3A_891 = tpu.memref_slice %arg6[%dma_wait3A_889, %dma_wait3A_890] : memref<1600x64xf32, #tpu.memory_space<vmem>> -> memref<50x64xf32, #tpu.memory_space<vmem>>
        %dma_wait3A_892 = arith.constant 0 : i32
        %dma_wait3A_893 = arith.constant 0 : i32
        %dma_wait3A_894 = tpu.memref_slice %arg4[%add3A_145, %dma_wait3A_892, %dma_wait3A_893] : memref<4096x50x64xf32, #tpu.memory_space<hbm>> -> memref<1x50x64xf32, #tpu.memory_space<hbm>>
        %dma_wait3A_895 = tpu.memref_squeeze %dma_wait3A_894 : memref<1x50x64xf32, #tpu.memory_space<hbm>> -> memref<50x64xf32, #tpu.memory_space<hbm>>
        %dma_wait3A_896 = arith.constant 0 : i32
        %dma_wait3A_897 = arith.constant 0 : i32
        %dma_wait3A_898 = tpu.memref_slice %arg4[%add3A_145, %dma_wait3A_896, %dma_wait3A_897] : memref<4096x50x64xf32, #tpu.memory_space<hbm>> -> memref<1x50x64xf32, #tpu.memory_space<hbm>>
        %dma_wait3A_899 = tpu.memref_squeeze %dma_wait3A_898 : memref<1x50x64xf32, #tpu.memory_space<hbm>> -> memref<50x64xf32, #tpu.memory_space<hbm>>
        %dma_wait3A_900 = arith.constant 200 : i32
        %dma_wait3A_901 = arith.constant 0 : i32
        %dma_wait3A_902 = tpu.memref_slice %arg6[%dma_wait3A_900, %dma_wait3A_901] : memref<1600x64xf32, #tpu.memory_space<vmem>> -> memref<50x64xf32, #tpu.memory_space<vmem>>
        tpu.wait_dma2 semaphore(%run_scoped3A : memref<!tpu.dma_semaphore, #tpu.memory_space<semaphore_mem>>) src(%dma_wait3A_902 : memref<50x64xf32, #tpu.memory_space<vmem>>) dst(%dma_wait3A_899 : memref<50x64xf32, #tpu.memory_space<hbm>>)
        tpu.yield
      }) : () -> ()
      %jit3A_146 = arith.constant 50 : i32
      %div3A_147 = arith.divsi %add3A_13, %jit3A_146 : i32
      %sign3A_148 = arith.constant 0 : i32
      %sign3A_149 = arith.cmpi sgt, %add3A_13, %sign3A_148 : i32
      %sign3A_150 = arith.extui %sign3A_149 : i1 to i32
      %sign3A_151 = arith.constant 0 : i32
      %sign3A_152 = arith.cmpi slt, %add3A_13, %sign3A_151 : i32
      %sign3A_153 = arith.extui %sign3A_152 : i1 to i32
      %sign3A_154 = arith.subi %sign3A_150, %sign3A_153 : i32
      %sign3A_155 = arith.constant 0 : i32
      %sign3A_156 = arith.cmpi sgt, %jit3A_146, %sign3A_155 : i32
      %sign3A_157 = arith.extui %sign3A_156 : i1 to i32
      %sign3A_158 = arith.constant 0 : i32
      %sign3A_159 = arith.cmpi slt, %jit3A_146, %sign3A_158 : i32
      %sign3A_160 = arith.extui %sign3A_159 : i1 to i32
      %sign3A_161 = arith.subi %sign3A_157, %sign3A_160 : i32
      %ne3A_162 = arith.cmpi ne, %sign3A_154, %sign3A_161 : i32
      %rem3A_163 = arith.remsi %add3A_13, %jit3A_146 : i32
      %ne3A_164 = arith.constant 0 : i32
      %ne3A_165 = arith.cmpi ne, %rem3A_163, %ne3A_164 : i32
      %and3A_166 = arith.andi %ne3A_162, %ne3A_165 : i1
      %sub3A_167 = arith.constant 1 : i32
      %sub3A_168 = arith.subi %div3A_147, %sub3A_167 : i32
      %select_n3A_169 = arith.select %and3A_166, %sub3A_168, %div3A_147 : i32
      %add3A_170 = arith.addi %mul3A_4, %select_n3A_169 : i32
      %add3A_171 = arith.constant 5 : i32
      %add3A_172 = arith.addi %add3A_170, %add3A_171 : i32
      "tpu.region"() ({
        %run_scoped3A = tpu.sem_alloc : memref<!tpu.dma_semaphore, #tpu.memory_space<semaphore_mem>>
        %dma_start3A_875 = arith.constant 250 : i32
        %dma_start3A_876 = arith.constant 0 : i32
        %dma_start3A_877 = tpu.memref_slice %arg6[%dma_start3A_875, %dma_start3A_876] : memref<1600x64xf32, #tpu.memory_space<vmem>> -> memref<50x64xf32, #tpu.memory_space<vmem>>
        %dma_start3A_878 = arith.constant 0 : i32
        %dma_start3A_879 = arith.constant 0 : i32
        %dma_start3A_880 = tpu.memref_slice %arg4[%add3A_172, %dma_start3A_878, %dma_start3A_879] : memref<4096x50x64xf32, #tpu.memory_space<hbm>> -> memref<1x50x64xf32, #tpu.memory_space<hbm>>
        %dma_start3A_881 = tpu.memref_squeeze %dma_start3A_880 : memref<1x50x64xf32, #tpu.memory_space<hbm>> -> memref<50x64xf32, #tpu.memory_space<hbm>>
        %dma_start3A_882 = arith.constant 0 : i32
        %dma_start3A_883 = arith.constant 0 : i32
        %dma_start3A_884 = tpu.memref_slice %arg4[%add3A_172, %dma_start3A_882, %dma_start3A_883] : memref<4096x50x64xf32, #tpu.memory_space<hbm>> -> memref<1x50x64xf32, #tpu.memory_space<hbm>>
        %dma_start3A_885 = tpu.memref_squeeze %dma_start3A_884 : memref<1x50x64xf32, #tpu.memory_space<hbm>> -> memref<50x64xf32, #tpu.memory_space<hbm>>
        %dma_start3A_886 = arith.constant 250 : i32
        %dma_start3A_887 = arith.constant 0 : i32
        %dma_start3A_888 = tpu.memref_slice %arg6[%dma_start3A_886, %dma_start3A_887] : memref<1600x64xf32, #tpu.memory_space<vmem>> -> memref<50x64xf32, #tpu.memory_space<vmem>>
        tpu.enqueue_dma source(%dma_start3A_888 : memref<50x64xf32, #tpu.memory_space<vmem>>) target(%dma_start3A_885 : memref<50x64xf32, #tpu.memory_space<hbm>>) target_semaphore(%run_scoped3A : memref<!tpu.dma_semaphore, #tpu.memory_space<semaphore_mem>>)
        %dma_wait3A_889 = arith.constant 250 : i32
        %dma_wait3A_890 = arith.constant 0 : i32
        %dma_wait3A_891 = tpu.memref_slice %arg6[%dma_wait3A_889, %dma_wait3A_890] : memref<1600x64xf32, #tpu.memory_space<vmem>> -> memref<50x64xf32, #tpu.memory_space<vmem>>
        %dma_wait3A_892 = arith.constant 0 : i32
        %dma_wait3A_893 = arith.constant 0 : i32
        %dma_wait3A_894 = tpu.memref_slice %arg4[%add3A_172, %dma_wait3A_892, %dma_wait3A_893] : memref<4096x50x64xf32, #tpu.memory_space<hbm>> -> memref<1x50x64xf32, #tpu.memory_space<hbm>>
        %dma_wait3A_895 = tpu.memref_squeeze %dma_wait3A_894 : memref<1x50x64xf32, #tpu.memory_space<hbm>> -> memref<50x64xf32, #tpu.memory_space<hbm>>
        %dma_wait3A_896 = arith.constant 0 : i32
        %dma_wait3A_897 = arith.constant 0 : i32
        %dma_wait3A_898 = tpu.memref_slice %arg4[%add3A_172, %dma_wait3A_896, %dma_wait3A_897] : memref<4096x50x64xf32, #tpu.memory_space<hbm>> -> memref<1x50x64xf32, #tpu.memory_space<hbm>>
        %dma_wait3A_899 = tpu.memref_squeeze %dma_wait3A_898 : memref<1x50x64xf32, #tpu.memory_space<hbm>> -> memref<50x64xf32, #tpu.memory_space<hbm>>
        %dma_wait3A_900 = arith.constant 250 : i32
        %dma_wait3A_901 = arith.constant 0 : i32
        %dma_wait3A_902 = tpu.memref_slice %arg6[%dma_wait3A_900, %dma_wait3A_901] : memref<1600x64xf32, #tpu.memory_space<vmem>> -> memref<50x64xf32, #tpu.memory_space<vmem>>
        tpu.wait_dma2 semaphore(%run_scoped3A : memref<!tpu.dma_semaphore, #tpu.memory_space<semaphore_mem>>) src(%dma_wait3A_902 : memref<50x64xf32, #tpu.memory_space<vmem>>) dst(%dma_wait3A_899 : memref<50x64xf32, #tpu.memory_space<hbm>>)
        tpu.yield
      }) : () -> ()
      %jit3A_173 = arith.constant 50 : i32
      %div3A_174 = arith.divsi %add3A_13, %jit3A_173 : i32
      %sign3A_175 = arith.constant 0 : i32
      %sign3A_176 = arith.cmpi sgt, %add3A_13, %sign3A_175 : i32
      %sign3A_177 = arith.extui %sign3A_176 : i1 to i32
      %sign3A_178 = arith.constant 0 : i32
      %sign3A_179 = arith.cmpi slt, %add3A_13, %sign3A_178 : i32
      %sign3A_180 = arith.extui %sign3A_179 : i1 to i32
      %sign3A_181 = arith.subi %sign3A_177, %sign3A_180 : i32
      %sign3A_182 = arith.constant 0 : i32
      %sign3A_183 = arith.cmpi sgt, %jit3A_173, %sign3A_182 : i32
      %sign3A_184 = arith.extui %sign3A_183 : i1 to i32
      %sign3A_185 = arith.constant 0 : i32
      %sign3A_186 = arith.cmpi slt, %jit3A_173, %sign3A_185 : i32
      %sign3A_187 = arith.extui %sign3A_186 : i1 to i32
      %sign3A_188 = arith.subi %sign3A_184, %sign3A_187 : i32
      %ne3A_189 = arith.cmpi ne, %sign3A_181, %sign3A_188 : i32
      %rem3A_190 = arith.remsi %add3A_13, %jit3A_173 : i32
      %ne3A_191 = arith.constant 0 : i32
      %ne3A_192 = arith.cmpi ne, %rem3A_190, %ne3A_191 : i32
      %and3A_193 = arith.andi %ne3A_189, %ne3A_192 : i1
      %sub3A_194 = arith.constant 1 : i32
      %sub3A_195 = arith.subi %div3A_174, %sub3A_194 : i32
      %select_n3A_196 = arith.select %and3A_193, %sub3A_195, %div3A_174 : i32
      %add3A_197 = arith.addi %mul3A_4, %select_n3A_196 : i32
      %add3A_198 = arith.constant 6 : i32
      %add3A_199 = arith.addi %add3A_197, %add3A_198 : i32
      "tpu.region"() ({
        %run_scoped3A = tpu.sem_alloc : memref<!tpu.dma_semaphore, #tpu.memory_space<semaphore_mem>>
        %dma_start3A_875 = arith.constant 300 : i32
        %dma_start3A_876 = arith.constant 0 : i32
        %dma_start3A_877 = tpu.memref_slice %arg6[%dma_start3A_875, %dma_start3A_876] : memref<1600x64xf32, #tpu.memory_space<vmem>> -> memref<50x64xf32, #tpu.memory_space<vmem>>
        %dma_start3A_878 = arith.constant 0 : i32
        %dma_start3A_879 = arith.constant 0 : i32
        %dma_start3A_880 = tpu.memref_slice %arg4[%add3A_199, %dma_start3A_878, %dma_start3A_879] : memref<4096x50x64xf32, #tpu.memory_space<hbm>> -> memref<1x50x64xf32, #tpu.memory_space<hbm>>
        %dma_start3A_881 = tpu.memref_squeeze %dma_start3A_880 : memref<1x50x64xf32, #tpu.memory_space<hbm>> -> memref<50x64xf32, #tpu.memory_space<hbm>>
        %dma_start3A_882 = arith.constant 0 : i32
        %dma_start3A_883 = arith.constant 0 : i32
        %dma_start3A_884 = tpu.memref_slice %arg4[%add3A_199, %dma_start3A_882, %dma_start3A_883] : memref<4096x50x64xf32, #tpu.memory_space<hbm>> -> memref<1x50x64xf32, #tpu.memory_space<hbm>>
        %dma_start3A_885 = tpu.memref_squeeze %dma_start3A_884 : memref<1x50x64xf32, #tpu.memory_space<hbm>> -> memref<50x64xf32, #tpu.memory_space<hbm>>
        %dma_start3A_886 = arith.constant 300 : i32
        %dma_start3A_887 = arith.constant 0 : i32
        %dma_start3A_888 = tpu.memref_slice %arg6[%dma_start3A_886, %dma_start3A_887] : memref<1600x64xf32, #tpu.memory_space<vmem>> -> memref<50x64xf32, #tpu.memory_space<vmem>>
        tpu.enqueue_dma source(%dma_start3A_888 : memref<50x64xf32, #tpu.memory_space<vmem>>) target(%dma_start3A_885 : memref<50x64xf32, #tpu.memory_space<hbm>>) target_semaphore(%run_scoped3A : memref<!tpu.dma_semaphore, #tpu.memory_space<semaphore_mem>>)
        %dma_wait3A_889 = arith.constant 300 : i32
        %dma_wait3A_890 = arith.constant 0 : i32
        %dma_wait3A_891 = tpu.memref_slice %arg6[%dma_wait3A_889, %dma_wait3A_890] : memref<1600x64xf32, #tpu.memory_space<vmem>> -> memref<50x64xf32, #tpu.memory_space<vmem>>
        %dma_wait3A_892 = arith.constant 0 : i32
        %dma_wait3A_893 = arith.constant 0 : i32
        %dma_wait3A_894 = tpu.memref_slice %arg4[%add3A_199, %dma_wait3A_892, %dma_wait3A_893] : memref<4096x50x64xf32, #tpu.memory_space<hbm>> -> memref<1x50x64xf32, #tpu.memory_space<hbm>>
        %dma_wait3A_895 = tpu.memref_squeeze %dma_wait3A_894 : memref<1x50x64xf32, #tpu.memory_space<hbm>> -> memref<50x64xf32, #tpu.memory_space<hbm>>
        %dma_wait3A_896 = arith.constant 0 : i32
        %dma_wait3A_897 = arith.constant 0 : i32
        %dma_wait3A_898 = tpu.memref_slice %arg4[%add3A_199, %dma_wait3A_896, %dma_wait3A_897] : memref<4096x50x64xf32, #tpu.memory_space<hbm>> -> memref<1x50x64xf32, #tpu.memory_space<hbm>>
        %dma_wait3A_899 = tpu.memref_squeeze %dma_wait3A_898 : memref<1x50x64xf32, #tpu.memory_space<hbm>> -> memref<50x64xf32, #tpu.memory_space<hbm>>
        %dma_wait3A_900 = arith.constant 300 : i32
        %dma_wait3A_901 = arith.constant 0 : i32
        %dma_wait3A_902 = tpu.memref_slice %arg6[%dma_wait3A_900, %dma_wait3A_901] : memref<1600x64xf32, #tpu.memory_space<vmem>> -> memref<50x64xf32, #tpu.memory_space<vmem>>
        tpu.wait_dma2 semaphore(%run_scoped3A : memref<!tpu.dma_semaphore, #tpu.memory_space<semaphore_mem>>) src(%dma_wait3A_902 : memref<50x64xf32, #tpu.memory_space<vmem>>) dst(%dma_wait3A_899 : memref<50x64xf32, #tpu.memory_space<hbm>>)
        tpu.yield
      }) : () -> ()
      %jit3A_200 = arith.constant 50 : i32
      %div3A_201 = arith.divsi %add3A_13, %jit3A_200 : i32
      %sign3A_202 = arith.constant 0 : i32
      %sign3A_203 = arith.cmpi sgt, %add3A_13, %sign3A_202 : i32
      %sign3A_204 = arith.extui %sign3A_203 : i1 to i32
      %sign3A_205 = arith.constant 0 : i32
      %sign3A_206 = arith.cmpi slt, %add3A_13, %sign3A_205 : i32
      %sign3A_207 = arith.extui %sign3A_206 : i1 to i32
      %sign3A_208 = arith.subi %sign3A_204, %sign3A_207 : i32
      %sign3A_209 = arith.constant 0 : i32
      %sign3A_210 = arith.cmpi sgt, %jit3A_200, %sign3A_209 : i32
      %sign3A_211 = arith.extui %sign3A_210 : i1 to i32
      %sign3A_212 = arith.constant 0 : i32
      %sign3A_213 = arith.cmpi slt, %jit3A_200, %sign3A_212 : i32
      %sign3A_214 = arith.extui %sign3A_213 : i1 to i32
      %sign3A_215 = arith.subi %sign3A_211, %sign3A_214 : i32
      %ne3A_216 = arith.cmpi ne, %sign3A_208, %sign3A_215 : i32
      %rem3A_217 = arith.remsi %add3A_13, %jit3A_200 : i32
      %ne3A_218 = arith.constant 0 : i32
      %ne3A_219 = arith.cmpi ne, %rem3A_217, %ne3A_218 : i32
      %and3A_220 = arith.andi %ne3A_216, %ne3A_219 : i1
      %sub3A_221 = arith.constant 1 : i32
      %sub3A_222 = arith.subi %div3A_201, %sub3A_221 : i32
      %select_n3A_223 = arith.select %and3A_220, %sub3A_222, %div3A_201 : i32
      %add3A_224 = arith.addi %mul3A_4, %select_n3A_223 : i32
      %add3A_225 = arith.constant 7 : i32
      %add3A_226 = arith.addi %add3A_224, %add3A_225 : i32
      "tpu.region"() ({
        %run_scoped3A = tpu.sem_alloc : memref<!tpu.dma_semaphore, #tpu.memory_space<semaphore_mem>>
        %dma_start3A_875 = arith.constant 350 : i32
        %dma_start3A_876 = arith.constant 0 : i32
        %dma_start3A_877 = tpu.memref_slice %arg6[%dma_start3A_875, %dma_start3A_876] : memref<1600x64xf32, #tpu.memory_space<vmem>> -> memref<50x64xf32, #tpu.memory_space<vmem>>
        %dma_start3A_878 = arith.constant 0 : i32
        %dma_start3A_879 = arith.constant 0 : i32
        %dma_start3A_880 = tpu.memref_slice %arg4[%add3A_226, %dma_start3A_878, %dma_start3A_879] : memref<4096x50x64xf32, #tpu.memory_space<hbm>> -> memref<1x50x64xf32, #tpu.memory_space<hbm>>
        %dma_start3A_881 = tpu.memref_squeeze %dma_start3A_880 : memref<1x50x64xf32, #tpu.memory_space<hbm>> -> memref<50x64xf32, #tpu.memory_space<hbm>>
        %dma_start3A_882 = arith.constant 0 : i32
        %dma_start3A_883 = arith.constant 0 : i32
        %dma_start3A_884 = tpu.memref_slice %arg4[%add3A_226, %dma_start3A_882, %dma_start3A_883] : memref<4096x50x64xf32, #tpu.memory_space<hbm>> -> memref<1x50x64xf32, #tpu.memory_space<hbm>>
        %dma_start3A_885 = tpu.memref_squeeze %dma_start3A_884 : memref<1x50x64xf32, #tpu.memory_space<hbm>> -> memref<50x64xf32, #tpu.memory_space<hbm>>
        %dma_start3A_886 = arith.constant 350 : i32
        %dma_start3A_887 = arith.constant 0 : i32
        %dma_start3A_888 = tpu.memref_slice %arg6[%dma_start3A_886, %dma_start3A_887] : memref<1600x64xf32, #tpu.memory_space<vmem>> -> memref<50x64xf32, #tpu.memory_space<vmem>>
        tpu.enqueue_dma source(%dma_start3A_888 : memref<50x64xf32, #tpu.memory_space<vmem>>) target(%dma_start3A_885 : memref<50x64xf32, #tpu.memory_space<hbm>>) target_semaphore(%run_scoped3A : memref<!tpu.dma_semaphore, #tpu.memory_space<semaphore_mem>>)
        %dma_wait3A_889 = arith.constant 350 : i32
        %dma_wait3A_890 = arith.constant 0 : i32
        %dma_wait3A_891 = tpu.memref_slice %arg6[%dma_wait3A_889, %dma_wait3A_890] : memref<1600x64xf32, #tpu.memory_space<vmem>> -> memref<50x64xf32, #tpu.memory_space<vmem>>
        %dma_wait3A_892 = arith.constant 0 : i32
        %dma_wait3A_893 = arith.constant 0 : i32
        %dma_wait3A_894 = tpu.memref_slice %arg4[%add3A_226, %dma_wait3A_892, %dma_wait3A_893] : memref<4096x50x64xf32, #tpu.memory_space<hbm>> -> memref<1x50x64xf32, #tpu.memory_space<hbm>>
        %dma_wait3A_895 = tpu.memref_squeeze %dma_wait3A_894 : memref<1x50x64xf32, #tpu.memory_space<hbm>> -> memref<50x64xf32, #tpu.memory_space<hbm>>
        %dma_wait3A_896 = arith.constant 0 : i32
        %dma_wait3A_897 = arith.constant 0 : i32
        %dma_wait3A_898 = tpu.memref_slice %arg4[%add3A_226, %dma_wait3A_896, %dma_wait3A_897] : memref<4096x50x64xf32, #tpu.memory_space<hbm>> -> memref<1x50x64xf32, #tpu.memory_space<hbm>>
        %dma_wait3A_899 = tpu.memref_squeeze %dma_wait3A_898 : memref<1x50x64xf32, #tpu.memory_space<hbm>> -> memref<50x64xf32, #tpu.memory_space<hbm>>
        %dma_wait3A_900 = arith.constant 350 : i32
        %dma_wait3A_901 = arith.constant 0 : i32
        %dma_wait3A_902 = tpu.memref_slice %arg6[%dma_wait3A_900, %dma_wait3A_901] : memref<1600x64xf32, #tpu.memory_space<vmem>> -> memref<50x64xf32, #tpu.memory_space<vmem>>
        tpu.wait_dma2 semaphore(%run_scoped3A : memref<!tpu.dma_semaphore, #tpu.memory_space<semaphore_mem>>) src(%dma_wait3A_902 : memref<50x64xf32, #tpu.memory_space<vmem>>) dst(%dma_wait3A_899 : memref<50x64xf32, #tpu.memory_space<hbm>>)
        tpu.yield
      }) : () -> ()
      %jit3A_227 = arith.constant 50 : i32
      %div3A_228 = arith.divsi %add3A_13, %jit3A_227 : i32
      %sign3A_229 = arith.constant 0 : i32
      %sign3A_230 = arith.cmpi sgt, %add3A_13, %sign3A_229 : i32
      %sign3A_231 = arith.extui %sign3A_230 : i1 to i32
      %sign3A_232 = arith.constant 0 : i32
      %sign3A_233 = arith.cmpi slt, %add3A_13, %sign3A_232 : i32
      %sign3A_234 = arith.extui %sign3A_233 : i1 to i32
      %sign3A_235 = arith.subi %sign3A_231, %sign3A_234 : i32
      %sign3A_236 = arith.constant 0 : i32
      %sign3A_237 = arith.cmpi sgt, %jit3A_227, %sign3A_236 : i32
      %sign3A_238 = arith.extui %sign3A_237 : i1 to i32
      %sign3A_239 = arith.constant 0 : i32
      %sign3A_240 = arith.cmpi slt, %jit3A_227, %sign3A_239 : i32
      %sign3A_241 = arith.extui %sign3A_240 : i1 to i32
      %sign3A_242 = arith.subi %sign3A_238, %sign3A_241 : i32
      %ne3A_243 = arith.cmpi ne, %sign3A_235, %sign3A_242 : i32
      %rem3A_244 = arith.remsi %add3A_13, %jit3A_227 : i32
      %ne3A_245 = arith.constant 0 : i32
      %ne3A_246 = arith.cmpi ne, %rem3A_244, %ne3A_245 : i32
      %and3A_247 = arith.andi %ne3A_243, %ne3A_246 : i1
      %sub3A_248 = arith.constant 1 : i32
      %sub3A_249 = arith.subi %div3A_228, %sub3A_248 : i32
      %select_n3A_250 = arith.select %and3A_247, %sub3A_249, %div3A_228 : i32
      %add3A_251 = arith.addi %mul3A_4, %select_n3A_250 : i32
      %add3A_252 = arith.constant 8 : i32
      %add3A_253 = arith.addi %add3A_251, %add3A_252 : i32
      "tpu.region"() ({
        %run_scoped3A = tpu.sem_alloc : memref<!tpu.dma_semaphore, #tpu.memory_space<semaphore_mem>>
        %dma_start3A_875 = arith.constant 400 : i32
        %dma_start3A_876 = arith.constant 0 : i32
        %dma_start3A_877 = tpu.memref_slice %arg6[%dma_start3A_875, %dma_start3A_876] : memref<1600x64xf32, #tpu.memory_space<vmem>> -> memref<50x64xf32, #tpu.memory_space<vmem>>
        %dma_start3A_878 = arith.constant 0 : i32
        %dma_start3A_879 = arith.constant 0 : i32
        %dma_start3A_880 = tpu.memref_slice %arg4[%add3A_253, %dma_start3A_878, %dma_start3A_879] : memref<4096x50x64xf32, #tpu.memory_space<hbm>> -> memref<1x50x64xf32, #tpu.memory_space<hbm>>
        %dma_start3A_881 = tpu.memref_squeeze %dma_start3A_880 : memref<1x50x64xf32, #tpu.memory_space<hbm>> -> memref<50x64xf32, #tpu.memory_space<hbm>>
        %dma_start3A_882 = arith.constant 0 : i32
        %dma_start3A_883 = arith.constant 0 : i32
        %dma_start3A_884 = tpu.memref_slice %arg4[%add3A_253, %dma_start3A_882, %dma_start3A_883] : memref<4096x50x64xf32, #tpu.memory_space<hbm>> -> memref<1x50x64xf32, #tpu.memory_space<hbm>>
        %dma_start3A_885 = tpu.memref_squeeze %dma_start3A_884 : memref<1x50x64xf32, #tpu.memory_space<hbm>> -> memref<50x64xf32, #tpu.memory_space<hbm>>
        %dma_start3A_886 = arith.constant 400 : i32
        %dma_start3A_887 = arith.constant 0 : i32
        %dma_start3A_888 = tpu.memref_slice %arg6[%dma_start3A_886, %dma_start3A_887] : memref<1600x64xf32, #tpu.memory_space<vmem>> -> memref<50x64xf32, #tpu.memory_space<vmem>>
        tpu.enqueue_dma source(%dma_start3A_888 : memref<50x64xf32, #tpu.memory_space<vmem>>) target(%dma_start3A_885 : memref<50x64xf32, #tpu.memory_space<hbm>>) target_semaphore(%run_scoped3A : memref<!tpu.dma_semaphore, #tpu.memory_space<semaphore_mem>>)
        %dma_wait3A_889 = arith.constant 400 : i32
        %dma_wait3A_890 = arith.constant 0 : i32
        %dma_wait3A_891 = tpu.memref_slice %arg6[%dma_wait3A_889, %dma_wait3A_890] : memref<1600x64xf32, #tpu.memory_space<vmem>> -> memref<50x64xf32, #tpu.memory_space<vmem>>
        %dma_wait3A_892 = arith.constant 0 : i32
        %dma_wait3A_893 = arith.constant 0 : i32
        %dma_wait3A_894 = tpu.memref_slice %arg4[%add3A_253, %dma_wait3A_892, %dma_wait3A_893] : memref<4096x50x64xf32, #tpu.memory_space<hbm>> -> memref<1x50x64xf32, #tpu.memory_space<hbm>>
        %dma_wait3A_895 = tpu.memref_squeeze %dma_wait3A_894 : memref<1x50x64xf32, #tpu.memory_space<hbm>> -> memref<50x64xf32, #tpu.memory_space<hbm>>
        %dma_wait3A_896 = arith.constant 0 : i32
        %dma_wait3A_897 = arith.constant 0 : i32
        %dma_wait3A_898 = tpu.memref_slice %arg4[%add3A_253, %dma_wait3A_896, %dma_wait3A_897] : memref<4096x50x64xf32, #tpu.memory_space<hbm>> -> memref<1x50x64xf32, #tpu.memory_space<hbm>>
        %dma_wait3A_899 = tpu.memref_squeeze %dma_wait3A_898 : memref<1x50x64xf32, #tpu.memory_space<hbm>> -> memref<50x64xf32, #tpu.memory_space<hbm>>
        %dma_wait3A_900 = arith.constant 400 : i32
        %dma_wait3A_901 = arith.constant 0 : i32
        %dma_wait3A_902 = tpu.memref_slice %arg6[%dma_wait3A_900, %dma_wait3A_901] : memref<1600x64xf32, #tpu.memory_space<vmem>> -> memref<50x64xf32, #tpu.memory_space<vmem>>
        tpu.wait_dma2 semaphore(%run_scoped3A : memref<!tpu.dma_semaphore, #tpu.memory_space<semaphore_mem>>) src(%dma_wait3A_902 : memref<50x64xf32, #tpu.memory_space<vmem>>) dst(%dma_wait3A_899 : memref<50x64xf32, #tpu.memory_space<hbm>>)
        tpu.yield
      }) : () -> ()
      %jit3A_254 = arith.constant 50 : i32
      %div3A_255 = arith.divsi %add3A_13, %jit3A_254 : i32
      %sign3A_256 = arith.constant 0 : i32
      %sign3A_257 = arith.cmpi sgt, %add3A_13, %sign3A_256 : i32
      %sign3A_258 = arith.extui %sign3A_257 : i1 to i32
      %sign3A_259 = arith.constant 0 : i32
      %sign3A_260 = arith.cmpi slt, %add3A_13, %sign3A_259 : i32
      %sign3A_261 = arith.extui %sign3A_260 : i1 to i32
      %sign3A_262 = arith.subi %sign3A_258, %sign3A_261 : i32
      %sign3A_263 = arith.constant 0 : i32
      %sign3A_264 = arith.cmpi sgt, %jit3A_254, %sign3A_263 : i32
      %sign3A_265 = arith.extui %sign3A_264 : i1 to i32
      %sign3A_266 = arith.constant 0 : i32
      %sign3A_267 = arith.cmpi slt, %jit3A_254, %sign3A_266 : i32
      %sign3A_268 = arith.extui %sign3A_267 : i1 to i32
      %sign3A_269 = arith.subi %sign3A_265, %sign3A_268 : i32
      %ne3A_270 = arith.cmpi ne, %sign3A_262, %sign3A_269 : i32
      %rem3A_271 = arith.remsi %add3A_13, %jit3A_254 : i32
      %ne3A_272 = arith.constant 0 : i32
      %ne3A_273 = arith.cmpi ne, %rem3A_271, %ne3A_272 : i32
      %and3A_274 = arith.andi %ne3A_270, %ne3A_273 : i1
      %sub3A_275 = arith.constant 1 : i32
      %sub3A_276 = arith.subi %div3A_255, %sub3A_275 : i32
      %select_n3A_277 = arith.select %and3A_274, %sub3A_276, %div3A_255 : i32
      %add3A_278 = arith.addi %mul3A_4, %select_n3A_277 : i32
      %add3A_279 = arith.constant 9 : i32
      %add3A_280 = arith.addi %add3A_278, %add3A_279 : i32
      "tpu.region"() ({
        %run_scoped3A = tpu.sem_alloc : memref<!tpu.dma_semaphore, #tpu.memory_space<semaphore_mem>>
        %dma_start3A_875 = arith.constant 450 : i32
        %dma_start3A_876 = arith.constant 0 : i32
        %dma_start3A_877 = tpu.memref_slice %arg6[%dma_start3A_875, %dma_start3A_876] : memref<1600x64xf32, #tpu.memory_space<vmem>> -> memref<50x64xf32, #tpu.memory_space<vmem>>
        %dma_start3A_878 = arith.constant 0 : i32
        %dma_start3A_879 = arith.constant 0 : i32
        %dma_start3A_880 = tpu.memref_slice %arg4[%add3A_280, %dma_start3A_878, %dma_start3A_879] : memref<4096x50x64xf32, #tpu.memory_space<hbm>> -> memref<1x50x64xf32, #tpu.memory_space<hbm>>
        %dma_start3A_881 = tpu.memref_squeeze %dma_start3A_880 : memref<1x50x64xf32, #tpu.memory_space<hbm>> -> memref<50x64xf32, #tpu.memory_space<hbm>>
        %dma_start3A_882 = arith.constant 0 : i32
        %dma_start3A_883 = arith.constant 0 : i32
        %dma_start3A_884 = tpu.memref_slice %arg4[%add3A_280, %dma_start3A_882, %dma_start3A_883] : memref<4096x50x64xf32, #tpu.memory_space<hbm>> -> memref<1x50x64xf32, #tpu.memory_space<hbm>>
        %dma_start3A_885 = tpu.memref_squeeze %dma_start3A_884 : memref<1x50x64xf32, #tpu.memory_space<hbm>> -> memref<50x64xf32, #tpu.memory_space<hbm>>
        %dma_start3A_886 = arith.constant 450 : i32
        %dma_start3A_887 = arith.constant 0 : i32
        %dma_start3A_888 = tpu.memref_slice %arg6[%dma_start3A_886, %dma_start3A_887] : memref<1600x64xf32, #tpu.memory_space<vmem>> -> memref<50x64xf32, #tpu.memory_space<vmem>>
        tpu.enqueue_dma source(%dma_start3A_888 : memref<50x64xf32, #tpu.memory_space<vmem>>) target(%dma_start3A_885 : memref<50x64xf32, #tpu.memory_space<hbm>>) target_semaphore(%run_scoped3A : memref<!tpu.dma_semaphore, #tpu.memory_space<semaphore_mem>>)
        %dma_wait3A_889 = arith.constant 450 : i32
        %dma_wait3A_890 = arith.constant 0 : i32
        %dma_wait3A_891 = tpu.memref_slice %arg6[%dma_wait3A_889, %dma_wait3A_890] : memref<1600x64xf32, #tpu.memory_space<vmem>> -> memref<50x64xf32, #tpu.memory_space<vmem>>
        %dma_wait3A_892 = arith.constant 0 : i32
        %dma_wait3A_893 = arith.constant 0 : i32
        %dma_wait3A_894 = tpu.memref_slice %arg4[%add3A_280, %dma_wait3A_892, %dma_wait3A_893] : memref<4096x50x64xf32, #tpu.memory_space<hbm>> -> memref<1x50x64xf32, #tpu.memory_space<hbm>>
        %dma_wait3A_895 = tpu.memref_squeeze %dma_wait3A_894 : memref<1x50x64xf32, #tpu.memory_space<hbm>> -> memref<50x64xf32, #tpu.memory_space<hbm>>
        %dma_wait3A_896 = arith.constant 0 : i32
        %dma_wait3A_897 = arith.constant 0 : i32
        %dma_wait3A_898 = tpu.memref_slice %arg4[%add3A_280, %dma_wait3A_896, %dma_wait3A_897] : memref<4096x50x64xf32, #tpu.memory_space<hbm>> -> memref<1x50x64xf32, #tpu.memory_space<hbm>>
        %dma_wait3A_899 = tpu.memref_squeeze %dma_wait3A_898 : memref<1x50x64xf32, #tpu.memory_space<hbm>> -> memref<50x64xf32, #tpu.memory_space<hbm>>
        %dma_wait3A_900 = arith.constant 450 : i32
        %dma_wait3A_901 = arith.constant 0 : i32
        %dma_wait3A_902 = tpu.memref_slice %arg6[%dma_wait3A_900, %dma_wait3A_901] : memref<1600x64xf32, #tpu.memory_space<vmem>> -> memref<50x64xf32, #tpu.memory_space<vmem>>
        tpu.wait_dma2 semaphore(%run_scoped3A : memref<!tpu.dma_semaphore, #tpu.memory_space<semaphore_mem>>) src(%dma_wait3A_902 : memref<50x64xf32, #tpu.memory_space<vmem>>) dst(%dma_wait3A_899 : memref<50x64xf32, #tpu.memory_space<hbm>>)
        tpu.yield
      }) : () -> ()
      %jit3A_281 = arith.constant 50 : i32
      %div3A_282 = arith.divsi %add3A_13, %jit3A_281 : i32
      %sign3A_283 = arith.constant 0 : i32
      %sign3A_284 = arith.cmpi sgt, %add3A_13, %sign3A_283 : i32
      %sign3A_285 = arith.extui %sign3A_284 : i1 to i32
      %sign3A_286 = arith.constant 0 : i32
      %sign3A_287 = arith.cmpi slt, %add3A_13, %sign3A_286 : i32
      %sign3A_288 = arith.extui %sign3A_287 : i1 to i32
      %sign3A_289 = arith.subi %sign3A_285, %sign3A_288 : i32
      %sign3A_290 = arith.constant 0 : i32
      %sign3A_291 = arith.cmpi sgt, %jit3A_281, %sign3A_290 : i32
      %sign3A_292 = arith.extui %sign3A_291 : i1 to i32
      %sign3A_293 = arith.constant 0 : i32
      %sign3A_294 = arith.cmpi slt, %jit3A_281, %sign3A_293 : i32
      %sign3A_295 = arith.extui %sign3A_294 : i1 to i32
      %sign3A_296 = arith.subi %sign3A_292, %sign3A_295 : i32
      %ne3A_297 = arith.cmpi ne, %sign3A_289, %sign3A_296 : i32
      %rem3A_298 = arith.remsi %add3A_13, %jit3A_281 : i32
      %ne3A_299 = arith.constant 0 : i32
      %ne3A_300 = arith.cmpi ne, %rem3A_298, %ne3A_299 : i32
      %and3A_301 = arith.andi %ne3A_297, %ne3A_300 : i1
      %sub3A_302 = arith.constant 1 : i32
      %sub3A_303 = arith.subi %div3A_282, %sub3A_302 : i32
      %select_n3A_304 = arith.select %and3A_301, %sub3A_303, %div3A_282 : i32
      %add3A_305 = arith.addi %mul3A_4, %select_n3A_304 : i32
      %add3A_306 = arith.constant 10 : i32
      %add3A_307 = arith.addi %add3A_305, %add3A_306 : i32
      "tpu.region"() ({
        %run_scoped3A = tpu.sem_alloc : memref<!tpu.dma_semaphore, #tpu.memory_space<semaphore_mem>>
        %dma_start3A_875 = arith.constant 500 : i32
        %dma_start3A_876 = arith.constant 0 : i32
        %dma_start3A_877 = tpu.memref_slice %arg6[%dma_start3A_875, %dma_start3A_876] : memref<1600x64xf32, #tpu.memory_space<vmem>> -> memref<50x64xf32, #tpu.memory_space<vmem>>
        %dma_start3A_878 = arith.constant 0 : i32
        %dma_start3A_879 = arith.constant 0 : i32
        %dma_start3A_880 = tpu.memref_slice %arg4[%add3A_307, %dma_start3A_878, %dma_start3A_879] : memref<4096x50x64xf32, #tpu.memory_space<hbm>> -> memref<1x50x64xf32, #tpu.memory_space<hbm>>
        %dma_start3A_881 = tpu.memref_squeeze %dma_start3A_880 : memref<1x50x64xf32, #tpu.memory_space<hbm>> -> memref<50x64xf32, #tpu.memory_space<hbm>>
        %dma_start3A_882 = arith.constant 0 : i32
        %dma_start3A_883 = arith.constant 0 : i32
        %dma_start3A_884 = tpu.memref_slice %arg4[%add3A_307, %dma_start3A_882, %dma_start3A_883] : memref<4096x50x64xf32, #tpu.memory_space<hbm>> -> memref<1x50x64xf32, #tpu.memory_space<hbm>>
        %dma_start3A_885 = tpu.memref_squeeze %dma_start3A_884 : memref<1x50x64xf32, #tpu.memory_space<hbm>> -> memref<50x64xf32, #tpu.memory_space<hbm>>
        %dma_start3A_886 = arith.constant 500 : i32
        %dma_start3A_887 = arith.constant 0 : i32
        %dma_start3A_888 = tpu.memref_slice %arg6[%dma_start3A_886, %dma_start3A_887] : memref<1600x64xf32, #tpu.memory_space<vmem>> -> memref<50x64xf32, #tpu.memory_space<vmem>>
        tpu.enqueue_dma source(%dma_start3A_888 : memref<50x64xf32, #tpu.memory_space<vmem>>) target(%dma_start3A_885 : memref<50x64xf32, #tpu.memory_space<hbm>>) target_semaphore(%run_scoped3A : memref<!tpu.dma_semaphore, #tpu.memory_space<semaphore_mem>>)
        %dma_wait3A_889 = arith.constant 500 : i32
        %dma_wait3A_890 = arith.constant 0 : i32
        %dma_wait3A_891 = tpu.memref_slice %arg6[%dma_wait3A_889, %dma_wait3A_890] : memref<1600x64xf32, #tpu.memory_space<vmem>> -> memref<50x64xf32, #tpu.memory_space<vmem>>
        %dma_wait3A_892 = arith.constant 0 : i32
        %dma_wait3A_893 = arith.constant 0 : i32
        %dma_wait3A_894 = tpu.memref_slice %arg4[%add3A_307, %dma_wait3A_892, %dma_wait3A_893] : memref<4096x50x64xf32, #tpu.memory_space<hbm>> -> memref<1x50x64xf32, #tpu.memory_space<hbm>>
        %dma_wait3A_895 = tpu.memref_squeeze %dma_wait3A_894 : memref<1x50x64xf32, #tpu.memory_space<hbm>> -> memref<50x64xf32, #tpu.memory_space<hbm>>
        %dma_wait3A_896 = arith.constant 0 : i32
        %dma_wait3A_897 = arith.constant 0 : i32
        %dma_wait3A_898 = tpu.memref_slice %arg4[%add3A_307, %dma_wait3A_896, %dma_wait3A_897] : memref<4096x50x64xf32, #tpu.memory_space<hbm>> -> memref<1x50x64xf32, #tpu.memory_space<hbm>>
        %dma_wait3A_899 = tpu.memref_squeeze %dma_wait3A_898 : memref<1x50x64xf32, #tpu.memory_space<hbm>> -> memref<50x64xf32, #tpu.memory_space<hbm>>
        %dma_wait3A_900 = arith.constant 500 : i32
        %dma_wait3A_901 = arith.constant 0 : i32
        %dma_wait3A_902 = tpu.memref_slice %arg6[%dma_wait3A_900, %dma_wait3A_901] : memref<1600x64xf32, #tpu.memory_space<vmem>> -> memref<50x64xf32, #tpu.memory_space<vmem>>
        tpu.wait_dma2 semaphore(%run_scoped3A : memref<!tpu.dma_semaphore, #tpu.memory_space<semaphore_mem>>) src(%dma_wait3A_902 : memref<50x64xf32, #tpu.memory_space<vmem>>) dst(%dma_wait3A_899 : memref<50x64xf32, #tpu.memory_space<hbm>>)
        tpu.yield
      }) : () -> ()
      %jit3A_308 = arith.constant 50 : i32
      %div3A_309 = arith.divsi %add3A_13, %jit3A_308 : i32
      %sign3A_310 = arith.constant 0 : i32
      %sign3A_311 = arith.cmpi sgt, %add3A_13, %sign3A_310 : i32
      %sign3A_312 = arith.extui %sign3A_311 : i1 to i32
      %sign3A_313 = arith.constant 0 : i32
      %sign3A_314 = arith.cmpi slt, %add3A_13, %sign3A_313 : i32
      %sign3A_315 = arith.extui %sign3A_314 : i1 to i32
      %sign3A_316 = arith.subi %sign3A_312, %sign3A_315 : i32
      %sign3A_317 = arith.constant 0 : i32
      %sign3A_318 = arith.cmpi sgt, %jit3A_308, %sign3A_317 : i32
      %sign3A_319 = arith.extui %sign3A_318 : i1 to i32
      %sign3A_320 = arith.constant 0 : i32
      %sign3A_321 = arith.cmpi slt, %jit3A_308, %sign3A_320 : i32
      %sign3A_322 = arith.extui %sign3A_321 : i1 to i32
      %sign3A_323 = arith.subi %sign3A_319, %sign3A_322 : i32
      %ne3A_324 = arith.cmpi ne, %sign3A_316, %sign3A_323 : i32
      %rem3A_325 = arith.remsi %add3A_13, %jit3A_308 : i32
      %ne3A_326 = arith.constant 0 : i32
      %ne3A_327 = arith.cmpi ne, %rem3A_325, %ne3A_326 : i32
      %and3A_328 = arith.andi %ne3A_324, %ne3A_327 : i1
      %sub3A_329 = arith.constant 1 : i32
      %sub3A_330 = arith.subi %div3A_309, %sub3A_329 : i32
      %select_n3A_331 = arith.select %and3A_328, %sub3A_330, %div3A_309 : i32
      %add3A_332 = arith.addi %mul3A_4, %select_n3A_331 : i32
      %add3A_333 = arith.constant 11 : i32
      %add3A_334 = arith.addi %add3A_332, %add3A_333 : i32
      "tpu.region"() ({
        %run_scoped3A = tpu.sem_alloc : memref<!tpu.dma_semaphore, #tpu.memory_space<semaphore_mem>>
        %dma_start3A_875 = arith.constant 550 : i32
        %dma_start3A_876 = arith.constant 0 : i32
        %dma_start3A_877 = tpu.memref_slice %arg6[%dma_start3A_875, %dma_start3A_876] : memref<1600x64xf32, #tpu.memory_space<vmem>> -> memref<50x64xf32, #tpu.memory_space<vmem>>
        %dma_start3A_878 = arith.constant 0 : i32
        %dma_start3A_879 = arith.constant 0 : i32
        %dma_start3A_880 = tpu.memref_slice %arg4[%add3A_334, %dma_start3A_878, %dma_start3A_879] : memref<4096x50x64xf32, #tpu.memory_space<hbm>> -> memref<1x50x64xf32, #tpu.memory_space<hbm>>
        %dma_start3A_881 = tpu.memref_squeeze %dma_start3A_880 : memref<1x50x64xf32, #tpu.memory_space<hbm>> -> memref<50x64xf32, #tpu.memory_space<hbm>>
        %dma_start3A_882 = arith.constant 0 : i32
        %dma_start3A_883 = arith.constant 0 : i32
        %dma_start3A_884 = tpu.memref_slice %arg4[%add3A_334, %dma_start3A_882, %dma_start3A_883] : memref<4096x50x64xf32, #tpu.memory_space<hbm>> -> memref<1x50x64xf32, #tpu.memory_space<hbm>>
        %dma_start3A_885 = tpu.memref_squeeze %dma_start3A_884 : memref<1x50x64xf32, #tpu.memory_space<hbm>> -> memref<50x64xf32, #tpu.memory_space<hbm>>
        %dma_start3A_886 = arith.constant 550 : i32
        %dma_start3A_887 = arith.constant 0 : i32
        %dma_start3A_888 = tpu.memref_slice %arg6[%dma_start3A_886, %dma_start3A_887] : memref<1600x64xf32, #tpu.memory_space<vmem>> -> memref<50x64xf32, #tpu.memory_space<vmem>>
        tpu.enqueue_dma source(%dma_start3A_888 : memref<50x64xf32, #tpu.memory_space<vmem>>) target(%dma_start3A_885 : memref<50x64xf32, #tpu.memory_space<hbm>>) target_semaphore(%run_scoped3A : memref<!tpu.dma_semaphore, #tpu.memory_space<semaphore_mem>>)
        %dma_wait3A_889 = arith.constant 550 : i32
        %dma_wait3A_890 = arith.constant 0 : i32
        %dma_wait3A_891 = tpu.memref_slice %arg6[%dma_wait3A_889, %dma_wait3A_890] : memref<1600x64xf32, #tpu.memory_space<vmem>> -> memref<50x64xf32, #tpu.memory_space<vmem>>
        %dma_wait3A_892 = arith.constant 0 : i32
        %dma_wait3A_893 = arith.constant 0 : i32
        %dma_wait3A_894 = tpu.memref_slice %arg4[%add3A_334, %dma_wait3A_892, %dma_wait3A_893] : memref<4096x50x64xf32, #tpu.memory_space<hbm>> -> memref<1x50x64xf32, #tpu.memory_space<hbm>>
        %dma_wait3A_895 = tpu.memref_squeeze %dma_wait3A_894 : memref<1x50x64xf32, #tpu.memory_space<hbm>> -> memref<50x64xf32, #tpu.memory_space<hbm>>
        %dma_wait3A_896 = arith.constant 0 : i32
        %dma_wait3A_897 = arith.constant 0 : i32
        %dma_wait3A_898 = tpu.memref_slice %arg4[%add3A_334, %dma_wait3A_896, %dma_wait3A_897] : memref<4096x50x64xf32, #tpu.memory_space<hbm>> -> memref<1x50x64xf32, #tpu.memory_space<hbm>>
        %dma_wait3A_899 = tpu.memref_squeeze %dma_wait3A_898 : memref<1x50x64xf32, #tpu.memory_space<hbm>> -> memref<50x64xf32, #tpu.memory_space<hbm>>
        %dma_wait3A_900 = arith.constant 550 : i32
        %dma_wait3A_901 = arith.constant 0 : i32
        %dma_wait3A_902 = tpu.memref_slice %arg6[%dma_wait3A_900, %dma_wait3A_901] : memref<1600x64xf32, #tpu.memory_space<vmem>> -> memref<50x64xf32, #tpu.memory_space<vmem>>
        tpu.wait_dma2 semaphore(%run_scoped3A : memref<!tpu.dma_semaphore, #tpu.memory_space<semaphore_mem>>) src(%dma_wait3A_902 : memref<50x64xf32, #tpu.memory_space<vmem>>) dst(%dma_wait3A_899 : memref<50x64xf32, #tpu.memory_space<hbm>>)
        tpu.yield
      }) : () -> ()
      %jit3A_335 = arith.constant 50 : i32
      %div3A_336 = arith.divsi %add3A_13, %jit3A_335 : i32
      %sign3A_337 = arith.constant 0 : i32
      %sign3A_338 = arith.cmpi sgt, %add3A_13, %sign3A_337 : i32
      %sign3A_339 = arith.extui %sign3A_338 : i1 to i32
      %sign3A_340 = arith.constant 0 : i32
      %sign3A_341 = arith.cmpi slt, %add3A_13, %sign3A_340 : i32
      %sign3A_342 = arith.extui %sign3A_341 : i1 to i32
      %sign3A_343 = arith.subi %sign3A_339, %sign3A_342 : i32
      %sign3A_344 = arith.constant 0 : i32
      %sign3A_345 = arith.cmpi sgt, %jit3A_335, %sign3A_344 : i32
      %sign3A_346 = arith.extui %sign3A_345 : i1 to i32
      %sign3A_347 = arith.constant 0 : i32
      %sign3A_348 = arith.cmpi slt, %jit3A_335, %sign3A_347 : i32
      %sign3A_349 = arith.extui %sign3A_348 : i1 to i32
      %sign3A_350 = arith.subi %sign3A_346, %sign3A_349 : i32
      %ne3A_351 = arith.cmpi ne, %sign3A_343, %sign3A_350 : i32
      %rem3A_352 = arith.remsi %add3A_13, %jit3A_335 : i32
      %ne3A_353 = arith.constant 0 : i32
      %ne3A_354 = arith.cmpi ne, %rem3A_352, %ne3A_353 : i32
      %and3A_355 = arith.andi %ne3A_351, %ne3A_354 : i1
      %sub3A_356 = arith.constant 1 : i32
      %sub3A_357 = arith.subi %div3A_336, %sub3A_356 : i32
      %select_n3A_358 = arith.select %and3A_355, %sub3A_357, %div3A_336 : i32
      %add3A_359 = arith.addi %mul3A_4, %select_n3A_358 : i32
      %add3A_360 = arith.constant 12 : i32
      %add3A_361 = arith.addi %add3A_359, %add3A_360 : i32
      "tpu.region"() ({
        %run_scoped3A = tpu.sem_alloc : memref<!tpu.dma_semaphore, #tpu.memory_space<semaphore_mem>>
        %dma_start3A_875 = arith.constant 600 : i32
        %dma_start3A_876 = arith.constant 0 : i32
        %dma_start3A_877 = tpu.memref_slice %arg6[%dma_start3A_875, %dma_start3A_876] : memref<1600x64xf32, #tpu.memory_space<vmem>> -> memref<50x64xf32, #tpu.memory_space<vmem>>
        %dma_start3A_878 = arith.constant 0 : i32
        %dma_start3A_879 = arith.constant 0 : i32
        %dma_start3A_880 = tpu.memref_slice %arg4[%add3A_361, %dma_start3A_878, %dma_start3A_879] : memref<4096x50x64xf32, #tpu.memory_space<hbm>> -> memref<1x50x64xf32, #tpu.memory_space<hbm>>
        %dma_start3A_881 = tpu.memref_squeeze %dma_start3A_880 : memref<1x50x64xf32, #tpu.memory_space<hbm>> -> memref<50x64xf32, #tpu.memory_space<hbm>>
        %dma_start3A_882 = arith.constant 0 : i32
        %dma_start3A_883 = arith.constant 0 : i32
        %dma_start3A_884 = tpu.memref_slice %arg4[%add3A_361, %dma_start3A_882, %dma_start3A_883] : memref<4096x50x64xf32, #tpu.memory_space<hbm>> -> memref<1x50x64xf32, #tpu.memory_space<hbm>>
        %dma_start3A_885 = tpu.memref_squeeze %dma_start3A_884 : memref<1x50x64xf32, #tpu.memory_space<hbm>> -> memref<50x64xf32, #tpu.memory_space<hbm>>
        %dma_start3A_886 = arith.constant 600 : i32
        %dma_start3A_887 = arith.constant 0 : i32
        %dma_start3A_888 = tpu.memref_slice %arg6[%dma_start3A_886, %dma_start3A_887] : memref<1600x64xf32, #tpu.memory_space<vmem>> -> memref<50x64xf32, #tpu.memory_space<vmem>>
        tpu.enqueue_dma source(%dma_start3A_888 : memref<50x64xf32, #tpu.memory_space<vmem>>) target(%dma_start3A_885 : memref<50x64xf32, #tpu.memory_space<hbm>>) target_semaphore(%run_scoped3A : memref<!tpu.dma_semaphore, #tpu.memory_space<semaphore_mem>>)
        %dma_wait3A_889 = arith.constant 600 : i32
        %dma_wait3A_890 = arith.constant 0 : i32
        %dma_wait3A_891 = tpu.memref_slice %arg6[%dma_wait3A_889, %dma_wait3A_890] : memref<1600x64xf32, #tpu.memory_space<vmem>> -> memref<50x64xf32, #tpu.memory_space<vmem>>
        %dma_wait3A_892 = arith.constant 0 : i32
        %dma_wait3A_893 = arith.constant 0 : i32
        %dma_wait3A_894 = tpu.memref_slice %arg4[%add3A_361, %dma_wait3A_892, %dma_wait3A_893] : memref<4096x50x64xf32, #tpu.memory_space<hbm>> -> memref<1x50x64xf32, #tpu.memory_space<hbm>>
        %dma_wait3A_895 = tpu.memref_squeeze %dma_wait3A_894 : memref<1x50x64xf32, #tpu.memory_space<hbm>> -> memref<50x64xf32, #tpu.memory_space<hbm>>
        %dma_wait3A_896 = arith.constant 0 : i32
        %dma_wait3A_897 = arith.constant 0 : i32
        %dma_wait3A_898 = tpu.memref_slice %arg4[%add3A_361, %dma_wait3A_896, %dma_wait3A_897] : memref<4096x50x64xf32, #tpu.memory_space<hbm>> -> memref<1x50x64xf32, #tpu.memory_space<hbm>>
        %dma_wait3A_899 = tpu.memref_squeeze %dma_wait3A_898 : memref<1x50x64xf32, #tpu.memory_space<hbm>> -> memref<50x64xf32, #tpu.memory_space<hbm>>
        %dma_wait3A_900 = arith.constant 600 : i32
        %dma_wait3A_901 = arith.constant 0 : i32
        %dma_wait3A_902 = tpu.memref_slice %arg6[%dma_wait3A_900, %dma_wait3A_901] : memref<1600x64xf32, #tpu.memory_space<vmem>> -> memref<50x64xf32, #tpu.memory_space<vmem>>
        tpu.wait_dma2 semaphore(%run_scoped3A : memref<!tpu.dma_semaphore, #tpu.memory_space<semaphore_mem>>) src(%dma_wait3A_902 : memref<50x64xf32, #tpu.memory_space<vmem>>) dst(%dma_wait3A_899 : memref<50x64xf32, #tpu.memory_space<hbm>>)
        tpu.yield
      }) : () -> ()
      %jit3A_362 = arith.constant 50 : i32
      %div3A_363 = arith.divsi %add3A_13, %jit3A_362 : i32
      %sign3A_364 = arith.constant 0 : i32
      %sign3A_365 = arith.cmpi sgt, %add3A_13, %sign3A_364 : i32
      %sign3A_366 = arith.extui %sign3A_365 : i1 to i32
      %sign3A_367 = arith.constant 0 : i32
      %sign3A_368 = arith.cmpi slt, %add3A_13, %sign3A_367 : i32
      %sign3A_369 = arith.extui %sign3A_368 : i1 to i32
      %sign3A_370 = arith.subi %sign3A_366, %sign3A_369 : i32
      %sign3A_371 = arith.constant 0 : i32
      %sign3A_372 = arith.cmpi sgt, %jit3A_362, %sign3A_371 : i32
      %sign3A_373 = arith.extui %sign3A_372 : i1 to i32
      %sign3A_374 = arith.constant 0 : i32
      %sign3A_375 = arith.cmpi slt, %jit3A_362, %sign3A_374 : i32
      %sign3A_376 = arith.extui %sign3A_375 : i1 to i32
      %sign3A_377 = arith.subi %sign3A_373, %sign3A_376 : i32
      %ne3A_378 = arith.cmpi ne, %sign3A_370, %sign3A_377 : i32
      %rem3A_379 = arith.remsi %add3A_13, %jit3A_362 : i32
      %ne3A_380 = arith.constant 0 : i32
      %ne3A_381 = arith.cmpi ne, %rem3A_379, %ne3A_380 : i32
      %and3A_382 = arith.andi %ne3A_378, %ne3A_381 : i1
      %sub3A_383 = arith.constant 1 : i32
      %sub3A_384 = arith.subi %div3A_363, %sub3A_383 : i32
      %select_n3A_385 = arith.select %and3A_382, %sub3A_384, %div3A_363 : i32
      %add3A_386 = arith.addi %mul3A_4, %select_n3A_385 : i32
      %add3A_387 = arith.constant 13 : i32
      %add3A_388 = arith.addi %add3A_386, %add3A_387 : i32
      "tpu.region"() ({
        %run_scoped3A = tpu.sem_alloc : memref<!tpu.dma_semaphore, #tpu.memory_space<semaphore_mem>>
        %dma_start3A_875 = arith.constant 650 : i32
        %dma_start3A_876 = arith.constant 0 : i32
        %dma_start3A_877 = tpu.memref_slice %arg6[%dma_start3A_875, %dma_start3A_876] : memref<1600x64xf32, #tpu.memory_space<vmem>> -> memref<50x64xf32, #tpu.memory_space<vmem>>
        %dma_start3A_878 = arith.constant 0 : i32
        %dma_start3A_879 = arith.constant 0 : i32
        %dma_start3A_880 = tpu.memref_slice %arg4[%add3A_388, %dma_start3A_878, %dma_start3A_879] : memref<4096x50x64xf32, #tpu.memory_space<hbm>> -> memref<1x50x64xf32, #tpu.memory_space<hbm>>
        %dma_start3A_881 = tpu.memref_squeeze %dma_start3A_880 : memref<1x50x64xf32, #tpu.memory_space<hbm>> -> memref<50x64xf32, #tpu.memory_space<hbm>>
        %dma_start3A_882 = arith.constant 0 : i32
        %dma_start3A_883 = arith.constant 0 : i32
        %dma_start3A_884 = tpu.memref_slice %arg4[%add3A_388, %dma_start3A_882, %dma_start3A_883] : memref<4096x50x64xf32, #tpu.memory_space<hbm>> -> memref<1x50x64xf32, #tpu.memory_space<hbm>>
        %dma_start3A_885 = tpu.memref_squeeze %dma_start3A_884 : memref<1x50x64xf32, #tpu.memory_space<hbm>> -> memref<50x64xf32, #tpu.memory_space<hbm>>
        %dma_start3A_886 = arith.constant 650 : i32
        %dma_start3A_887 = arith.constant 0 : i32
        %dma_start3A_888 = tpu.memref_slice %arg6[%dma_start3A_886, %dma_start3A_887] : memref<1600x64xf32, #tpu.memory_space<vmem>> -> memref<50x64xf32, #tpu.memory_space<vmem>>
        tpu.enqueue_dma source(%dma_start3A_888 : memref<50x64xf32, #tpu.memory_space<vmem>>) target(%dma_start3A_885 : memref<50x64xf32, #tpu.memory_space<hbm>>) target_semaphore(%run_scoped3A : memref<!tpu.dma_semaphore, #tpu.memory_space<semaphore_mem>>)
        %dma_wait3A_889 = arith.constant 650 : i32
        %dma_wait3A_890 = arith.constant 0 : i32
        %dma_wait3A_891 = tpu.memref_slice %arg6[%dma_wait3A_889, %dma_wait3A_890] : memref<1600x64xf32, #tpu.memory_space<vmem>> -> memref<50x64xf32, #tpu.memory_space<vmem>>
        %dma_wait3A_892 = arith.constant 0 : i32
        %dma_wait3A_893 = arith.constant 0 : i32
        %dma_wait3A_894 = tpu.memref_slice %arg4[%add3A_388, %dma_wait3A_892, %dma_wait3A_893] : memref<4096x50x64xf32, #tpu.memory_space<hbm>> -> memref<1x50x64xf32, #tpu.memory_space<hbm>>
        %dma_wait3A_895 = tpu.memref_squeeze %dma_wait3A_894 : memref<1x50x64xf32, #tpu.memory_space<hbm>> -> memref<50x64xf32, #tpu.memory_space<hbm>>
        %dma_wait3A_896 = arith.constant 0 : i32
        %dma_wait3A_897 = arith.constant 0 : i32
        %dma_wait3A_898 = tpu.memref_slice %arg4[%add3A_388, %dma_wait3A_896, %dma_wait3A_897] : memref<4096x50x64xf32, #tpu.memory_space<hbm>> -> memref<1x50x64xf32, #tpu.memory_space<hbm>>
        %dma_wait3A_899 = tpu.memref_squeeze %dma_wait3A_898 : memref<1x50x64xf32, #tpu.memory_space<hbm>> -> memref<50x64xf32, #tpu.memory_space<hbm>>
        %dma_wait3A_900 = arith.constant 650 : i32
        %dma_wait3A_901 = arith.constant 0 : i32
        %dma_wait3A_902 = tpu.memref_slice %arg6[%dma_wait3A_900, %dma_wait3A_901] : memref<1600x64xf32, #tpu.memory_space<vmem>> -> memref<50x64xf32, #tpu.memory_space<vmem>>
        tpu.wait_dma2 semaphore(%run_scoped3A : memref<!tpu.dma_semaphore, #tpu.memory_space<semaphore_mem>>) src(%dma_wait3A_902 : memref<50x64xf32, #tpu.memory_space<vmem>>) dst(%dma_wait3A_899 : memref<50x64xf32, #tpu.memory_space<hbm>>)
        tpu.yield
      }) : () -> ()
      %jit3A_389 = arith.constant 50 : i32
      %div3A_390 = arith.divsi %add3A_13, %jit3A_389 : i32
      %sign3A_391 = arith.constant 0 : i32
      %sign3A_392 = arith.cmpi sgt, %add3A_13, %sign3A_391 : i32
      %sign3A_393 = arith.extui %sign3A_392 : i1 to i32
      %sign3A_394 = arith.constant 0 : i32
      %sign3A_395 = arith.cmpi slt, %add3A_13, %sign3A_394 : i32
      %sign3A_396 = arith.extui %sign3A_395 : i1 to i32
      %sign3A_397 = arith.subi %sign3A_393, %sign3A_396 : i32
      %sign3A_398 = arith.constant 0 : i32
      %sign3A_399 = arith.cmpi sgt, %jit3A_389, %sign3A_398 : i32
      %sign3A_400 = arith.extui %sign3A_399 : i1 to i32
      %sign3A_401 = arith.constant 0 : i32
      %sign3A_402 = arith.cmpi slt, %jit3A_389, %sign3A_401 : i32
      %sign3A_403 = arith.extui %sign3A_402 : i1 to i32
      %sign3A_404 = arith.subi %sign3A_400, %sign3A_403 : i32
      %ne3A_405 = arith.cmpi ne, %sign3A_397, %sign3A_404 : i32
      %rem3A_406 = arith.remsi %add3A_13, %jit3A_389 : i32
      %ne3A_407 = arith.constant 0 : i32
      %ne3A_408 = arith.cmpi ne, %rem3A_406, %ne3A_407 : i32
      %and3A_409 = arith.andi %ne3A_405, %ne3A_408 : i1
      %sub3A_410 = arith.constant 1 : i32
      %sub3A_411 = arith.subi %div3A_390, %sub3A_410 : i32
      %select_n3A_412 = arith.select %and3A_409, %sub3A_411, %div3A_390 : i32
      %add3A_413 = arith.addi %mul3A_4, %select_n3A_412 : i32
      %add3A_414 = arith.constant 14 : i32
      %add3A_415 = arith.addi %add3A_413, %add3A_414 : i32
      "tpu.region"() ({
        %run_scoped3A = tpu.sem_alloc : memref<!tpu.dma_semaphore, #tpu.memory_space<semaphore_mem>>
        %dma_start3A_875 = arith.constant 700 : i32
        %dma_start3A_876 = arith.constant 0 : i32
        %dma_start3A_877 = tpu.memref_slice %arg6[%dma_start3A_875, %dma_start3A_876] : memref<1600x64xf32, #tpu.memory_space<vmem>> -> memref<50x64xf32, #tpu.memory_space<vmem>>
        %dma_start3A_878 = arith.constant 0 : i32
        %dma_start3A_879 = arith.constant 0 : i32
        %dma_start3A_880 = tpu.memref_slice %arg4[%add3A_415, %dma_start3A_878, %dma_start3A_879] : memref<4096x50x64xf32, #tpu.memory_space<hbm>> -> memref<1x50x64xf32, #tpu.memory_space<hbm>>
        %dma_start3A_881 = tpu.memref_squeeze %dma_start3A_880 : memref<1x50x64xf32, #tpu.memory_space<hbm>> -> memref<50x64xf32, #tpu.memory_space<hbm>>
        %dma_start3A_882 = arith.constant 0 : i32
        %dma_start3A_883 = arith.constant 0 : i32
        %dma_start3A_884 = tpu.memref_slice %arg4[%add3A_415, %dma_start3A_882, %dma_start3A_883] : memref<4096x50x64xf32, #tpu.memory_space<hbm>> -> memref<1x50x64xf32, #tpu.memory_space<hbm>>
        %dma_start3A_885 = tpu.memref_squeeze %dma_start3A_884 : memref<1x50x64xf32, #tpu.memory_space<hbm>> -> memref<50x64xf32, #tpu.memory_space<hbm>>
        %dma_start3A_886 = arith.constant 700 : i32
        %dma_start3A_887 = arith.constant 0 : i32
        %dma_start3A_888 = tpu.memref_slice %arg6[%dma_start3A_886, %dma_start3A_887] : memref<1600x64xf32, #tpu.memory_space<vmem>> -> memref<50x64xf32, #tpu.memory_space<vmem>>
        tpu.enqueue_dma source(%dma_start3A_888 : memref<50x64xf32, #tpu.memory_space<vmem>>) target(%dma_start3A_885 : memref<50x64xf32, #tpu.memory_space<hbm>>) target_semaphore(%run_scoped3A : memref<!tpu.dma_semaphore, #tpu.memory_space<semaphore_mem>>)
        %dma_wait3A_889 = arith.constant 700 : i32
        %dma_wait3A_890 = arith.constant 0 : i32
        %dma_wait3A_891 = tpu.memref_slice %arg6[%dma_wait3A_889, %dma_wait3A_890] : memref<1600x64xf32, #tpu.memory_space<vmem>> -> memref<50x64xf32, #tpu.memory_space<vmem>>
        %dma_wait3A_892 = arith.constant 0 : i32
        %dma_wait3A_893 = arith.constant 0 : i32
        %dma_wait3A_894 = tpu.memref_slice %arg4[%add3A_415, %dma_wait3A_892, %dma_wait3A_893] : memref<4096x50x64xf32, #tpu.memory_space<hbm>> -> memref<1x50x64xf32, #tpu.memory_space<hbm>>
        %dma_wait3A_895 = tpu.memref_squeeze %dma_wait3A_894 : memref<1x50x64xf32, #tpu.memory_space<hbm>> -> memref<50x64xf32, #tpu.memory_space<hbm>>
        %dma_wait3A_896 = arith.constant 0 : i32
        %dma_wait3A_897 = arith.constant 0 : i32
        %dma_wait3A_898 = tpu.memref_slice %arg4[%add3A_415, %dma_wait3A_896, %dma_wait3A_897] : memref<4096x50x64xf32, #tpu.memory_space<hbm>> -> memref<1x50x64xf32, #tpu.memory_space<hbm>>
        %dma_wait3A_899 = tpu.memref_squeeze %dma_wait3A_898 : memref<1x50x64xf32, #tpu.memory_space<hbm>> -> memref<50x64xf32, #tpu.memory_space<hbm>>
        %dma_wait3A_900 = arith.constant 700 : i32
        %dma_wait3A_901 = arith.constant 0 : i32
        %dma_wait3A_902 = tpu.memref_slice %arg6[%dma_wait3A_900, %dma_wait3A_901] : memref<1600x64xf32, #tpu.memory_space<vmem>> -> memref<50x64xf32, #tpu.memory_space<vmem>>
        tpu.wait_dma2 semaphore(%run_scoped3A : memref<!tpu.dma_semaphore, #tpu.memory_space<semaphore_mem>>) src(%dma_wait3A_902 : memref<50x64xf32, #tpu.memory_space<vmem>>) dst(%dma_wait3A_899 : memref<50x64xf32, #tpu.memory_space<hbm>>)
        tpu.yield
      }) : () -> ()
      %jit3A_416 = arith.constant 50 : i32
      %div3A_417 = arith.divsi %add3A_13, %jit3A_416 : i32
      %sign3A_418 = arith.constant 0 : i32
      %sign3A_419 = arith.cmpi sgt, %add3A_13, %sign3A_418 : i32
      %sign3A_420 = arith.extui %sign3A_419 : i1 to i32
      %sign3A_421 = arith.constant 0 : i32
      %sign3A_422 = arith.cmpi slt, %add3A_13, %sign3A_421 : i32
      %sign3A_423 = arith.extui %sign3A_422 : i1 to i32
      %sign3A_424 = arith.subi %sign3A_420, %sign3A_423 : i32
      %sign3A_425 = arith.constant 0 : i32
      %sign3A_426 = arith.cmpi sgt, %jit3A_416, %sign3A_425 : i32
      %sign3A_427 = arith.extui %sign3A_426 : i1 to i32
      %sign3A_428 = arith.constant 0 : i32
      %sign3A_429 = arith.cmpi slt, %jit3A_416, %sign3A_428 : i32
      %sign3A_430 = arith.extui %sign3A_429 : i1 to i32
      %sign3A_431 = arith.subi %sign3A_427, %sign3A_430 : i32
      %ne3A_432 = arith.cmpi ne, %sign3A_424, %sign3A_431 : i32
      %rem3A_433 = arith.remsi %add3A_13, %jit3A_416 : i32
      %ne3A_434 = arith.constant 0 : i32
      %ne3A_435 = arith.cmpi ne, %rem3A_433, %ne3A_434 : i32
      %and3A_436 = arith.andi %ne3A_432, %ne3A_435 : i1
      %sub3A_437 = arith.constant 1 : i32
      %sub3A_438 = arith.subi %div3A_417, %sub3A_437 : i32
      %select_n3A_439 = arith.select %and3A_436, %sub3A_438, %div3A_417 : i32
      %add3A_440 = arith.addi %mul3A_4, %select_n3A_439 : i32
      %add3A_441 = arith.constant 15 : i32
      %add3A_442 = arith.addi %add3A_440, %add3A_441 : i32
      "tpu.region"() ({
        %run_scoped3A = tpu.sem_alloc : memref<!tpu.dma_semaphore, #tpu.memory_space<semaphore_mem>>
        %dma_start3A_875 = arith.constant 750 : i32
        %dma_start3A_876 = arith.constant 0 : i32
        %dma_start3A_877 = tpu.memref_slice %arg6[%dma_start3A_875, %dma_start3A_876] : memref<1600x64xf32, #tpu.memory_space<vmem>> -> memref<50x64xf32, #tpu.memory_space<vmem>>
        %dma_start3A_878 = arith.constant 0 : i32
        %dma_start3A_879 = arith.constant 0 : i32
        %dma_start3A_880 = tpu.memref_slice %arg4[%add3A_442, %dma_start3A_878, %dma_start3A_879] : memref<4096x50x64xf32, #tpu.memory_space<hbm>> -> memref<1x50x64xf32, #tpu.memory_space<hbm>>
        %dma_start3A_881 = tpu.memref_squeeze %dma_start3A_880 : memref<1x50x64xf32, #tpu.memory_space<hbm>> -> memref<50x64xf32, #tpu.memory_space<hbm>>
        %dma_start3A_882 = arith.constant 0 : i32
        %dma_start3A_883 = arith.constant 0 : i32
        %dma_start3A_884 = tpu.memref_slice %arg4[%add3A_442, %dma_start3A_882, %dma_start3A_883] : memref<4096x50x64xf32, #tpu.memory_space<hbm>> -> memref<1x50x64xf32, #tpu.memory_space<hbm>>
        %dma_start3A_885 = tpu.memref_squeeze %dma_start3A_884 : memref<1x50x64xf32, #tpu.memory_space<hbm>> -> memref<50x64xf32, #tpu.memory_space<hbm>>
        %dma_start3A_886 = arith.constant 750 : i32
        %dma_start3A_887 = arith.constant 0 : i32
        %dma_start3A_888 = tpu.memref_slice %arg6[%dma_start3A_886, %dma_start3A_887] : memref<1600x64xf32, #tpu.memory_space<vmem>> -> memref<50x64xf32, #tpu.memory_space<vmem>>
        tpu.enqueue_dma source(%dma_start3A_888 : memref<50x64xf32, #tpu.memory_space<vmem>>) target(%dma_start3A_885 : memref<50x64xf32, #tpu.memory_space<hbm>>) target_semaphore(%run_scoped3A : memref<!tpu.dma_semaphore, #tpu.memory_space<semaphore_mem>>)
        %dma_wait3A_889 = arith.constant 750 : i32
        %dma_wait3A_890 = arith.constant 0 : i32
        %dma_wait3A_891 = tpu.memref_slice %arg6[%dma_wait3A_889, %dma_wait3A_890] : memref<1600x64xf32, #tpu.memory_space<vmem>> -> memref<50x64xf32, #tpu.memory_space<vmem>>
        %dma_wait3A_892 = arith.constant 0 : i32
        %dma_wait3A_893 = arith.constant 0 : i32
        %dma_wait3A_894 = tpu.memref_slice %arg4[%add3A_442, %dma_wait3A_892, %dma_wait3A_893] : memref<4096x50x64xf32, #tpu.memory_space<hbm>> -> memref<1x50x64xf32, #tpu.memory_space<hbm>>
        %dma_wait3A_895 = tpu.memref_squeeze %dma_wait3A_894 : memref<1x50x64xf32, #tpu.memory_space<hbm>> -> memref<50x64xf32, #tpu.memory_space<hbm>>
        %dma_wait3A_896 = arith.constant 0 : i32
        %dma_wait3A_897 = arith.constant 0 : i32
        %dma_wait3A_898 = tpu.memref_slice %arg4[%add3A_442, %dma_wait3A_896, %dma_wait3A_897] : memref<4096x50x64xf32, #tpu.memory_space<hbm>> -> memref<1x50x64xf32, #tpu.memory_space<hbm>>
        %dma_wait3A_899 = tpu.memref_squeeze %dma_wait3A_898 : memref<1x50x64xf32, #tpu.memory_space<hbm>> -> memref<50x64xf32, #tpu.memory_space<hbm>>
        %dma_wait3A_900 = arith.constant 750 : i32
        %dma_wait3A_901 = arith.constant 0 : i32
        %dma_wait3A_902 = tpu.memref_slice %arg6[%dma_wait3A_900, %dma_wait3A_901] : memref<1600x64xf32, #tpu.memory_space<vmem>> -> memref<50x64xf32, #tpu.memory_space<vmem>>
        tpu.wait_dma2 semaphore(%run_scoped3A : memref<!tpu.dma_semaphore, #tpu.memory_space<semaphore_mem>>) src(%dma_wait3A_902 : memref<50x64xf32, #tpu.memory_space<vmem>>) dst(%dma_wait3A_899 : memref<50x64xf32, #tpu.memory_space<hbm>>)
        tpu.yield
      }) : () -> ()
      %jit3A_443 = arith.constant 50 : i32
      %div3A_444 = arith.divsi %add3A_13, %jit3A_443 : i32
      %sign3A_445 = arith.constant 0 : i32
      %sign3A_446 = arith.cmpi sgt, %add3A_13, %sign3A_445 : i32
      %sign3A_447 = arith.extui %sign3A_446 : i1 to i32
      %sign3A_448 = arith.constant 0 : i32
      %sign3A_449 = arith.cmpi slt, %add3A_13, %sign3A_448 : i32
      %sign3A_450 = arith.extui %sign3A_449 : i1 to i32
      %sign3A_451 = arith.subi %sign3A_447, %sign3A_450 : i32
      %sign3A_452 = arith.constant 0 : i32
      %sign3A_453 = arith.cmpi sgt, %jit3A_443, %sign3A_452 : i32
      %sign3A_454 = arith.extui %sign3A_453 : i1 to i32
      %sign3A_455 = arith.constant 0 : i32
      %sign3A_456 = arith.cmpi slt, %jit3A_443, %sign3A_455 : i32
      %sign3A_457 = arith.extui %sign3A_456 : i1 to i32
      %sign3A_458 = arith.subi %sign3A_454, %sign3A_457 : i32
      %ne3A_459 = arith.cmpi ne, %sign3A_451, %sign3A_458 : i32
      %rem3A_460 = arith.remsi %add3A_13, %jit3A_443 : i32
      %ne3A_461 = arith.constant 0 : i32
      %ne3A_462 = arith.cmpi ne, %rem3A_460, %ne3A_461 : i32
      %and3A_463 = arith.andi %ne3A_459, %ne3A_462 : i1
      %sub3A_464 = arith.constant 1 : i32
      %sub3A_465 = arith.subi %div3A_444, %sub3A_464 : i32
      %select_n3A_466 = arith.select %and3A_463, %sub3A_465, %div3A_444 : i32
      %add3A_467 = arith.addi %mul3A_4, %select_n3A_466 : i32
      %add3A_468 = arith.constant 16 : i32
      %add3A_469 = arith.addi %add3A_467, %add3A_468 : i32
      "tpu.region"() ({
        %run_scoped3A = tpu.sem_alloc : memref<!tpu.dma_semaphore, #tpu.memory_space<semaphore_mem>>
        %dma_start3A_875 = arith.constant 800 : i32
        %dma_start3A_876 = arith.constant 0 : i32
        %dma_start3A_877 = tpu.memref_slice %arg6[%dma_start3A_875, %dma_start3A_876] : memref<1600x64xf32, #tpu.memory_space<vmem>> -> memref<50x64xf32, #tpu.memory_space<vmem>>
        %dma_start3A_878 = arith.constant 0 : i32
        %dma_start3A_879 = arith.constant 0 : i32
        %dma_start3A_880 = tpu.memref_slice %arg4[%add3A_469, %dma_start3A_878, %dma_start3A_879] : memref<4096x50x64xf32, #tpu.memory_space<hbm>> -> memref<1x50x64xf32, #tpu.memory_space<hbm>>
        %dma_start3A_881 = tpu.memref_squeeze %dma_start3A_880 : memref<1x50x64xf32, #tpu.memory_space<hbm>> -> memref<50x64xf32, #tpu.memory_space<hbm>>
        %dma_start3A_882 = arith.constant 0 : i32
        %dma_start3A_883 = arith.constant 0 : i32
        %dma_start3A_884 = tpu.memref_slice %arg4[%add3A_469, %dma_start3A_882, %dma_start3A_883] : memref<4096x50x64xf32, #tpu.memory_space<hbm>> -> memref<1x50x64xf32, #tpu.memory_space<hbm>>
        %dma_start3A_885 = tpu.memref_squeeze %dma_start3A_884 : memref<1x50x64xf32, #tpu.memory_space<hbm>> -> memref<50x64xf32, #tpu.memory_space<hbm>>
        %dma_start3A_886 = arith.constant 800 : i32
        %dma_start3A_887 = arith.constant 0 : i32
        %dma_start3A_888 = tpu.memref_slice %arg6[%dma_start3A_886, %dma_start3A_887] : memref<1600x64xf32, #tpu.memory_space<vmem>> -> memref<50x64xf32, #tpu.memory_space<vmem>>
        tpu.enqueue_dma source(%dma_start3A_888 : memref<50x64xf32, #tpu.memory_space<vmem>>) target(%dma_start3A_885 : memref<50x64xf32, #tpu.memory_space<hbm>>) target_semaphore(%run_scoped3A : memref<!tpu.dma_semaphore, #tpu.memory_space<semaphore_mem>>)
        %dma_wait3A_889 = arith.constant 800 : i32
        %dma_wait3A_890 = arith.constant 0 : i32
        %dma_wait3A_891 = tpu.memref_slice %arg6[%dma_wait3A_889, %dma_wait3A_890] : memref<1600x64xf32, #tpu.memory_space<vmem>> -> memref<50x64xf32, #tpu.memory_space<vmem>>
        %dma_wait3A_892 = arith.constant 0 : i32
        %dma_wait3A_893 = arith.constant 0 : i32
        %dma_wait3A_894 = tpu.memref_slice %arg4[%add3A_469, %dma_wait3A_892, %dma_wait3A_893] : memref<4096x50x64xf32, #tpu.memory_space<hbm>> -> memref<1x50x64xf32, #tpu.memory_space<hbm>>
        %dma_wait3A_895 = tpu.memref_squeeze %dma_wait3A_894 : memref<1x50x64xf32, #tpu.memory_space<hbm>> -> memref<50x64xf32, #tpu.memory_space<hbm>>
        %dma_wait3A_896 = arith.constant 0 : i32
        %dma_wait3A_897 = arith.constant 0 : i32
        %dma_wait3A_898 = tpu.memref_slice %arg4[%add3A_469, %dma_wait3A_896, %dma_wait3A_897] : memref<4096x50x64xf32, #tpu.memory_space<hbm>> -> memref<1x50x64xf32, #tpu.memory_space<hbm>>
        %dma_wait3A_899 = tpu.memref_squeeze %dma_wait3A_898 : memref<1x50x64xf32, #tpu.memory_space<hbm>> -> memref<50x64xf32, #tpu.memory_space<hbm>>
        %dma_wait3A_900 = arith.constant 800 : i32
        %dma_wait3A_901 = arith.constant 0 : i32
        %dma_wait3A_902 = tpu.memref_slice %arg6[%dma_wait3A_900, %dma_wait3A_901] : memref<1600x64xf32, #tpu.memory_space<vmem>> -> memref<50x64xf32, #tpu.memory_space<vmem>>
        tpu.wait_dma2 semaphore(%run_scoped3A : memref<!tpu.dma_semaphore, #tpu.memory_space<semaphore_mem>>) src(%dma_wait3A_902 : memref<50x64xf32, #tpu.memory_space<vmem>>) dst(%dma_wait3A_899 : memref<50x64xf32, #tpu.memory_space<hbm>>)
        tpu.yield
      }) : () -> ()
      %jit3A_470 = arith.constant 50 : i32
      %div3A_471 = arith.divsi %add3A_13, %jit3A_470 : i32
      %sign3A_472 = arith.constant 0 : i32
      %sign3A_473 = arith.cmpi sgt, %add3A_13, %sign3A_472 : i32
      %sign3A_474 = arith.extui %sign3A_473 : i1 to i32
      %sign3A_475 = arith.constant 0 : i32
      %sign3A_476 = arith.cmpi slt, %add3A_13, %sign3A_475 : i32
      %sign3A_477 = arith.extui %sign3A_476 : i1 to i32
      %sign3A_478 = arith.subi %sign3A_474, %sign3A_477 : i32
      %sign3A_479 = arith.constant 0 : i32
      %sign3A_480 = arith.cmpi sgt, %jit3A_470, %sign3A_479 : i32
      %sign3A_481 = arith.extui %sign3A_480 : i1 to i32
      %sign3A_482 = arith.constant 0 : i32
      %sign3A_483 = arith.cmpi slt, %jit3A_470, %sign3A_482 : i32
      %sign3A_484 = arith.extui %sign3A_483 : i1 to i32
      %sign3A_485 = arith.subi %sign3A_481, %sign3A_484 : i32
      %ne3A_486 = arith.cmpi ne, %sign3A_478, %sign3A_485 : i32
      %rem3A_487 = arith.remsi %add3A_13, %jit3A_470 : i32
      %ne3A_488 = arith.constant 0 : i32
      %ne3A_489 = arith.cmpi ne, %rem3A_487, %ne3A_488 : i32
      %and3A_490 = arith.andi %ne3A_486, %ne3A_489 : i1
      %sub3A_491 = arith.constant 1 : i32
      %sub3A_492 = arith.subi %div3A_471, %sub3A_491 : i32
      %select_n3A_493 = arith.select %and3A_490, %sub3A_492, %div3A_471 : i32
      %add3A_494 = arith.addi %mul3A_4, %select_n3A_493 : i32
      %add3A_495 = arith.constant 17 : i32
      %add3A_496 = arith.addi %add3A_494, %add3A_495 : i32
      "tpu.region"() ({
        %run_scoped3A = tpu.sem_alloc : memref<!tpu.dma_semaphore, #tpu.memory_space<semaphore_mem>>
        %dma_start3A_875 = arith.constant 850 : i32
        %dma_start3A_876 = arith.constant 0 : i32
        %dma_start3A_877 = tpu.memref_slice %arg6[%dma_start3A_875, %dma_start3A_876] : memref<1600x64xf32, #tpu.memory_space<vmem>> -> memref<50x64xf32, #tpu.memory_space<vmem>>
        %dma_start3A_878 = arith.constant 0 : i32
        %dma_start3A_879 = arith.constant 0 : i32
        %dma_start3A_880 = tpu.memref_slice %arg4[%add3A_496, %dma_start3A_878, %dma_start3A_879] : memref<4096x50x64xf32, #tpu.memory_space<hbm>> -> memref<1x50x64xf32, #tpu.memory_space<hbm>>
        %dma_start3A_881 = tpu.memref_squeeze %dma_start3A_880 : memref<1x50x64xf32, #tpu.memory_space<hbm>> -> memref<50x64xf32, #tpu.memory_space<hbm>>
        %dma_start3A_882 = arith.constant 0 : i32
        %dma_start3A_883 = arith.constant 0 : i32
        %dma_start3A_884 = tpu.memref_slice %arg4[%add3A_496, %dma_start3A_882, %dma_start3A_883] : memref<4096x50x64xf32, #tpu.memory_space<hbm>> -> memref<1x50x64xf32, #tpu.memory_space<hbm>>
        %dma_start3A_885 = tpu.memref_squeeze %dma_start3A_884 : memref<1x50x64xf32, #tpu.memory_space<hbm>> -> memref<50x64xf32, #tpu.memory_space<hbm>>
        %dma_start3A_886 = arith.constant 850 : i32
        %dma_start3A_887 = arith.constant 0 : i32
        %dma_start3A_888 = tpu.memref_slice %arg6[%dma_start3A_886, %dma_start3A_887] : memref<1600x64xf32, #tpu.memory_space<vmem>> -> memref<50x64xf32, #tpu.memory_space<vmem>>
        tpu.enqueue_dma source(%dma_start3A_888 : memref<50x64xf32, #tpu.memory_space<vmem>>) target(%dma_start3A_885 : memref<50x64xf32, #tpu.memory_space<hbm>>) target_semaphore(%run_scoped3A : memref<!tpu.dma_semaphore, #tpu.memory_space<semaphore_mem>>)
        %dma_wait3A_889 = arith.constant 850 : i32
        %dma_wait3A_890 = arith.constant 0 : i32
        %dma_wait3A_891 = tpu.memref_slice %arg6[%dma_wait3A_889, %dma_wait3A_890] : memref<1600x64xf32, #tpu.memory_space<vmem>> -> memref<50x64xf32, #tpu.memory_space<vmem>>
        %dma_wait3A_892 = arith.constant 0 : i32
        %dma_wait3A_893 = arith.constant 0 : i32
        %dma_wait3A_894 = tpu.memref_slice %arg4[%add3A_496, %dma_wait3A_892, %dma_wait3A_893] : memref<4096x50x64xf32, #tpu.memory_space<hbm>> -> memref<1x50x64xf32, #tpu.memory_space<hbm>>
        %dma_wait3A_895 = tpu.memref_squeeze %dma_wait3A_894 : memref<1x50x64xf32, #tpu.memory_space<hbm>> -> memref<50x64xf32, #tpu.memory_space<hbm>>
        %dma_wait3A_896 = arith.constant 0 : i32
        %dma_wait3A_897 = arith.constant 0 : i32
        %dma_wait3A_898 = tpu.memref_slice %arg4[%add3A_496, %dma_wait3A_896, %dma_wait3A_897] : memref<4096x50x64xf32, #tpu.memory_space<hbm>> -> memref<1x50x64xf32, #tpu.memory_space<hbm>>
        %dma_wait3A_899 = tpu.memref_squeeze %dma_wait3A_898 : memref<1x50x64xf32, #tpu.memory_space<hbm>> -> memref<50x64xf32, #tpu.memory_space<hbm>>
        %dma_wait3A_900 = arith.constant 850 : i32
        %dma_wait3A_901 = arith.constant 0 : i32
        %dma_wait3A_902 = tpu.memref_slice %arg6[%dma_wait3A_900, %dma_wait3A_901] : memref<1600x64xf32, #tpu.memory_space<vmem>> -> memref<50x64xf32, #tpu.memory_space<vmem>>
        tpu.wait_dma2 semaphore(%run_scoped3A : memref<!tpu.dma_semaphore, #tpu.memory_space<semaphore_mem>>) src(%dma_wait3A_902 : memref<50x64xf32, #tpu.memory_space<vmem>>) dst(%dma_wait3A_899 : memref<50x64xf32, #tpu.memory_space<hbm>>)
        tpu.yield
      }) : () -> ()
      %jit3A_497 = arith.constant 50 : i32
      %div3A_498 = arith.divsi %add3A_13, %jit3A_497 : i32
      %sign3A_499 = arith.constant 0 : i32
      %sign3A_500 = arith.cmpi sgt, %add3A_13, %sign3A_499 : i32
      %sign3A_501 = arith.extui %sign3A_500 : i1 to i32
      %sign3A_502 = arith.constant 0 : i32
      %sign3A_503 = arith.cmpi slt, %add3A_13, %sign3A_502 : i32
      %sign3A_504 = arith.extui %sign3A_503 : i1 to i32
      %sign3A_505 = arith.subi %sign3A_501, %sign3A_504 : i32
      %sign3A_506 = arith.constant 0 : i32
      %sign3A_507 = arith.cmpi sgt, %jit3A_497, %sign3A_506 : i32
      %sign3A_508 = arith.extui %sign3A_507 : i1 to i32
      %sign3A_509 = arith.constant 0 : i32
      %sign3A_510 = arith.cmpi slt, %jit3A_497, %sign3A_509 : i32
      %sign3A_511 = arith.extui %sign3A_510 : i1 to i32
      %sign3A_512 = arith.subi %sign3A_508, %sign3A_511 : i32
      %ne3A_513 = arith.cmpi ne, %sign3A_505, %sign3A_512 : i32
      %rem3A_514 = arith.remsi %add3A_13, %jit3A_497 : i32
      %ne3A_515 = arith.constant 0 : i32
      %ne3A_516 = arith.cmpi ne, %rem3A_514, %ne3A_515 : i32
      %and3A_517 = arith.andi %ne3A_513, %ne3A_516 : i1
      %sub3A_518 = arith.constant 1 : i32
      %sub3A_519 = arith.subi %div3A_498, %sub3A_518 : i32
      %select_n3A_520 = arith.select %and3A_517, %sub3A_519, %div3A_498 : i32
      %add3A_521 = arith.addi %mul3A_4, %select_n3A_520 : i32
      %add3A_522 = arith.constant 18 : i32
      %add3A_523 = arith.addi %add3A_521, %add3A_522 : i32
      "tpu.region"() ({
        %run_scoped3A = tpu.sem_alloc : memref<!tpu.dma_semaphore, #tpu.memory_space<semaphore_mem>>
        %dma_start3A_875 = arith.constant 900 : i32
        %dma_start3A_876 = arith.constant 0 : i32
        %dma_start3A_877 = tpu.memref_slice %arg6[%dma_start3A_875, %dma_start3A_876] : memref<1600x64xf32, #tpu.memory_space<vmem>> -> memref<50x64xf32, #tpu.memory_space<vmem>>
        %dma_start3A_878 = arith.constant 0 : i32
        %dma_start3A_879 = arith.constant 0 : i32
        %dma_start3A_880 = tpu.memref_slice %arg4[%add3A_523, %dma_start3A_878, %dma_start3A_879] : memref<4096x50x64xf32, #tpu.memory_space<hbm>> -> memref<1x50x64xf32, #tpu.memory_space<hbm>>
        %dma_start3A_881 = tpu.memref_squeeze %dma_start3A_880 : memref<1x50x64xf32, #tpu.memory_space<hbm>> -> memref<50x64xf32, #tpu.memory_space<hbm>>
        %dma_start3A_882 = arith.constant 0 : i32
        %dma_start3A_883 = arith.constant 0 : i32
        %dma_start3A_884 = tpu.memref_slice %arg4[%add3A_523, %dma_start3A_882, %dma_start3A_883] : memref<4096x50x64xf32, #tpu.memory_space<hbm>> -> memref<1x50x64xf32, #tpu.memory_space<hbm>>
        %dma_start3A_885 = tpu.memref_squeeze %dma_start3A_884 : memref<1x50x64xf32, #tpu.memory_space<hbm>> -> memref<50x64xf32, #tpu.memory_space<hbm>>
        %dma_start3A_886 = arith.constant 900 : i32
        %dma_start3A_887 = arith.constant 0 : i32
        %dma_start3A_888 = tpu.memref_slice %arg6[%dma_start3A_886, %dma_start3A_887] : memref<1600x64xf32, #tpu.memory_space<vmem>> -> memref<50x64xf32, #tpu.memory_space<vmem>>
        tpu.enqueue_dma source(%dma_start3A_888 : memref<50x64xf32, #tpu.memory_space<vmem>>) target(%dma_start3A_885 : memref<50x64xf32, #tpu.memory_space<hbm>>) target_semaphore(%run_scoped3A : memref<!tpu.dma_semaphore, #tpu.memory_space<semaphore_mem>>)
        %dma_wait3A_889 = arith.constant 900 : i32
        %dma_wait3A_890 = arith.constant 0 : i32
        %dma_wait3A_891 = tpu.memref_slice %arg6[%dma_wait3A_889, %dma_wait3A_890] : memref<1600x64xf32, #tpu.memory_space<vmem>> -> memref<50x64xf32, #tpu.memory_space<vmem>>
        %dma_wait3A_892 = arith.constant 0 : i32
        %dma_wait3A_893 = arith.constant 0 : i32
        %dma_wait3A_894 = tpu.memref_slice %arg4[%add3A_523, %dma_wait3A_892, %dma_wait3A_893] : memref<4096x50x64xf32, #tpu.memory_space<hbm>> -> memref<1x50x64xf32, #tpu.memory_space<hbm>>
        %dma_wait3A_895 = tpu.memref_squeeze %dma_wait3A_894 : memref<1x50x64xf32, #tpu.memory_space<hbm>> -> memref<50x64xf32, #tpu.memory_space<hbm>>
        %dma_wait3A_896 = arith.constant 0 : i32
        %dma_wait3A_897 = arith.constant 0 : i32
        %dma_wait3A_898 = tpu.memref_slice %arg4[%add3A_523, %dma_wait3A_896, %dma_wait3A_897] : memref<4096x50x64xf32, #tpu.memory_space<hbm>> -> memref<1x50x64xf32, #tpu.memory_space<hbm>>
        %dma_wait3A_899 = tpu.memref_squeeze %dma_wait3A_898 : memref<1x50x64xf32, #tpu.memory_space<hbm>> -> memref<50x64xf32, #tpu.memory_space<hbm>>
        %dma_wait3A_900 = arith.constant 900 : i32
        %dma_wait3A_901 = arith.constant 0 : i32
        %dma_wait3A_902 = tpu.memref_slice %arg6[%dma_wait3A_900, %dma_wait3A_901] : memref<1600x64xf32, #tpu.memory_space<vmem>> -> memref<50x64xf32, #tpu.memory_space<vmem>>
        tpu.wait_dma2 semaphore(%run_scoped3A : memref<!tpu.dma_semaphore, #tpu.memory_space<semaphore_mem>>) src(%dma_wait3A_902 : memref<50x64xf32, #tpu.memory_space<vmem>>) dst(%dma_wait3A_899 : memref<50x64xf32, #tpu.memory_space<hbm>>)
        tpu.yield
      }) : () -> ()
      %jit3A_524 = arith.constant 50 : i32
      %div3A_525 = arith.divsi %add3A_13, %jit3A_524 : i32
      %sign3A_526 = arith.constant 0 : i32
      %sign3A_527 = arith.cmpi sgt, %add3A_13, %sign3A_526 : i32
      %sign3A_528 = arith.extui %sign3A_527 : i1 to i32
      %sign3A_529 = arith.constant 0 : i32
      %sign3A_530 = arith.cmpi slt, %add3A_13, %sign3A_529 : i32
      %sign3A_531 = arith.extui %sign3A_530 : i1 to i32
      %sign3A_532 = arith.subi %sign3A_528, %sign3A_531 : i32
      %sign3A_533 = arith.constant 0 : i32
      %sign3A_534 = arith.cmpi sgt, %jit3A_524, %sign3A_533 : i32
      %sign3A_535 = arith.extui %sign3A_534 : i1 to i32
      %sign3A_536 = arith.constant 0 : i32
      %sign3A_537 = arith.cmpi slt, %jit3A_524, %sign3A_536 : i32
      %sign3A_538 = arith.extui %sign3A_537 : i1 to i32
      %sign3A_539 = arith.subi %sign3A_535, %sign3A_538 : i32
      %ne3A_540 = arith.cmpi ne, %sign3A_532, %sign3A_539 : i32
      %rem3A_541 = arith.remsi %add3A_13, %jit3A_524 : i32
      %ne3A_542 = arith.constant 0 : i32
      %ne3A_543 = arith.cmpi ne, %rem3A_541, %ne3A_542 : i32
      %and3A_544 = arith.andi %ne3A_540, %ne3A_543 : i1
      %sub3A_545 = arith.constant 1 : i32
      %sub3A_546 = arith.subi %div3A_525, %sub3A_545 : i32
      %select_n3A_547 = arith.select %and3A_544, %sub3A_546, %div3A_525 : i32
      %add3A_548 = arith.addi %mul3A_4, %select_n3A_547 : i32
      %add3A_549 = arith.constant 19 : i32
      %add3A_550 = arith.addi %add3A_548, %add3A_549 : i32
      "tpu.region"() ({
        %run_scoped3A = tpu.sem_alloc : memref<!tpu.dma_semaphore, #tpu.memory_space<semaphore_mem>>
        %dma_start3A_875 = arith.constant 950 : i32
        %dma_start3A_876 = arith.constant 0 : i32
        %dma_start3A_877 = tpu.memref_slice %arg6[%dma_start3A_875, %dma_start3A_876] : memref<1600x64xf32, #tpu.memory_space<vmem>> -> memref<50x64xf32, #tpu.memory_space<vmem>>
        %dma_start3A_878 = arith.constant 0 : i32
        %dma_start3A_879 = arith.constant 0 : i32
        %dma_start3A_880 = tpu.memref_slice %arg4[%add3A_550, %dma_start3A_878, %dma_start3A_879] : memref<4096x50x64xf32, #tpu.memory_space<hbm>> -> memref<1x50x64xf32, #tpu.memory_space<hbm>>
        %dma_start3A_881 = tpu.memref_squeeze %dma_start3A_880 : memref<1x50x64xf32, #tpu.memory_space<hbm>> -> memref<50x64xf32, #tpu.memory_space<hbm>>
        %dma_start3A_882 = arith.constant 0 : i32
        %dma_start3A_883 = arith.constant 0 : i32
        %dma_start3A_884 = tpu.memref_slice %arg4[%add3A_550, %dma_start3A_882, %dma_start3A_883] : memref<4096x50x64xf32, #tpu.memory_space<hbm>> -> memref<1x50x64xf32, #tpu.memory_space<hbm>>
        %dma_start3A_885 = tpu.memref_squeeze %dma_start3A_884 : memref<1x50x64xf32, #tpu.memory_space<hbm>> -> memref<50x64xf32, #tpu.memory_space<hbm>>
        %dma_start3A_886 = arith.constant 950 : i32
        %dma_start3A_887 = arith.constant 0 : i32
        %dma_start3A_888 = tpu.memref_slice %arg6[%dma_start3A_886, %dma_start3A_887] : memref<1600x64xf32, #tpu.memory_space<vmem>> -> memref<50x64xf32, #tpu.memory_space<vmem>>
        tpu.enqueue_dma source(%dma_start3A_888 : memref<50x64xf32, #tpu.memory_space<vmem>>) target(%dma_start3A_885 : memref<50x64xf32, #tpu.memory_space<hbm>>) target_semaphore(%run_scoped3A : memref<!tpu.dma_semaphore, #tpu.memory_space<semaphore_mem>>)
        %dma_wait3A_889 = arith.constant 950 : i32
        %dma_wait3A_890 = arith.constant 0 : i32
        %dma_wait3A_891 = tpu.memref_slice %arg6[%dma_wait3A_889, %dma_wait3A_890] : memref<1600x64xf32, #tpu.memory_space<vmem>> -> memref<50x64xf32, #tpu.memory_space<vmem>>
        %dma_wait3A_892 = arith.constant 0 : i32
        %dma_wait3A_893 = arith.constant 0 : i32
        %dma_wait3A_894 = tpu.memref_slice %arg4[%add3A_550, %dma_wait3A_892, %dma_wait3A_893] : memref<4096x50x64xf32, #tpu.memory_space<hbm>> -> memref<1x50x64xf32, #tpu.memory_space<hbm>>
        %dma_wait3A_895 = tpu.memref_squeeze %dma_wait3A_894 : memref<1x50x64xf32, #tpu.memory_space<hbm>> -> memref<50x64xf32, #tpu.memory_space<hbm>>
        %dma_wait3A_896 = arith.constant 0 : i32
        %dma_wait3A_897 = arith.constant 0 : i32
        %dma_wait3A_898 = tpu.memref_slice %arg4[%add3A_550, %dma_wait3A_896, %dma_wait3A_897] : memref<4096x50x64xf32, #tpu.memory_space<hbm>> -> memref<1x50x64xf32, #tpu.memory_space<hbm>>
        %dma_wait3A_899 = tpu.memref_squeeze %dma_wait3A_898 : memref<1x50x64xf32, #tpu.memory_space<hbm>> -> memref<50x64xf32, #tpu.memory_space<hbm>>
        %dma_wait3A_900 = arith.constant 950 : i32
        %dma_wait3A_901 = arith.constant 0 : i32
        %dma_wait3A_902 = tpu.memref_slice %arg6[%dma_wait3A_900, %dma_wait3A_901] : memref<1600x64xf32, #tpu.memory_space<vmem>> -> memref<50x64xf32, #tpu.memory_space<vmem>>
        tpu.wait_dma2 semaphore(%run_scoped3A : memref<!tpu.dma_semaphore, #tpu.memory_space<semaphore_mem>>) src(%dma_wait3A_902 : memref<50x64xf32, #tpu.memory_space<vmem>>) dst(%dma_wait3A_899 : memref<50x64xf32, #tpu.memory_space<hbm>>)
        tpu.yield
      }) : () -> ()
      %jit3A_551 = arith.constant 50 : i32
      %div3A_552 = arith.divsi %add3A_13, %jit3A_551 : i32
      %sign3A_553 = arith.constant 0 : i32
      %sign3A_554 = arith.cmpi sgt, %add3A_13, %sign3A_553 : i32
      %sign3A_555 = arith.extui %sign3A_554 : i1 to i32
      %sign3A_556 = arith.constant 0 : i32
      %sign3A_557 = arith.cmpi slt, %add3A_13, %sign3A_556 : i32
      %sign3A_558 = arith.extui %sign3A_557 : i1 to i32
      %sign3A_559 = arith.subi %sign3A_555, %sign3A_558 : i32
      %sign3A_560 = arith.constant 0 : i32
      %sign3A_561 = arith.cmpi sgt, %jit3A_551, %sign3A_560 : i32
      %sign3A_562 = arith.extui %sign3A_561 : i1 to i32
      %sign3A_563 = arith.constant 0 : i32
      %sign3A_564 = arith.cmpi slt, %jit3A_551, %sign3A_563 : i32
      %sign3A_565 = arith.extui %sign3A_564 : i1 to i32
      %sign3A_566 = arith.subi %sign3A_562, %sign3A_565 : i32
      %ne3A_567 = arith.cmpi ne, %sign3A_559, %sign3A_566 : i32
      %rem3A_568 = arith.remsi %add3A_13, %jit3A_551 : i32
      %ne3A_569 = arith.constant 0 : i32
      %ne3A_570 = arith.cmpi ne, %rem3A_568, %ne3A_569 : i32
      %and3A_571 = arith.andi %ne3A_567, %ne3A_570 : i1
      %sub3A_572 = arith.constant 1 : i32
      %sub3A_573 = arith.subi %div3A_552, %sub3A_572 : i32
      %select_n3A_574 = arith.select %and3A_571, %sub3A_573, %div3A_552 : i32
      %add3A_575 = arith.addi %mul3A_4, %select_n3A_574 : i32
      %add3A_576 = arith.constant 20 : i32
      %add3A_577 = arith.addi %add3A_575, %add3A_576 : i32
      "tpu.region"() ({
        %run_scoped3A = tpu.sem_alloc : memref<!tpu.dma_semaphore, #tpu.memory_space<semaphore_mem>>
        %dma_start3A_875 = arith.constant 1000 : i32
        %dma_start3A_876 = arith.constant 0 : i32
        %dma_start3A_877 = tpu.memref_slice %arg6[%dma_start3A_875, %dma_start3A_876] : memref<1600x64xf32, #tpu.memory_space<vmem>> -> memref<50x64xf32, #tpu.memory_space<vmem>>
        %dma_start3A_878 = arith.constant 0 : i32
        %dma_start3A_879 = arith.constant 0 : i32
        %dma_start3A_880 = tpu.memref_slice %arg4[%add3A_577, %dma_start3A_878, %dma_start3A_879] : memref<4096x50x64xf32, #tpu.memory_space<hbm>> -> memref<1x50x64xf32, #tpu.memory_space<hbm>>
        %dma_start3A_881 = tpu.memref_squeeze %dma_start3A_880 : memref<1x50x64xf32, #tpu.memory_space<hbm>> -> memref<50x64xf32, #tpu.memory_space<hbm>>
        %dma_start3A_882 = arith.constant 0 : i32
        %dma_start3A_883 = arith.constant 0 : i32
        %dma_start3A_884 = tpu.memref_slice %arg4[%add3A_577, %dma_start3A_882, %dma_start3A_883] : memref<4096x50x64xf32, #tpu.memory_space<hbm>> -> memref<1x50x64xf32, #tpu.memory_space<hbm>>
        %dma_start3A_885 = tpu.memref_squeeze %dma_start3A_884 : memref<1x50x64xf32, #tpu.memory_space<hbm>> -> memref<50x64xf32, #tpu.memory_space<hbm>>
        %dma_start3A_886 = arith.constant 1000 : i32
        %dma_start3A_887 = arith.constant 0 : i32
        %dma_start3A_888 = tpu.memref_slice %arg6[%dma_start3A_886, %dma_start3A_887] : memref<1600x64xf32, #tpu.memory_space<vmem>> -> memref<50x64xf32, #tpu.memory_space<vmem>>
        tpu.enqueue_dma source(%dma_start3A_888 : memref<50x64xf32, #tpu.memory_space<vmem>>) target(%dma_start3A_885 : memref<50x64xf32, #tpu.memory_space<hbm>>) target_semaphore(%run_scoped3A : memref<!tpu.dma_semaphore, #tpu.memory_space<semaphore_mem>>)
        %dma_wait3A_889 = arith.constant 1000 : i32
        %dma_wait3A_890 = arith.constant 0 : i32
        %dma_wait3A_891 = tpu.memref_slice %arg6[%dma_wait3A_889, %dma_wait3A_890] : memref<1600x64xf32, #tpu.memory_space<vmem>> -> memref<50x64xf32, #tpu.memory_space<vmem>>
        %dma_wait3A_892 = arith.constant 0 : i32
        %dma_wait3A_893 = arith.constant 0 : i32
        %dma_wait3A_894 = tpu.memref_slice %arg4[%add3A_577, %dma_wait3A_892, %dma_wait3A_893] : memref<4096x50x64xf32, #tpu.memory_space<hbm>> -> memref<1x50x64xf32, #tpu.memory_space<hbm>>
        %dma_wait3A_895 = tpu.memref_squeeze %dma_wait3A_894 : memref<1x50x64xf32, #tpu.memory_space<hbm>> -> memref<50x64xf32, #tpu.memory_space<hbm>>
        %dma_wait3A_896 = arith.constant 0 : i32
        %dma_wait3A_897 = arith.constant 0 : i32
        %dma_wait3A_898 = tpu.memref_slice %arg4[%add3A_577, %dma_wait3A_896, %dma_wait3A_897] : memref<4096x50x64xf32, #tpu.memory_space<hbm>> -> memref<1x50x64xf32, #tpu.memory_space<hbm>>
        %dma_wait3A_899 = tpu.memref_squeeze %dma_wait3A_898 : memref<1x50x64xf32, #tpu.memory_space<hbm>> -> memref<50x64xf32, #tpu.memory_space<hbm>>
        %dma_wait3A_900 = arith.constant 1000 : i32
        %dma_wait3A_901 = arith.constant 0 : i32
        %dma_wait3A_902 = tpu.memref_slice %arg6[%dma_wait3A_900, %dma_wait3A_901] : memref<1600x64xf32, #tpu.memory_space<vmem>> -> memref<50x64xf32, #tpu.memory_space<vmem>>
        tpu.wait_dma2 semaphore(%run_scoped3A : memref<!tpu.dma_semaphore, #tpu.memory_space<semaphore_mem>>) src(%dma_wait3A_902 : memref<50x64xf32, #tpu.memory_space<vmem>>) dst(%dma_wait3A_899 : memref<50x64xf32, #tpu.memory_space<hbm>>)
        tpu.yield
      }) : () -> ()
      %jit3A_578 = arith.constant 50 : i32
      %div3A_579 = arith.divsi %add3A_13, %jit3A_578 : i32
      %sign3A_580 = arith.constant 0 : i32
      %sign3A_581 = arith.cmpi sgt, %add3A_13, %sign3A_580 : i32
      %sign3A_582 = arith.extui %sign3A_581 : i1 to i32
      %sign3A_583 = arith.constant 0 : i32
      %sign3A_584 = arith.cmpi slt, %add3A_13, %sign3A_583 : i32
      %sign3A_585 = arith.extui %sign3A_584 : i1 to i32
      %sign3A_586 = arith.subi %sign3A_582, %sign3A_585 : i32
      %sign3A_587 = arith.constant 0 : i32
      %sign3A_588 = arith.cmpi sgt, %jit3A_578, %sign3A_587 : i32
      %sign3A_589 = arith.extui %sign3A_588 : i1 to i32
      %sign3A_590 = arith.constant 0 : i32
      %sign3A_591 = arith.cmpi slt, %jit3A_578, %sign3A_590 : i32
      %sign3A_592 = arith.extui %sign3A_591 : i1 to i32
      %sign3A_593 = arith.subi %sign3A_589, %sign3A_592 : i32
      %ne3A_594 = arith.cmpi ne, %sign3A_586, %sign3A_593 : i32
      %rem3A_595 = arith.remsi %add3A_13, %jit3A_578 : i32
      %ne3A_596 = arith.constant 0 : i32
      %ne3A_597 = arith.cmpi ne, %rem3A_595, %ne3A_596 : i32
      %and3A_598 = arith.andi %ne3A_594, %ne3A_597 : i1
      %sub3A_599 = arith.constant 1 : i32
      %sub3A_600 = arith.subi %div3A_579, %sub3A_599 : i32
      %select_n3A_601 = arith.select %and3A_598, %sub3A_600, %div3A_579 : i32
      %add3A_602 = arith.addi %mul3A_4, %select_n3A_601 : i32
      %add3A_603 = arith.constant 21 : i32
      %add3A_604 = arith.addi %add3A_602, %add3A_603 : i32
      "tpu.region"() ({
        %run_scoped3A = tpu.sem_alloc : memref<!tpu.dma_semaphore, #tpu.memory_space<semaphore_mem>>
        %dma_start3A_875 = arith.constant 1050 : i32
        %dma_start3A_876 = arith.constant 0 : i32
        %dma_start3A_877 = tpu.memref_slice %arg6[%dma_start3A_875, %dma_start3A_876] : memref<1600x64xf32, #tpu.memory_space<vmem>> -> memref<50x64xf32, #tpu.memory_space<vmem>>
        %dma_start3A_878 = arith.constant 0 : i32
        %dma_start3A_879 = arith.constant 0 : i32
        %dma_start3A_880 = tpu.memref_slice %arg4[%add3A_604, %dma_start3A_878, %dma_start3A_879] : memref<4096x50x64xf32, #tpu.memory_space<hbm>> -> memref<1x50x64xf32, #tpu.memory_space<hbm>>
        %dma_start3A_881 = tpu.memref_squeeze %dma_start3A_880 : memref<1x50x64xf32, #tpu.memory_space<hbm>> -> memref<50x64xf32, #tpu.memory_space<hbm>>
        %dma_start3A_882 = arith.constant 0 : i32
        %dma_start3A_883 = arith.constant 0 : i32
        %dma_start3A_884 = tpu.memref_slice %arg4[%add3A_604, %dma_start3A_882, %dma_start3A_883] : memref<4096x50x64xf32, #tpu.memory_space<hbm>> -> memref<1x50x64xf32, #tpu.memory_space<hbm>>
        %dma_start3A_885 = tpu.memref_squeeze %dma_start3A_884 : memref<1x50x64xf32, #tpu.memory_space<hbm>> -> memref<50x64xf32, #tpu.memory_space<hbm>>
        %dma_start3A_886 = arith.constant 1050 : i32
        %dma_start3A_887 = arith.constant 0 : i32
        %dma_start3A_888 = tpu.memref_slice %arg6[%dma_start3A_886, %dma_start3A_887] : memref<1600x64xf32, #tpu.memory_space<vmem>> -> memref<50x64xf32, #tpu.memory_space<vmem>>
        tpu.enqueue_dma source(%dma_start3A_888 : memref<50x64xf32, #tpu.memory_space<vmem>>) target(%dma_start3A_885 : memref<50x64xf32, #tpu.memory_space<hbm>>) target_semaphore(%run_scoped3A : memref<!tpu.dma_semaphore, #tpu.memory_space<semaphore_mem>>)
        %dma_wait3A_889 = arith.constant 1050 : i32
        %dma_wait3A_890 = arith.constant 0 : i32
        %dma_wait3A_891 = tpu.memref_slice %arg6[%dma_wait3A_889, %dma_wait3A_890] : memref<1600x64xf32, #tpu.memory_space<vmem>> -> memref<50x64xf32, #tpu.memory_space<vmem>>
        %dma_wait3A_892 = arith.constant 0 : i32
        %dma_wait3A_893 = arith.constant 0 : i32
        %dma_wait3A_894 = tpu.memref_slice %arg4[%add3A_604, %dma_wait3A_892, %dma_wait3A_893] : memref<4096x50x64xf32, #tpu.memory_space<hbm>> -> memref<1x50x64xf32, #tpu.memory_space<hbm>>
        %dma_wait3A_895 = tpu.memref_squeeze %dma_wait3A_894 : memref<1x50x64xf32, #tpu.memory_space<hbm>> -> memref<50x64xf32, #tpu.memory_space<hbm>>
        %dma_wait3A_896 = arith.constant 0 : i32
        %dma_wait3A_897 = arith.constant 0 : i32
        %dma_wait3A_898 = tpu.memref_slice %arg4[%add3A_604, %dma_wait3A_896, %dma_wait3A_897] : memref<4096x50x64xf32, #tpu.memory_space<hbm>> -> memref<1x50x64xf32, #tpu.memory_space<hbm>>
        %dma_wait3A_899 = tpu.memref_squeeze %dma_wait3A_898 : memref<1x50x64xf32, #tpu.memory_space<hbm>> -> memref<50x64xf32, #tpu.memory_space<hbm>>
        %dma_wait3A_900 = arith.constant 1050 : i32
        %dma_wait3A_901 = arith.constant 0 : i32
        %dma_wait3A_902 = tpu.memref_slice %arg6[%dma_wait3A_900, %dma_wait3A_901] : memref<1600x64xf32, #tpu.memory_space<vmem>> -> memref<50x64xf32, #tpu.memory_space<vmem>>
        tpu.wait_dma2 semaphore(%run_scoped3A : memref<!tpu.dma_semaphore, #tpu.memory_space<semaphore_mem>>) src(%dma_wait3A_902 : memref<50x64xf32, #tpu.memory_space<vmem>>) dst(%dma_wait3A_899 : memref<50x64xf32, #tpu.memory_space<hbm>>)
        tpu.yield
      }) : () -> ()
      %jit3A_605 = arith.constant 50 : i32
      %div3A_606 = arith.divsi %add3A_13, %jit3A_605 : i32
      %sign3A_607 = arith.constant 0 : i32
      %sign3A_608 = arith.cmpi sgt, %add3A_13, %sign3A_607 : i32
      %sign3A_609 = arith.extui %sign3A_608 : i1 to i32
      %sign3A_610 = arith.constant 0 : i32
      %sign3A_611 = arith.cmpi slt, %add3A_13, %sign3A_610 : i32
      %sign3A_612 = arith.extui %sign3A_611 : i1 to i32
      %sign3A_613 = arith.subi %sign3A_609, %sign3A_612 : i32
      %sign3A_614 = arith.constant 0 : i32
      %sign3A_615 = arith.cmpi sgt, %jit3A_605, %sign3A_614 : i32
      %sign3A_616 = arith.extui %sign3A_615 : i1 to i32
      %sign3A_617 = arith.constant 0 : i32
      %sign3A_618 = arith.cmpi slt, %jit3A_605, %sign3A_617 : i32
      %sign3A_619 = arith.extui %sign3A_618 : i1 to i32
      %sign3A_620 = arith.subi %sign3A_616, %sign3A_619 : i32
      %ne3A_621 = arith.cmpi ne, %sign3A_613, %sign3A_620 : i32
      %rem3A_622 = arith.remsi %add3A_13, %jit3A_605 : i32
      %ne3A_623 = arith.constant 0 : i32
      %ne3A_624 = arith.cmpi ne, %rem3A_622, %ne3A_623 : i32
      %and3A_625 = arith.andi %ne3A_621, %ne3A_624 : i1
      %sub3A_626 = arith.constant 1 : i32
      %sub3A_627 = arith.subi %div3A_606, %sub3A_626 : i32
      %select_n3A_628 = arith.select %and3A_625, %sub3A_627, %div3A_606 : i32
      %add3A_629 = arith.addi %mul3A_4, %select_n3A_628 : i32
      %add3A_630 = arith.constant 22 : i32
      %add3A_631 = arith.addi %add3A_629, %add3A_630 : i32
      "tpu.region"() ({
        %run_scoped3A = tpu.sem_alloc : memref<!tpu.dma_semaphore, #tpu.memory_space<semaphore_mem>>
        %dma_start3A_875 = arith.constant 1100 : i32
        %dma_start3A_876 = arith.constant 0 : i32
        %dma_start3A_877 = tpu.memref_slice %arg6[%dma_start3A_875, %dma_start3A_876] : memref<1600x64xf32, #tpu.memory_space<vmem>> -> memref<50x64xf32, #tpu.memory_space<vmem>>
        %dma_start3A_878 = arith.constant 0 : i32
        %dma_start3A_879 = arith.constant 0 : i32
        %dma_start3A_880 = tpu.memref_slice %arg4[%add3A_631, %dma_start3A_878, %dma_start3A_879] : memref<4096x50x64xf32, #tpu.memory_space<hbm>> -> memref<1x50x64xf32, #tpu.memory_space<hbm>>
        %dma_start3A_881 = tpu.memref_squeeze %dma_start3A_880 : memref<1x50x64xf32, #tpu.memory_space<hbm>> -> memref<50x64xf32, #tpu.memory_space<hbm>>
        %dma_start3A_882 = arith.constant 0 : i32
        %dma_start3A_883 = arith.constant 0 : i32
        %dma_start3A_884 = tpu.memref_slice %arg4[%add3A_631, %dma_start3A_882, %dma_start3A_883] : memref<4096x50x64xf32, #tpu.memory_space<hbm>> -> memref<1x50x64xf32, #tpu.memory_space<hbm>>
        %dma_start3A_885 = tpu.memref_squeeze %dma_start3A_884 : memref<1x50x64xf32, #tpu.memory_space<hbm>> -> memref<50x64xf32, #tpu.memory_space<hbm>>
        %dma_start3A_886 = arith.constant 1100 : i32
        %dma_start3A_887 = arith.constant 0 : i32
        %dma_start3A_888 = tpu.memref_slice %arg6[%dma_start3A_886, %dma_start3A_887] : memref<1600x64xf32, #tpu.memory_space<vmem>> -> memref<50x64xf32, #tpu.memory_space<vmem>>
        tpu.enqueue_dma source(%dma_start3A_888 : memref<50x64xf32, #tpu.memory_space<vmem>>) target(%dma_start3A_885 : memref<50x64xf32, #tpu.memory_space<hbm>>) target_semaphore(%run_scoped3A : memref<!tpu.dma_semaphore, #tpu.memory_space<semaphore_mem>>)
        %dma_wait3A_889 = arith.constant 1100 : i32
        %dma_wait3A_890 = arith.constant 0 : i32
        %dma_wait3A_891 = tpu.memref_slice %arg6[%dma_wait3A_889, %dma_wait3A_890] : memref<1600x64xf32, #tpu.memory_space<vmem>> -> memref<50x64xf32, #tpu.memory_space<vmem>>
        %dma_wait3A_892 = arith.constant 0 : i32
        %dma_wait3A_893 = arith.constant 0 : i32
        %dma_wait3A_894 = tpu.memref_slice %arg4[%add3A_631, %dma_wait3A_892, %dma_wait3A_893] : memref<4096x50x64xf32, #tpu.memory_space<hbm>> -> memref<1x50x64xf32, #tpu.memory_space<hbm>>
        %dma_wait3A_895 = tpu.memref_squeeze %dma_wait3A_894 : memref<1x50x64xf32, #tpu.memory_space<hbm>> -> memref<50x64xf32, #tpu.memory_space<hbm>>
        %dma_wait3A_896 = arith.constant 0 : i32
        %dma_wait3A_897 = arith.constant 0 : i32
        %dma_wait3A_898 = tpu.memref_slice %arg4[%add3A_631, %dma_wait3A_896, %dma_wait3A_897] : memref<4096x50x64xf32, #tpu.memory_space<hbm>> -> memref<1x50x64xf32, #tpu.memory_space<hbm>>
        %dma_wait3A_899 = tpu.memref_squeeze %dma_wait3A_898 : memref<1x50x64xf32, #tpu.memory_space<hbm>> -> memref<50x64xf32, #tpu.memory_space<hbm>>
        %dma_wait3A_900 = arith.constant 1100 : i32
        %dma_wait3A_901 = arith.constant 0 : i32
        %dma_wait3A_902 = tpu.memref_slice %arg6[%dma_wait3A_900, %dma_wait3A_901] : memref<1600x64xf32, #tpu.memory_space<vmem>> -> memref<50x64xf32, #tpu.memory_space<vmem>>
        tpu.wait_dma2 semaphore(%run_scoped3A : memref<!tpu.dma_semaphore, #tpu.memory_space<semaphore_mem>>) src(%dma_wait3A_902 : memref<50x64xf32, #tpu.memory_space<vmem>>) dst(%dma_wait3A_899 : memref<50x64xf32, #tpu.memory_space<hbm>>)
        tpu.yield
      }) : () -> ()
      %jit3A_632 = arith.constant 50 : i32
      %div3A_633 = arith.divsi %add3A_13, %jit3A_632 : i32
      %sign3A_634 = arith.constant 0 : i32
      %sign3A_635 = arith.cmpi sgt, %add3A_13, %sign3A_634 : i32
      %sign3A_636 = arith.extui %sign3A_635 : i1 to i32
      %sign3A_637 = arith.constant 0 : i32
      %sign3A_638 = arith.cmpi slt, %add3A_13, %sign3A_637 : i32
      %sign3A_639 = arith.extui %sign3A_638 : i1 to i32
      %sign3A_640 = arith.subi %sign3A_636, %sign3A_639 : i32
      %sign3A_641 = arith.constant 0 : i32
      %sign3A_642 = arith.cmpi sgt, %jit3A_632, %sign3A_641 : i32
      %sign3A_643 = arith.extui %sign3A_642 : i1 to i32
      %sign3A_644 = arith.constant 0 : i32
      %sign3A_645 = arith.cmpi slt, %jit3A_632, %sign3A_644 : i32
      %sign3A_646 = arith.extui %sign3A_645 : i1 to i32
      %sign3A_647 = arith.subi %sign3A_643, %sign3A_646 : i32
      %ne3A_648 = arith.cmpi ne, %sign3A_640, %sign3A_647 : i32
      %rem3A_649 = arith.remsi %add3A_13, %jit3A_632 : i32
      %ne3A_650 = arith.constant 0 : i32
      %ne3A_651 = arith.cmpi ne, %rem3A_649, %ne3A_650 : i32
      %and3A_652 = arith.andi %ne3A_648, %ne3A_651 : i1
      %sub3A_653 = arith.constant 1 : i32
      %sub3A_654 = arith.subi %div3A_633, %sub3A_653 : i32
      %select_n3A_655 = arith.select %and3A_652, %sub3A_654, %div3A_633 : i32
      %add3A_656 = arith.addi %mul3A_4, %select_n3A_655 : i32
      %add3A_657 = arith.constant 23 : i32
      %add3A_658 = arith.addi %add3A_656, %add3A_657 : i32
      "tpu.region"() ({
        %run_scoped3A = tpu.sem_alloc : memref<!tpu.dma_semaphore, #tpu.memory_space<semaphore_mem>>
        %dma_start3A_875 = arith.constant 1150 : i32
        %dma_start3A_876 = arith.constant 0 : i32
        %dma_start3A_877 = tpu.memref_slice %arg6[%dma_start3A_875, %dma_start3A_876] : memref<1600x64xf32, #tpu.memory_space<vmem>> -> memref<50x64xf32, #tpu.memory_space<vmem>>
        %dma_start3A_878 = arith.constant 0 : i32
        %dma_start3A_879 = arith.constant 0 : i32
        %dma_start3A_880 = tpu.memref_slice %arg4[%add3A_658, %dma_start3A_878, %dma_start3A_879] : memref<4096x50x64xf32, #tpu.memory_space<hbm>> -> memref<1x50x64xf32, #tpu.memory_space<hbm>>
        %dma_start3A_881 = tpu.memref_squeeze %dma_start3A_880 : memref<1x50x64xf32, #tpu.memory_space<hbm>> -> memref<50x64xf32, #tpu.memory_space<hbm>>
        %dma_start3A_882 = arith.constant 0 : i32
        %dma_start3A_883 = arith.constant 0 : i32
        %dma_start3A_884 = tpu.memref_slice %arg4[%add3A_658, %dma_start3A_882, %dma_start3A_883] : memref<4096x50x64xf32, #tpu.memory_space<hbm>> -> memref<1x50x64xf32, #tpu.memory_space<hbm>>
        %dma_start3A_885 = tpu.memref_squeeze %dma_start3A_884 : memref<1x50x64xf32, #tpu.memory_space<hbm>> -> memref<50x64xf32, #tpu.memory_space<hbm>>
        %dma_start3A_886 = arith.constant 1150 : i32
        %dma_start3A_887 = arith.constant 0 : i32
        %dma_start3A_888 = tpu.memref_slice %arg6[%dma_start3A_886, %dma_start3A_887] : memref<1600x64xf32, #tpu.memory_space<vmem>> -> memref<50x64xf32, #tpu.memory_space<vmem>>
        tpu.enqueue_dma source(%dma_start3A_888 : memref<50x64xf32, #tpu.memory_space<vmem>>) target(%dma_start3A_885 : memref<50x64xf32, #tpu.memory_space<hbm>>) target_semaphore(%run_scoped3A : memref<!tpu.dma_semaphore, #tpu.memory_space<semaphore_mem>>)
        %dma_wait3A_889 = arith.constant 1150 : i32
        %dma_wait3A_890 = arith.constant 0 : i32
        %dma_wait3A_891 = tpu.memref_slice %arg6[%dma_wait3A_889, %dma_wait3A_890] : memref<1600x64xf32, #tpu.memory_space<vmem>> -> memref<50x64xf32, #tpu.memory_space<vmem>>
        %dma_wait3A_892 = arith.constant 0 : i32
        %dma_wait3A_893 = arith.constant 0 : i32
        %dma_wait3A_894 = tpu.memref_slice %arg4[%add3A_658, %dma_wait3A_892, %dma_wait3A_893] : memref<4096x50x64xf32, #tpu.memory_space<hbm>> -> memref<1x50x64xf32, #tpu.memory_space<hbm>>
        %dma_wait3A_895 = tpu.memref_squeeze %dma_wait3A_894 : memref<1x50x64xf32, #tpu.memory_space<hbm>> -> memref<50x64xf32, #tpu.memory_space<hbm>>
        %dma_wait3A_896 = arith.constant 0 : i32
        %dma_wait3A_897 = arith.constant 0 : i32
        %dma_wait3A_898 = tpu.memref_slice %arg4[%add3A_658, %dma_wait3A_896, %dma_wait3A_897] : memref<4096x50x64xf32, #tpu.memory_space<hbm>> -> memref<1x50x64xf32, #tpu.memory_space<hbm>>
        %dma_wait3A_899 = tpu.memref_squeeze %dma_wait3A_898 : memref<1x50x64xf32, #tpu.memory_space<hbm>> -> memref<50x64xf32, #tpu.memory_space<hbm>>
        %dma_wait3A_900 = arith.constant 1150 : i32
        %dma_wait3A_901 = arith.constant 0 : i32
        %dma_wait3A_902 = tpu.memref_slice %arg6[%dma_wait3A_900, %dma_wait3A_901] : memref<1600x64xf32, #tpu.memory_space<vmem>> -> memref<50x64xf32, #tpu.memory_space<vmem>>
        tpu.wait_dma2 semaphore(%run_scoped3A : memref<!tpu.dma_semaphore, #tpu.memory_space<semaphore_mem>>) src(%dma_wait3A_902 : memref<50x64xf32, #tpu.memory_space<vmem>>) dst(%dma_wait3A_899 : memref<50x64xf32, #tpu.memory_space<hbm>>)
        tpu.yield
      }) : () -> ()
      %jit3A_659 = arith.constant 50 : i32
      %div3A_660 = arith.divsi %add3A_13, %jit3A_659 : i32
      %sign3A_661 = arith.constant 0 : i32
      %sign3A_662 = arith.cmpi sgt, %add3A_13, %sign3A_661 : i32
      %sign3A_663 = arith.extui %sign3A_662 : i1 to i32
      %sign3A_664 = arith.constant 0 : i32
      %sign3A_665 = arith.cmpi slt, %add3A_13, %sign3A_664 : i32
      %sign3A_666 = arith.extui %sign3A_665 : i1 to i32
      %sign3A_667 = arith.subi %sign3A_663, %sign3A_666 : i32
      %sign3A_668 = arith.constant 0 : i32
      %sign3A_669 = arith.cmpi sgt, %jit3A_659, %sign3A_668 : i32
      %sign3A_670 = arith.extui %sign3A_669 : i1 to i32
      %sign3A_671 = arith.constant 0 : i32
      %sign3A_672 = arith.cmpi slt, %jit3A_659, %sign3A_671 : i32
      %sign3A_673 = arith.extui %sign3A_672 : i1 to i32
      %sign3A_674 = arith.subi %sign3A_670, %sign3A_673 : i32
      %ne3A_675 = arith.cmpi ne, %sign3A_667, %sign3A_674 : i32
      %rem3A_676 = arith.remsi %add3A_13, %jit3A_659 : i32
      %ne3A_677 = arith.constant 0 : i32
      %ne3A_678 = arith.cmpi ne, %rem3A_676, %ne3A_677 : i32
      %and3A_679 = arith.andi %ne3A_675, %ne3A_678 : i1
      %sub3A_680 = arith.constant 1 : i32
      %sub3A_681 = arith.subi %div3A_660, %sub3A_680 : i32
      %select_n3A_682 = arith.select %and3A_679, %sub3A_681, %div3A_660 : i32
      %add3A_683 = arith.addi %mul3A_4, %select_n3A_682 : i32
      %add3A_684 = arith.constant 24 : i32
      %add3A_685 = arith.addi %add3A_683, %add3A_684 : i32
      "tpu.region"() ({
        %run_scoped3A = tpu.sem_alloc : memref<!tpu.dma_semaphore, #tpu.memory_space<semaphore_mem>>
        %dma_start3A_875 = arith.constant 1200 : i32
        %dma_start3A_876 = arith.constant 0 : i32
        %dma_start3A_877 = tpu.memref_slice %arg6[%dma_start3A_875, %dma_start3A_876] : memref<1600x64xf32, #tpu.memory_space<vmem>> -> memref<50x64xf32, #tpu.memory_space<vmem>>
        %dma_start3A_878 = arith.constant 0 : i32
        %dma_start3A_879 = arith.constant 0 : i32
        %dma_start3A_880 = tpu.memref_slice %arg4[%add3A_685, %dma_start3A_878, %dma_start3A_879] : memref<4096x50x64xf32, #tpu.memory_space<hbm>> -> memref<1x50x64xf32, #tpu.memory_space<hbm>>
        %dma_start3A_881 = tpu.memref_squeeze %dma_start3A_880 : memref<1x50x64xf32, #tpu.memory_space<hbm>> -> memref<50x64xf32, #tpu.memory_space<hbm>>
        %dma_start3A_882 = arith.constant 0 : i32
        %dma_start3A_883 = arith.constant 0 : i32
        %dma_start3A_884 = tpu.memref_slice %arg4[%add3A_685, %dma_start3A_882, %dma_start3A_883] : memref<4096x50x64xf32, #tpu.memory_space<hbm>> -> memref<1x50x64xf32, #tpu.memory_space<hbm>>
        %dma_start3A_885 = tpu.memref_squeeze %dma_start3A_884 : memref<1x50x64xf32, #tpu.memory_space<hbm>> -> memref<50x64xf32, #tpu.memory_space<hbm>>
        %dma_start3A_886 = arith.constant 1200 : i32
        %dma_start3A_887 = arith.constant 0 : i32
        %dma_start3A_888 = tpu.memref_slice %arg6[%dma_start3A_886, %dma_start3A_887] : memref<1600x64xf32, #tpu.memory_space<vmem>> -> memref<50x64xf32, #tpu.memory_space<vmem>>
        tpu.enqueue_dma source(%dma_start3A_888 : memref<50x64xf32, #tpu.memory_space<vmem>>) target(%dma_start3A_885 : memref<50x64xf32, #tpu.memory_space<hbm>>) target_semaphore(%run_scoped3A : memref<!tpu.dma_semaphore, #tpu.memory_space<semaphore_mem>>)
        %dma_wait3A_889 = arith.constant 1200 : i32
        %dma_wait3A_890 = arith.constant 0 : i32
        %dma_wait3A_891 = tpu.memref_slice %arg6[%dma_wait3A_889, %dma_wait3A_890] : memref<1600x64xf32, #tpu.memory_space<vmem>> -> memref<50x64xf32, #tpu.memory_space<vmem>>
        %dma_wait3A_892 = arith.constant 0 : i32
        %dma_wait3A_893 = arith.constant 0 : i32
        %dma_wait3A_894 = tpu.memref_slice %arg4[%add3A_685, %dma_wait3A_892, %dma_wait3A_893] : memref<4096x50x64xf32, #tpu.memory_space<hbm>> -> memref<1x50x64xf32, #tpu.memory_space<hbm>>
        %dma_wait3A_895 = tpu.memref_squeeze %dma_wait3A_894 : memref<1x50x64xf32, #tpu.memory_space<hbm>> -> memref<50x64xf32, #tpu.memory_space<hbm>>
        %dma_wait3A_896 = arith.constant 0 : i32
        %dma_wait3A_897 = arith.constant 0 : i32
        %dma_wait3A_898 = tpu.memref_slice %arg4[%add3A_685, %dma_wait3A_896, %dma_wait3A_897] : memref<4096x50x64xf32, #tpu.memory_space<hbm>> -> memref<1x50x64xf32, #tpu.memory_space<hbm>>
        %dma_wait3A_899 = tpu.memref_squeeze %dma_wait3A_898 : memref<1x50x64xf32, #tpu.memory_space<hbm>> -> memref<50x64xf32, #tpu.memory_space<hbm>>
        %dma_wait3A_900 = arith.constant 1200 : i32
        %dma_wait3A_901 = arith.constant 0 : i32
        %dma_wait3A_902 = tpu.memref_slice %arg6[%dma_wait3A_900, %dma_wait3A_901] : memref<1600x64xf32, #tpu.memory_space<vmem>> -> memref<50x64xf32, #tpu.memory_space<vmem>>
        tpu.wait_dma2 semaphore(%run_scoped3A : memref<!tpu.dma_semaphore, #tpu.memory_space<semaphore_mem>>) src(%dma_wait3A_902 : memref<50x64xf32, #tpu.memory_space<vmem>>) dst(%dma_wait3A_899 : memref<50x64xf32, #tpu.memory_space<hbm>>)
        tpu.yield
      }) : () -> ()
      %jit3A_686 = arith.constant 50 : i32
      %div3A_687 = arith.divsi %add3A_13, %jit3A_686 : i32
      %sign3A_688 = arith.constant 0 : i32
      %sign3A_689 = arith.cmpi sgt, %add3A_13, %sign3A_688 : i32
      %sign3A_690 = arith.extui %sign3A_689 : i1 to i32
      %sign3A_691 = arith.constant 0 : i32
      %sign3A_692 = arith.cmpi slt, %add3A_13, %sign3A_691 : i32
      %sign3A_693 = arith.extui %sign3A_692 : i1 to i32
      %sign3A_694 = arith.subi %sign3A_690, %sign3A_693 : i32
      %sign3A_695 = arith.constant 0 : i32
      %sign3A_696 = arith.cmpi sgt, %jit3A_686, %sign3A_695 : i32
      %sign3A_697 = arith.extui %sign3A_696 : i1 to i32
      %sign3A_698 = arith.constant 0 : i32
      %sign3A_699 = arith.cmpi slt, %jit3A_686, %sign3A_698 : i32
      %sign3A_700 = arith.extui %sign3A_699 : i1 to i32
      %sign3A_701 = arith.subi %sign3A_697, %sign3A_700 : i32
      %ne3A_702 = arith.cmpi ne, %sign3A_694, %sign3A_701 : i32
      %rem3A_703 = arith.remsi %add3A_13, %jit3A_686 : i32
      %ne3A_704 = arith.constant 0 : i32
      %ne3A_705 = arith.cmpi ne, %rem3A_703, %ne3A_704 : i32
      %and3A_706 = arith.andi %ne3A_702, %ne3A_705 : i1
      %sub3A_707 = arith.constant 1 : i32
      %sub3A_708 = arith.subi %div3A_687, %sub3A_707 : i32
      %select_n3A_709 = arith.select %and3A_706, %sub3A_708, %div3A_687 : i32
      %add3A_710 = arith.addi %mul3A_4, %select_n3A_709 : i32
      %add3A_711 = arith.constant 25 : i32
      %add3A_712 = arith.addi %add3A_710, %add3A_711 : i32
      "tpu.region"() ({
        %run_scoped3A = tpu.sem_alloc : memref<!tpu.dma_semaphore, #tpu.memory_space<semaphore_mem>>
        %dma_start3A_875 = arith.constant 1250 : i32
        %dma_start3A_876 = arith.constant 0 : i32
        %dma_start3A_877 = tpu.memref_slice %arg6[%dma_start3A_875, %dma_start3A_876] : memref<1600x64xf32, #tpu.memory_space<vmem>> -> memref<50x64xf32, #tpu.memory_space<vmem>>
        %dma_start3A_878 = arith.constant 0 : i32
        %dma_start3A_879 = arith.constant 0 : i32
        %dma_start3A_880 = tpu.memref_slice %arg4[%add3A_712, %dma_start3A_878, %dma_start3A_879] : memref<4096x50x64xf32, #tpu.memory_space<hbm>> -> memref<1x50x64xf32, #tpu.memory_space<hbm>>
        %dma_start3A_881 = tpu.memref_squeeze %dma_start3A_880 : memref<1x50x64xf32, #tpu.memory_space<hbm>> -> memref<50x64xf32, #tpu.memory_space<hbm>>
        %dma_start3A_882 = arith.constant 0 : i32
        %dma_start3A_883 = arith.constant 0 : i32
        %dma_start3A_884 = tpu.memref_slice %arg4[%add3A_712, %dma_start3A_882, %dma_start3A_883] : memref<4096x50x64xf32, #tpu.memory_space<hbm>> -> memref<1x50x64xf32, #tpu.memory_space<hbm>>
        %dma_start3A_885 = tpu.memref_squeeze %dma_start3A_884 : memref<1x50x64xf32, #tpu.memory_space<hbm>> -> memref<50x64xf32, #tpu.memory_space<hbm>>
        %dma_start3A_886 = arith.constant 1250 : i32
        %dma_start3A_887 = arith.constant 0 : i32
        %dma_start3A_888 = tpu.memref_slice %arg6[%dma_start3A_886, %dma_start3A_887] : memref<1600x64xf32, #tpu.memory_space<vmem>> -> memref<50x64xf32, #tpu.memory_space<vmem>>
        tpu.enqueue_dma source(%dma_start3A_888 : memref<50x64xf32, #tpu.memory_space<vmem>>) target(%dma_start3A_885 : memref<50x64xf32, #tpu.memory_space<hbm>>) target_semaphore(%run_scoped3A : memref<!tpu.dma_semaphore, #tpu.memory_space<semaphore_mem>>)
        %dma_wait3A_889 = arith.constant 1250 : i32
        %dma_wait3A_890 = arith.constant 0 : i32
        %dma_wait3A_891 = tpu.memref_slice %arg6[%dma_wait3A_889, %dma_wait3A_890] : memref<1600x64xf32, #tpu.memory_space<vmem>> -> memref<50x64xf32, #tpu.memory_space<vmem>>
        %dma_wait3A_892 = arith.constant 0 : i32
        %dma_wait3A_893 = arith.constant 0 : i32
        %dma_wait3A_894 = tpu.memref_slice %arg4[%add3A_712, %dma_wait3A_892, %dma_wait3A_893] : memref<4096x50x64xf32, #tpu.memory_space<hbm>> -> memref<1x50x64xf32, #tpu.memory_space<hbm>>
        %dma_wait3A_895 = tpu.memref_squeeze %dma_wait3A_894 : memref<1x50x64xf32, #tpu.memory_space<hbm>> -> memref<50x64xf32, #tpu.memory_space<hbm>>
        %dma_wait3A_896 = arith.constant 0 : i32
        %dma_wait3A_897 = arith.constant 0 : i32
        %dma_wait3A_898 = tpu.memref_slice %arg4[%add3A_712, %dma_wait3A_896, %dma_wait3A_897] : memref<4096x50x64xf32, #tpu.memory_space<hbm>> -> memref<1x50x64xf32, #tpu.memory_space<hbm>>
        %dma_wait3A_899 = tpu.memref_squeeze %dma_wait3A_898 : memref<1x50x64xf32, #tpu.memory_space<hbm>> -> memref<50x64xf32, #tpu.memory_space<hbm>>
        %dma_wait3A_900 = arith.constant 1250 : i32
        %dma_wait3A_901 = arith.constant 0 : i32
        %dma_wait3A_902 = tpu.memref_slice %arg6[%dma_wait3A_900, %dma_wait3A_901] : memref<1600x64xf32, #tpu.memory_space<vmem>> -> memref<50x64xf32, #tpu.memory_space<vmem>>
        tpu.wait_dma2 semaphore(%run_scoped3A : memref<!tpu.dma_semaphore, #tpu.memory_space<semaphore_mem>>) src(%dma_wait3A_902 : memref<50x64xf32, #tpu.memory_space<vmem>>) dst(%dma_wait3A_899 : memref<50x64xf32, #tpu.memory_space<hbm>>)
        tpu.yield
      }) : () -> ()
      %jit3A_713 = arith.constant 50 : i32
      %div3A_714 = arith.divsi %add3A_13, %jit3A_713 : i32
      %sign3A_715 = arith.constant 0 : i32
      %sign3A_716 = arith.cmpi sgt, %add3A_13, %sign3A_715 : i32
      %sign3A_717 = arith.extui %sign3A_716 : i1 to i32
      %sign3A_718 = arith.constant 0 : i32
      %sign3A_719 = arith.cmpi slt, %add3A_13, %sign3A_718 : i32
      %sign3A_720 = arith.extui %sign3A_719 : i1 to i32
      %sign3A_721 = arith.subi %sign3A_717, %sign3A_720 : i32
      %sign3A_722 = arith.constant 0 : i32
      %sign3A_723 = arith.cmpi sgt, %jit3A_713, %sign3A_722 : i32
      %sign3A_724 = arith.extui %sign3A_723 : i1 to i32
      %sign3A_725 = arith.constant 0 : i32
      %sign3A_726 = arith.cmpi slt, %jit3A_713, %sign3A_725 : i32
      %sign3A_727 = arith.extui %sign3A_726 : i1 to i32
      %sign3A_728 = arith.subi %sign3A_724, %sign3A_727 : i32
      %ne3A_729 = arith.cmpi ne, %sign3A_721, %sign3A_728 : i32
      %rem3A_730 = arith.remsi %add3A_13, %jit3A_713 : i32
      %ne3A_731 = arith.constant 0 : i32
      %ne3A_732 = arith.cmpi ne, %rem3A_730, %ne3A_731 : i32
      %and3A_733 = arith.andi %ne3A_729, %ne3A_732 : i1
      %sub3A_734 = arith.constant 1 : i32
      %sub3A_735 = arith.subi %div3A_714, %sub3A_734 : i32
      %select_n3A_736 = arith.select %and3A_733, %sub3A_735, %div3A_714 : i32
      %add3A_737 = arith.addi %mul3A_4, %select_n3A_736 : i32
      %add3A_738 = arith.constant 26 : i32
      %add3A_739 = arith.addi %add3A_737, %add3A_738 : i32
      "tpu.region"() ({
        %run_scoped3A = tpu.sem_alloc : memref<!tpu.dma_semaphore, #tpu.memory_space<semaphore_mem>>
        %dma_start3A_875 = arith.constant 1300 : i32
        %dma_start3A_876 = arith.constant 0 : i32
        %dma_start3A_877 = tpu.memref_slice %arg6[%dma_start3A_875, %dma_start3A_876] : memref<1600x64xf32, #tpu.memory_space<vmem>> -> memref<50x64xf32, #tpu.memory_space<vmem>>
        %dma_start3A_878 = arith.constant 0 : i32
        %dma_start3A_879 = arith.constant 0 : i32
        %dma_start3A_880 = tpu.memref_slice %arg4[%add3A_739, %dma_start3A_878, %dma_start3A_879] : memref<4096x50x64xf32, #tpu.memory_space<hbm>> -> memref<1x50x64xf32, #tpu.memory_space<hbm>>
        %dma_start3A_881 = tpu.memref_squeeze %dma_start3A_880 : memref<1x50x64xf32, #tpu.memory_space<hbm>> -> memref<50x64xf32, #tpu.memory_space<hbm>>
        %dma_start3A_882 = arith.constant 0 : i32
        %dma_start3A_883 = arith.constant 0 : i32
        %dma_start3A_884 = tpu.memref_slice %arg4[%add3A_739, %dma_start3A_882, %dma_start3A_883] : memref<4096x50x64xf32, #tpu.memory_space<hbm>> -> memref<1x50x64xf32, #tpu.memory_space<hbm>>
        %dma_start3A_885 = tpu.memref_squeeze %dma_start3A_884 : memref<1x50x64xf32, #tpu.memory_space<hbm>> -> memref<50x64xf32, #tpu.memory_space<hbm>>
        %dma_start3A_886 = arith.constant 1300 : i32
        %dma_start3A_887 = arith.constant 0 : i32
        %dma_start3A_888 = tpu.memref_slice %arg6[%dma_start3A_886, %dma_start3A_887] : memref<1600x64xf32, #tpu.memory_space<vmem>> -> memref<50x64xf32, #tpu.memory_space<vmem>>
        tpu.enqueue_dma source(%dma_start3A_888 : memref<50x64xf32, #tpu.memory_space<vmem>>) target(%dma_start3A_885 : memref<50x64xf32, #tpu.memory_space<hbm>>) target_semaphore(%run_scoped3A : memref<!tpu.dma_semaphore, #tpu.memory_space<semaphore_mem>>)
        %dma_wait3A_889 = arith.constant 1300 : i32
        %dma_wait3A_890 = arith.constant 0 : i32
        %dma_wait3A_891 = tpu.memref_slice %arg6[%dma_wait3A_889, %dma_wait3A_890] : memref<1600x64xf32, #tpu.memory_space<vmem>> -> memref<50x64xf32, #tpu.memory_space<vmem>>
        %dma_wait3A_892 = arith.constant 0 : i32
        %dma_wait3A_893 = arith.constant 0 : i32
        %dma_wait3A_894 = tpu.memref_slice %arg4[%add3A_739, %dma_wait3A_892, %dma_wait3A_893] : memref<4096x50x64xf32, #tpu.memory_space<hbm>> -> memref<1x50x64xf32, #tpu.memory_space<hbm>>
        %dma_wait3A_895 = tpu.memref_squeeze %dma_wait3A_894 : memref<1x50x64xf32, #tpu.memory_space<hbm>> -> memref<50x64xf32, #tpu.memory_space<hbm>>
        %dma_wait3A_896 = arith.constant 0 : i32
        %dma_wait3A_897 = arith.constant 0 : i32
        %dma_wait3A_898 = tpu.memref_slice %arg4[%add3A_739, %dma_wait3A_896, %dma_wait3A_897] : memref<4096x50x64xf32, #tpu.memory_space<hbm>> -> memref<1x50x64xf32, #tpu.memory_space<hbm>>
        %dma_wait3A_899 = tpu.memref_squeeze %dma_wait3A_898 : memref<1x50x64xf32, #tpu.memory_space<hbm>> -> memref<50x64xf32, #tpu.memory_space<hbm>>
        %dma_wait3A_900 = arith.constant 1300 : i32
        %dma_wait3A_901 = arith.constant 0 : i32
        %dma_wait3A_902 = tpu.memref_slice %arg6[%dma_wait3A_900, %dma_wait3A_901] : memref<1600x64xf32, #tpu.memory_space<vmem>> -> memref<50x64xf32, #tpu.memory_space<vmem>>
        tpu.wait_dma2 semaphore(%run_scoped3A : memref<!tpu.dma_semaphore, #tpu.memory_space<semaphore_mem>>) src(%dma_wait3A_902 : memref<50x64xf32, #tpu.memory_space<vmem>>) dst(%dma_wait3A_899 : memref<50x64xf32, #tpu.memory_space<hbm>>)
        tpu.yield
      }) : () -> ()
      %jit3A_740 = arith.constant 50 : i32
      %div3A_741 = arith.divsi %add3A_13, %jit3A_740 : i32
      %sign3A_742 = arith.constant 0 : i32
      %sign3A_743 = arith.cmpi sgt, %add3A_13, %sign3A_742 : i32
      %sign3A_744 = arith.extui %sign3A_743 : i1 to i32
      %sign3A_745 = arith.constant 0 : i32
      %sign3A_746 = arith.cmpi slt, %add3A_13, %sign3A_745 : i32
      %sign3A_747 = arith.extui %sign3A_746 : i1 to i32
      %sign3A_748 = arith.subi %sign3A_744, %sign3A_747 : i32
      %sign3A_749 = arith.constant 0 : i32
      %sign3A_750 = arith.cmpi sgt, %jit3A_740, %sign3A_749 : i32
      %sign3A_751 = arith.extui %sign3A_750 : i1 to i32
      %sign3A_752 = arith.constant 0 : i32
      %sign3A_753 = arith.cmpi slt, %jit3A_740, %sign3A_752 : i32
      %sign3A_754 = arith.extui %sign3A_753 : i1 to i32
      %sign3A_755 = arith.subi %sign3A_751, %sign3A_754 : i32
      %ne3A_756 = arith.cmpi ne, %sign3A_748, %sign3A_755 : i32
      %rem3A_757 = arith.remsi %add3A_13, %jit3A_740 : i32
      %ne3A_758 = arith.constant 0 : i32
      %ne3A_759 = arith.cmpi ne, %rem3A_757, %ne3A_758 : i32
      %and3A_760 = arith.andi %ne3A_756, %ne3A_759 : i1
      %sub3A_761 = arith.constant 1 : i32
      %sub3A_762 = arith.subi %div3A_741, %sub3A_761 : i32
      %select_n3A_763 = arith.select %and3A_760, %sub3A_762, %div3A_741 : i32
      %add3A_764 = arith.addi %mul3A_4, %select_n3A_763 : i32
      %add3A_765 = arith.constant 27 : i32
      %add3A_766 = arith.addi %add3A_764, %add3A_765 : i32
      "tpu.region"() ({
        %run_scoped3A = tpu.sem_alloc : memref<!tpu.dma_semaphore, #tpu.memory_space<semaphore_mem>>
        %dma_start3A_875 = arith.constant 1350 : i32
        %dma_start3A_876 = arith.constant 0 : i32
        %dma_start3A_877 = tpu.memref_slice %arg6[%dma_start3A_875, %dma_start3A_876] : memref<1600x64xf32, #tpu.memory_space<vmem>> -> memref<50x64xf32, #tpu.memory_space<vmem>>
        %dma_start3A_878 = arith.constant 0 : i32
        %dma_start3A_879 = arith.constant 0 : i32
        %dma_start3A_880 = tpu.memref_slice %arg4[%add3A_766, %dma_start3A_878, %dma_start3A_879] : memref<4096x50x64xf32, #tpu.memory_space<hbm>> -> memref<1x50x64xf32, #tpu.memory_space<hbm>>
        %dma_start3A_881 = tpu.memref_squeeze %dma_start3A_880 : memref<1x50x64xf32, #tpu.memory_space<hbm>> -> memref<50x64xf32, #tpu.memory_space<hbm>>
        %dma_start3A_882 = arith.constant 0 : i32
        %dma_start3A_883 = arith.constant 0 : i32
        %dma_start3A_884 = tpu.memref_slice %arg4[%add3A_766, %dma_start3A_882, %dma_start3A_883] : memref<4096x50x64xf32, #tpu.memory_space<hbm>> -> memref<1x50x64xf32, #tpu.memory_space<hbm>>
        %dma_start3A_885 = tpu.memref_squeeze %dma_start3A_884 : memref<1x50x64xf32, #tpu.memory_space<hbm>> -> memref<50x64xf32, #tpu.memory_space<hbm>>
        %dma_start3A_886 = arith.constant 1350 : i32
        %dma_start3A_887 = arith.constant 0 : i32
        %dma_start3A_888 = tpu.memref_slice %arg6[%dma_start3A_886, %dma_start3A_887] : memref<1600x64xf32, #tpu.memory_space<vmem>> -> memref<50x64xf32, #tpu.memory_space<vmem>>
        tpu.enqueue_dma source(%dma_start3A_888 : memref<50x64xf32, #tpu.memory_space<vmem>>) target(%dma_start3A_885 : memref<50x64xf32, #tpu.memory_space<hbm>>) target_semaphore(%run_scoped3A : memref<!tpu.dma_semaphore, #tpu.memory_space<semaphore_mem>>)
        %dma_wait3A_889 = arith.constant 1350 : i32
        %dma_wait3A_890 = arith.constant 0 : i32
        %dma_wait3A_891 = tpu.memref_slice %arg6[%dma_wait3A_889, %dma_wait3A_890] : memref<1600x64xf32, #tpu.memory_space<vmem>> -> memref<50x64xf32, #tpu.memory_space<vmem>>
        %dma_wait3A_892 = arith.constant 0 : i32
        %dma_wait3A_893 = arith.constant 0 : i32
        %dma_wait3A_894 = tpu.memref_slice %arg4[%add3A_766, %dma_wait3A_892, %dma_wait3A_893] : memref<4096x50x64xf32, #tpu.memory_space<hbm>> -> memref<1x50x64xf32, #tpu.memory_space<hbm>>
        %dma_wait3A_895 = tpu.memref_squeeze %dma_wait3A_894 : memref<1x50x64xf32, #tpu.memory_space<hbm>> -> memref<50x64xf32, #tpu.memory_space<hbm>>
        %dma_wait3A_896 = arith.constant 0 : i32
        %dma_wait3A_897 = arith.constant 0 : i32
        %dma_wait3A_898 = tpu.memref_slice %arg4[%add3A_766, %dma_wait3A_896, %dma_wait3A_897] : memref<4096x50x64xf32, #tpu.memory_space<hbm>> -> memref<1x50x64xf32, #tpu.memory_space<hbm>>
        %dma_wait3A_899 = tpu.memref_squeeze %dma_wait3A_898 : memref<1x50x64xf32, #tpu.memory_space<hbm>> -> memref<50x64xf32, #tpu.memory_space<hbm>>
        %dma_wait3A_900 = arith.constant 1350 : i32
        %dma_wait3A_901 = arith.constant 0 : i32
        %dma_wait3A_902 = tpu.memref_slice %arg6[%dma_wait3A_900, %dma_wait3A_901] : memref<1600x64xf32, #tpu.memory_space<vmem>> -> memref<50x64xf32, #tpu.memory_space<vmem>>
        tpu.wait_dma2 semaphore(%run_scoped3A : memref<!tpu.dma_semaphore, #tpu.memory_space<semaphore_mem>>) src(%dma_wait3A_902 : memref<50x64xf32, #tpu.memory_space<vmem>>) dst(%dma_wait3A_899 : memref<50x64xf32, #tpu.memory_space<hbm>>)
        tpu.yield
      }) : () -> ()
      %jit3A_767 = arith.constant 50 : i32
      %div3A_768 = arith.divsi %add3A_13, %jit3A_767 : i32
      %sign3A_769 = arith.constant 0 : i32
      %sign3A_770 = arith.cmpi sgt, %add3A_13, %sign3A_769 : i32
      %sign3A_771 = arith.extui %sign3A_770 : i1 to i32
      %sign3A_772 = arith.constant 0 : i32
      %sign3A_773 = arith.cmpi slt, %add3A_13, %sign3A_772 : i32
      %sign3A_774 = arith.extui %sign3A_773 : i1 to i32
      %sign3A_775 = arith.subi %sign3A_771, %sign3A_774 : i32
      %sign3A_776 = arith.constant 0 : i32
      %sign3A_777 = arith.cmpi sgt, %jit3A_767, %sign3A_776 : i32
      %sign3A_778 = arith.extui %sign3A_777 : i1 to i32
      %sign3A_779 = arith.constant 0 : i32
      %sign3A_780 = arith.cmpi slt, %jit3A_767, %sign3A_779 : i32
      %sign3A_781 = arith.extui %sign3A_780 : i1 to i32
      %sign3A_782 = arith.subi %sign3A_778, %sign3A_781 : i32
      %ne3A_783 = arith.cmpi ne, %sign3A_775, %sign3A_782 : i32
      %rem3A_784 = arith.remsi %add3A_13, %jit3A_767 : i32
      %ne3A_785 = arith.constant 0 : i32
      %ne3A_786 = arith.cmpi ne, %rem3A_784, %ne3A_785 : i32
      %and3A_787 = arith.andi %ne3A_783, %ne3A_786 : i1
      %sub3A_788 = arith.constant 1 : i32
      %sub3A_789 = arith.subi %div3A_768, %sub3A_788 : i32
      %select_n3A_790 = arith.select %and3A_787, %sub3A_789, %div3A_768 : i32
      %add3A_791 = arith.addi %mul3A_4, %select_n3A_790 : i32
      %add3A_792 = arith.constant 28 : i32
      %add3A_793 = arith.addi %add3A_791, %add3A_792 : i32
      "tpu.region"() ({
        %run_scoped3A = tpu.sem_alloc : memref<!tpu.dma_semaphore, #tpu.memory_space<semaphore_mem>>
        %dma_start3A_875 = arith.constant 1400 : i32
        %dma_start3A_876 = arith.constant 0 : i32
        %dma_start3A_877 = tpu.memref_slice %arg6[%dma_start3A_875, %dma_start3A_876] : memref<1600x64xf32, #tpu.memory_space<vmem>> -> memref<50x64xf32, #tpu.memory_space<vmem>>
        %dma_start3A_878 = arith.constant 0 : i32
        %dma_start3A_879 = arith.constant 0 : i32
        %dma_start3A_880 = tpu.memref_slice %arg4[%add3A_793, %dma_start3A_878, %dma_start3A_879] : memref<4096x50x64xf32, #tpu.memory_space<hbm>> -> memref<1x50x64xf32, #tpu.memory_space<hbm>>
        %dma_start3A_881 = tpu.memref_squeeze %dma_start3A_880 : memref<1x50x64xf32, #tpu.memory_space<hbm>> -> memref<50x64xf32, #tpu.memory_space<hbm>>
        %dma_start3A_882 = arith.constant 0 : i32
        %dma_start3A_883 = arith.constant 0 : i32
        %dma_start3A_884 = tpu.memref_slice %arg4[%add3A_793, %dma_start3A_882, %dma_start3A_883] : memref<4096x50x64xf32, #tpu.memory_space<hbm>> -> memref<1x50x64xf32, #tpu.memory_space<hbm>>
        %dma_start3A_885 = tpu.memref_squeeze %dma_start3A_884 : memref<1x50x64xf32, #tpu.memory_space<hbm>> -> memref<50x64xf32, #tpu.memory_space<hbm>>
        %dma_start3A_886 = arith.constant 1400 : i32
        %dma_start3A_887 = arith.constant 0 : i32
        %dma_start3A_888 = tpu.memref_slice %arg6[%dma_start3A_886, %dma_start3A_887] : memref<1600x64xf32, #tpu.memory_space<vmem>> -> memref<50x64xf32, #tpu.memory_space<vmem>>
        tpu.enqueue_dma source(%dma_start3A_888 : memref<50x64xf32, #tpu.memory_space<vmem>>) target(%dma_start3A_885 : memref<50x64xf32, #tpu.memory_space<hbm>>) target_semaphore(%run_scoped3A : memref<!tpu.dma_semaphore, #tpu.memory_space<semaphore_mem>>)
        %dma_wait3A_889 = arith.constant 1400 : i32
        %dma_wait3A_890 = arith.constant 0 : i32
        %dma_wait3A_891 = tpu.memref_slice %arg6[%dma_wait3A_889, %dma_wait3A_890] : memref<1600x64xf32, #tpu.memory_space<vmem>> -> memref<50x64xf32, #tpu.memory_space<vmem>>
        %dma_wait3A_892 = arith.constant 0 : i32
        %dma_wait3A_893 = arith.constant 0 : i32
        %dma_wait3A_894 = tpu.memref_slice %arg4[%add3A_793, %dma_wait3A_892, %dma_wait3A_893] : memref<4096x50x64xf32, #tpu.memory_space<hbm>> -> memref<1x50x64xf32, #tpu.memory_space<hbm>>
        %dma_wait3A_895 = tpu.memref_squeeze %dma_wait3A_894 : memref<1x50x64xf32, #tpu.memory_space<hbm>> -> memref<50x64xf32, #tpu.memory_space<hbm>>
        %dma_wait3A_896 = arith.constant 0 : i32
        %dma_wait3A_897 = arith.constant 0 : i32
        %dma_wait3A_898 = tpu.memref_slice %arg4[%add3A_793, %dma_wait3A_896, %dma_wait3A_897] : memref<4096x50x64xf32, #tpu.memory_space<hbm>> -> memref<1x50x64xf32, #tpu.memory_space<hbm>>
        %dma_wait3A_899 = tpu.memref_squeeze %dma_wait3A_898 : memref<1x50x64xf32, #tpu.memory_space<hbm>> -> memref<50x64xf32, #tpu.memory_space<hbm>>
        %dma_wait3A_900 = arith.constant 1400 : i32
        %dma_wait3A_901 = arith.constant 0 : i32
        %dma_wait3A_902 = tpu.memref_slice %arg6[%dma_wait3A_900, %dma_wait3A_901] : memref<1600x64xf32, #tpu.memory_space<vmem>> -> memref<50x64xf32, #tpu.memory_space<vmem>>
        tpu.wait_dma2 semaphore(%run_scoped3A : memref<!tpu.dma_semaphore, #tpu.memory_space<semaphore_mem>>) src(%dma_wait3A_902 : memref<50x64xf32, #tpu.memory_space<vmem>>) dst(%dma_wait3A_899 : memref<50x64xf32, #tpu.memory_space<hbm>>)
        tpu.yield
      }) : () -> ()
      %jit3A_794 = arith.constant 50 : i32
      %div3A_795 = arith.divsi %add3A_13, %jit3A_794 : i32
      %sign3A_796 = arith.constant 0 : i32
      %sign3A_797 = arith.cmpi sgt, %add3A_13, %sign3A_796 : i32
      %sign3A_798 = arith.extui %sign3A_797 : i1 to i32
      %sign3A_799 = arith.constant 0 : i32
      %sign3A_800 = arith.cmpi slt, %add3A_13, %sign3A_799 : i32
      %sign3A_801 = arith.extui %sign3A_800 : i1 to i32
      %sign3A_802 = arith.subi %sign3A_798, %sign3A_801 : i32
      %sign3A_803 = arith.constant 0 : i32
      %sign3A_804 = arith.cmpi sgt, %jit3A_794, %sign3A_803 : i32
      %sign3A_805 = arith.extui %sign3A_804 : i1 to i32
      %sign3A_806 = arith.constant 0 : i32
      %sign3A_807 = arith.cmpi slt, %jit3A_794, %sign3A_806 : i32
      %sign3A_808 = arith.extui %sign3A_807 : i1 to i32
      %sign3A_809 = arith.subi %sign3A_805, %sign3A_808 : i32
      %ne3A_810 = arith.cmpi ne, %sign3A_802, %sign3A_809 : i32
      %rem3A_811 = arith.remsi %add3A_13, %jit3A_794 : i32
      %ne3A_812 = arith.constant 0 : i32
      %ne3A_813 = arith.cmpi ne, %rem3A_811, %ne3A_812 : i32
      %and3A_814 = arith.andi %ne3A_810, %ne3A_813 : i1
      %sub3A_815 = arith.constant 1 : i32
      %sub3A_816 = arith.subi %div3A_795, %sub3A_815 : i32
      %select_n3A_817 = arith.select %and3A_814, %sub3A_816, %div3A_795 : i32
      %add3A_818 = arith.addi %mul3A_4, %select_n3A_817 : i32
      %add3A_819 = arith.constant 29 : i32
      %add3A_820 = arith.addi %add3A_818, %add3A_819 : i32
      "tpu.region"() ({
        %run_scoped3A = tpu.sem_alloc : memref<!tpu.dma_semaphore, #tpu.memory_space<semaphore_mem>>
        %dma_start3A_875 = arith.constant 1450 : i32
        %dma_start3A_876 = arith.constant 0 : i32
        %dma_start3A_877 = tpu.memref_slice %arg6[%dma_start3A_875, %dma_start3A_876] : memref<1600x64xf32, #tpu.memory_space<vmem>> -> memref<50x64xf32, #tpu.memory_space<vmem>>
        %dma_start3A_878 = arith.constant 0 : i32
        %dma_start3A_879 = arith.constant 0 : i32
        %dma_start3A_880 = tpu.memref_slice %arg4[%add3A_820, %dma_start3A_878, %dma_start3A_879] : memref<4096x50x64xf32, #tpu.memory_space<hbm>> -> memref<1x50x64xf32, #tpu.memory_space<hbm>>
        %dma_start3A_881 = tpu.memref_squeeze %dma_start3A_880 : memref<1x50x64xf32, #tpu.memory_space<hbm>> -> memref<50x64xf32, #tpu.memory_space<hbm>>
        %dma_start3A_882 = arith.constant 0 : i32
        %dma_start3A_883 = arith.constant 0 : i32
        %dma_start3A_884 = tpu.memref_slice %arg4[%add3A_820, %dma_start3A_882, %dma_start3A_883] : memref<4096x50x64xf32, #tpu.memory_space<hbm>> -> memref<1x50x64xf32, #tpu.memory_space<hbm>>
        %dma_start3A_885 = tpu.memref_squeeze %dma_start3A_884 : memref<1x50x64xf32, #tpu.memory_space<hbm>> -> memref<50x64xf32, #tpu.memory_space<hbm>>
        %dma_start3A_886 = arith.constant 1450 : i32
        %dma_start3A_887 = arith.constant 0 : i32
        %dma_start3A_888 = tpu.memref_slice %arg6[%dma_start3A_886, %dma_start3A_887] : memref<1600x64xf32, #tpu.memory_space<vmem>> -> memref<50x64xf32, #tpu.memory_space<vmem>>
        tpu.enqueue_dma source(%dma_start3A_888 : memref<50x64xf32, #tpu.memory_space<vmem>>) target(%dma_start3A_885 : memref<50x64xf32, #tpu.memory_space<hbm>>) target_semaphore(%run_scoped3A : memref<!tpu.dma_semaphore, #tpu.memory_space<semaphore_mem>>)
        %dma_wait3A_889 = arith.constant 1450 : i32
        %dma_wait3A_890 = arith.constant 0 : i32
        %dma_wait3A_891 = tpu.memref_slice %arg6[%dma_wait3A_889, %dma_wait3A_890] : memref<1600x64xf32, #tpu.memory_space<vmem>> -> memref<50x64xf32, #tpu.memory_space<vmem>>
        %dma_wait3A_892 = arith.constant 0 : i32
        %dma_wait3A_893 = arith.constant 0 : i32
        %dma_wait3A_894 = tpu.memref_slice %arg4[%add3A_820, %dma_wait3A_892, %dma_wait3A_893] : memref<4096x50x64xf32, #tpu.memory_space<hbm>> -> memref<1x50x64xf32, #tpu.memory_space<hbm>>
        %dma_wait3A_895 = tpu.memref_squeeze %dma_wait3A_894 : memref<1x50x64xf32, #tpu.memory_space<hbm>> -> memref<50x64xf32, #tpu.memory_space<hbm>>
        %dma_wait3A_896 = arith.constant 0 : i32
        %dma_wait3A_897 = arith.constant 0 : i32
        %dma_wait3A_898 = tpu.memref_slice %arg4[%add3A_820, %dma_wait3A_896, %dma_wait3A_897] : memref<4096x50x64xf32, #tpu.memory_space<hbm>> -> memref<1x50x64xf32, #tpu.memory_space<hbm>>
        %dma_wait3A_899 = tpu.memref_squeeze %dma_wait3A_898 : memref<1x50x64xf32, #tpu.memory_space<hbm>> -> memref<50x64xf32, #tpu.memory_space<hbm>>
        %dma_wait3A_900 = arith.constant 1450 : i32
        %dma_wait3A_901 = arith.constant 0 : i32
        %dma_wait3A_902 = tpu.memref_slice %arg6[%dma_wait3A_900, %dma_wait3A_901] : memref<1600x64xf32, #tpu.memory_space<vmem>> -> memref<50x64xf32, #tpu.memory_space<vmem>>
        tpu.wait_dma2 semaphore(%run_scoped3A : memref<!tpu.dma_semaphore, #tpu.memory_space<semaphore_mem>>) src(%dma_wait3A_902 : memref<50x64xf32, #tpu.memory_space<vmem>>) dst(%dma_wait3A_899 : memref<50x64xf32, #tpu.memory_space<hbm>>)
        tpu.yield
      }) : () -> ()
      %jit3A_821 = arith.constant 50 : i32
      %div3A_822 = arith.divsi %add3A_13, %jit3A_821 : i32
      %sign3A_823 = arith.constant 0 : i32
      %sign3A_824 = arith.cmpi sgt, %add3A_13, %sign3A_823 : i32
      %sign3A_825 = arith.extui %sign3A_824 : i1 to i32
      %sign3A_826 = arith.constant 0 : i32
      %sign3A_827 = arith.cmpi slt, %add3A_13, %sign3A_826 : i32
      %sign3A_828 = arith.extui %sign3A_827 : i1 to i32
      %sign3A_829 = arith.subi %sign3A_825, %sign3A_828 : i32
      %sign3A_830 = arith.constant 0 : i32
      %sign3A_831 = arith.cmpi sgt, %jit3A_821, %sign3A_830 : i32
      %sign3A_832 = arith.extui %sign3A_831 : i1 to i32
      %sign3A_833 = arith.constant 0 : i32
      %sign3A_834 = arith.cmpi slt, %jit3A_821, %sign3A_833 : i32
      %sign3A_835 = arith.extui %sign3A_834 : i1 to i32
      %sign3A_836 = arith.subi %sign3A_832, %sign3A_835 : i32
      %ne3A_837 = arith.cmpi ne, %sign3A_829, %sign3A_836 : i32
      %rem3A_838 = arith.remsi %add3A_13, %jit3A_821 : i32
      %ne3A_839 = arith.constant 0 : i32
      %ne3A_840 = arith.cmpi ne, %rem3A_838, %ne3A_839 : i32
      %and3A_841 = arith.andi %ne3A_837, %ne3A_840 : i1
      %sub3A_842 = arith.constant 1 : i32
      %sub3A_843 = arith.subi %div3A_822, %sub3A_842 : i32
      %select_n3A_844 = arith.select %and3A_841, %sub3A_843, %div3A_822 : i32
      %add3A_845 = arith.addi %mul3A_4, %select_n3A_844 : i32
      %add3A_846 = arith.constant 30 : i32
      %add3A_847 = arith.addi %add3A_845, %add3A_846 : i32
      "tpu.region"() ({
        %run_scoped3A = tpu.sem_alloc : memref<!tpu.dma_semaphore, #tpu.memory_space<semaphore_mem>>
        %dma_start3A_875 = arith.constant 1500 : i32
        %dma_start3A_876 = arith.constant 0 : i32
        %dma_start3A_877 = tpu.memref_slice %arg6[%dma_start3A_875, %dma_start3A_876] : memref<1600x64xf32, #tpu.memory_space<vmem>> -> memref<50x64xf32, #tpu.memory_space<vmem>>
        %dma_start3A_878 = arith.constant 0 : i32
        %dma_start3A_879 = arith.constant 0 : i32
        %dma_start3A_880 = tpu.memref_slice %arg4[%add3A_847, %dma_start3A_878, %dma_start3A_879] : memref<4096x50x64xf32, #tpu.memory_space<hbm>> -> memref<1x50x64xf32, #tpu.memory_space<hbm>>
        %dma_start3A_881 = tpu.memref_squeeze %dma_start3A_880 : memref<1x50x64xf32, #tpu.memory_space<hbm>> -> memref<50x64xf32, #tpu.memory_space<hbm>>
        %dma_start3A_882 = arith.constant 0 : i32
        %dma_start3A_883 = arith.constant 0 : i32
        %dma_start3A_884 = tpu.memref_slice %arg4[%add3A_847, %dma_start3A_882, %dma_start3A_883] : memref<4096x50x64xf32, #tpu.memory_space<hbm>> -> memref<1x50x64xf32, #tpu.memory_space<hbm>>
        %dma_start3A_885 = tpu.memref_squeeze %dma_start3A_884 : memref<1x50x64xf32, #tpu.memory_space<hbm>> -> memref<50x64xf32, #tpu.memory_space<hbm>>
        %dma_start3A_886 = arith.constant 1500 : i32
        %dma_start3A_887 = arith.constant 0 : i32
        %dma_start3A_888 = tpu.memref_slice %arg6[%dma_start3A_886, %dma_start3A_887] : memref<1600x64xf32, #tpu.memory_space<vmem>> -> memref<50x64xf32, #tpu.memory_space<vmem>>
        tpu.enqueue_dma source(%dma_start3A_888 : memref<50x64xf32, #tpu.memory_space<vmem>>) target(%dma_start3A_885 : memref<50x64xf32, #tpu.memory_space<hbm>>) target_semaphore(%run_scoped3A : memref<!tpu.dma_semaphore, #tpu.memory_space<semaphore_mem>>)
        %dma_wait3A_889 = arith.constant 1500 : i32
        %dma_wait3A_890 = arith.constant 0 : i32
        %dma_wait3A_891 = tpu.memref_slice %arg6[%dma_wait3A_889, %dma_wait3A_890] : memref<1600x64xf32, #tpu.memory_space<vmem>> -> memref<50x64xf32, #tpu.memory_space<vmem>>
        %dma_wait3A_892 = arith.constant 0 : i32
        %dma_wait3A_893 = arith.constant 0 : i32
        %dma_wait3A_894 = tpu.memref_slice %arg4[%add3A_847, %dma_wait3A_892, %dma_wait3A_893] : memref<4096x50x64xf32, #tpu.memory_space<hbm>> -> memref<1x50x64xf32, #tpu.memory_space<hbm>>
        %dma_wait3A_895 = tpu.memref_squeeze %dma_wait3A_894 : memref<1x50x64xf32, #tpu.memory_space<hbm>> -> memref<50x64xf32, #tpu.memory_space<hbm>>
        %dma_wait3A_896 = arith.constant 0 : i32
        %dma_wait3A_897 = arith.constant 0 : i32
        %dma_wait3A_898 = tpu.memref_slice %arg4[%add3A_847, %dma_wait3A_896, %dma_wait3A_897] : memref<4096x50x64xf32, #tpu.memory_space<hbm>> -> memref<1x50x64xf32, #tpu.memory_space<hbm>>
        %dma_wait3A_899 = tpu.memref_squeeze %dma_wait3A_898 : memref<1x50x64xf32, #tpu.memory_space<hbm>> -> memref<50x64xf32, #tpu.memory_space<hbm>>
        %dma_wait3A_900 = arith.constant 1500 : i32
        %dma_wait3A_901 = arith.constant 0 : i32
        %dma_wait3A_902 = tpu.memref_slice %arg6[%dma_wait3A_900, %dma_wait3A_901] : memref<1600x64xf32, #tpu.memory_space<vmem>> -> memref<50x64xf32, #tpu.memory_space<vmem>>
        tpu.wait_dma2 semaphore(%run_scoped3A : memref<!tpu.dma_semaphore, #tpu.memory_space<semaphore_mem>>) src(%dma_wait3A_902 : memref<50x64xf32, #tpu.memory_space<vmem>>) dst(%dma_wait3A_899 : memref<50x64xf32, #tpu.memory_space<hbm>>)
        tpu.yield
      }) : () -> ()
      %jit3A_848 = arith.constant 50 : i32
      %div3A_849 = arith.divsi %add3A_13, %jit3A_848 : i32
      %sign3A_850 = arith.constant 0 : i32
      %sign3A_851 = arith.cmpi sgt, %add3A_13, %sign3A_850 : i32
      %sign3A_852 = arith.extui %sign3A_851 : i1 to i32
      %sign3A_853 = arith.constant 0 : i32
      %sign3A_854 = arith.cmpi slt, %add3A_13, %sign3A_853 : i32
      %sign3A_855 = arith.extui %sign3A_854 : i1 to i32
      %sign3A_856 = arith.subi %sign3A_852, %sign3A_855 : i32
      %sign3A_857 = arith.constant 0 : i32
      %sign3A_858 = arith.cmpi sgt, %jit3A_848, %sign3A_857 : i32
      %sign3A_859 = arith.extui %sign3A_858 : i1 to i32
      %sign3A_860 = arith.constant 0 : i32
      %sign3A_861 = arith.cmpi slt, %jit3A_848, %sign3A_860 : i32
      %sign3A_862 = arith.extui %sign3A_861 : i1 to i32
      %sign3A_863 = arith.subi %sign3A_859, %sign3A_862 : i32
      %ne3A_864 = arith.cmpi ne, %sign3A_856, %sign3A_863 : i32
      %rem3A_865 = arith.remsi %add3A_13, %jit3A_848 : i32
      %ne3A_866 = arith.constant 0 : i32
      %ne3A_867 = arith.cmpi ne, %rem3A_865, %ne3A_866 : i32
      %and3A_868 = arith.andi %ne3A_864, %ne3A_867 : i1
      %sub3A_869 = arith.constant 1 : i32
      %sub3A_870 = arith.subi %div3A_849, %sub3A_869 : i32
      %select_n3A_871 = arith.select %and3A_868, %sub3A_870, %div3A_849 : i32
      %add3A_872 = arith.addi %mul3A_4, %select_n3A_871 : i32
      %add3A_873 = arith.constant 31 : i32
      %add3A_874 = arith.addi %add3A_872, %add3A_873 : i32
      "tpu.region"() ({
        %run_scoped3A = tpu.sem_alloc : memref<!tpu.dma_semaphore, #tpu.memory_space<semaphore_mem>>
        %dma_start3A_875 = arith.constant 1550 : i32
        %dma_start3A_876 = arith.constant 0 : i32
        %dma_start3A_877 = tpu.memref_slice %arg6[%dma_start3A_875, %dma_start3A_876] : memref<1600x64xf32, #tpu.memory_space<vmem>> -> memref<50x64xf32, #tpu.memory_space<vmem>>
        %dma_start3A_878 = arith.constant 0 : i32
        %dma_start3A_879 = arith.constant 0 : i32
        %dma_start3A_880 = tpu.memref_slice %arg4[%add3A_874, %dma_start3A_878, %dma_start3A_879] : memref<4096x50x64xf32, #tpu.memory_space<hbm>> -> memref<1x50x64xf32, #tpu.memory_space<hbm>>
        %dma_start3A_881 = tpu.memref_squeeze %dma_start3A_880 : memref<1x50x64xf32, #tpu.memory_space<hbm>> -> memref<50x64xf32, #tpu.memory_space<hbm>>
        %dma_start3A_882 = arith.constant 0 : i32
        %dma_start3A_883 = arith.constant 0 : i32
        %dma_start3A_884 = tpu.memref_slice %arg4[%add3A_874, %dma_start3A_882, %dma_start3A_883] : memref<4096x50x64xf32, #tpu.memory_space<hbm>> -> memref<1x50x64xf32, #tpu.memory_space<hbm>>
        %dma_start3A_885 = tpu.memref_squeeze %dma_start3A_884 : memref<1x50x64xf32, #tpu.memory_space<hbm>> -> memref<50x64xf32, #tpu.memory_space<hbm>>
        %dma_start3A_886 = arith.constant 1550 : i32
        %dma_start3A_887 = arith.constant 0 : i32
        %dma_start3A_888 = tpu.memref_slice %arg6[%dma_start3A_886, %dma_start3A_887] : memref<1600x64xf32, #tpu.memory_space<vmem>> -> memref<50x64xf32, #tpu.memory_space<vmem>>
        tpu.enqueue_dma source(%dma_start3A_888 : memref<50x64xf32, #tpu.memory_space<vmem>>) target(%dma_start3A_885 : memref<50x64xf32, #tpu.memory_space<hbm>>) target_semaphore(%run_scoped3A : memref<!tpu.dma_semaphore, #tpu.memory_space<semaphore_mem>>)
        %dma_wait3A_889 = arith.constant 1550 : i32
        %dma_wait3A_890 = arith.constant 0 : i32
        %dma_wait3A_891 = tpu.memref_slice %arg6[%dma_wait3A_889, %dma_wait3A_890] : memref<1600x64xf32, #tpu.memory_space<vmem>> -> memref<50x64xf32, #tpu.memory_space<vmem>>
        %dma_wait3A_892 = arith.constant 0 : i32
        %dma_wait3A_893 = arith.constant 0 : i32
        %dma_wait3A_894 = tpu.memref_slice %arg4[%add3A_874, %dma_wait3A_892, %dma_wait3A_893] : memref<4096x50x64xf32, #tpu.memory_space<hbm>> -> memref<1x50x64xf32, #tpu.memory_space<hbm>>
        %dma_wait3A_895 = tpu.memref_squeeze %dma_wait3A_894 : memref<1x50x64xf32, #tpu.memory_space<hbm>> -> memref<50x64xf32, #tpu.memory_space<hbm>>
        %dma_wait3A_896 = arith.constant 0 : i32
        %dma_wait3A_897 = arith.constant 0 : i32
        %dma_wait3A_898 = tpu.memref_slice %arg4[%add3A_874, %dma_wait3A_896, %dma_wait3A_897] : memref<4096x50x64xf32, #tpu.memory_space<hbm>> -> memref<1x50x64xf32, #tpu.memory_space<hbm>>
        %dma_wait3A_899 = tpu.memref_squeeze %dma_wait3A_898 : memref<1x50x64xf32, #tpu.memory_space<hbm>> -> memref<50x64xf32, #tpu.memory_space<hbm>>
        %dma_wait3A_900 = arith.constant 1550 : i32
        %dma_wait3A_901 = arith.constant 0 : i32
        %dma_wait3A_902 = tpu.memref_slice %arg6[%dma_wait3A_900, %dma_wait3A_901] : memref<1600x64xf32, #tpu.memory_space<vmem>> -> memref<50x64xf32, #tpu.memory_space<vmem>>
        tpu.wait_dma2 semaphore(%run_scoped3A : memref<!tpu.dma_semaphore, #tpu.memory_space<semaphore_mem>>) src(%dma_wait3A_902 : memref<50x64xf32, #tpu.memory_space<vmem>>) dst(%dma_wait3A_899 : memref<50x64xf32, #tpu.memory_space<hbm>>)
        tpu.yield
      }) : () -> ()
    }
    %scan3A_8 = arith.constant 4 : i32
    return
  }
}

</mosaic_0001>

<sc_bundles>
// kernel: kernel.3.cloned.1.call-start
scs
__scs_entry_jumppad:
0x0: {  	(pc) =	sbr.rel $0x88, $3  }
0x1: {  	(tag) =	ssettag $0x0;
	lr =	simm.s32 $0x1  }
0x2: {  	[smem:$0x3F9F] =	sst lr;
	_ =	strace $0xD0000000  }
0x3: {  	_ = 	snop  }
0x4: {  	_ = 	snop  }
0x5: {  	_ = 	snop  }
0x6: {  	_ = 	snop  }
0x7: {  	_ = 	snop  }
__scs_overlays_trampoline_lowered:
0x8: {  	[smem:$0x3FAE] =	sst s0  }
0x9: {  	[smem:$0x3FAF] =	sst s1  }
0xa: {  	[smem:$0x3FB0] =	sst s2  }
0xb: {  	[smem:$0x3FB1] =	sst s3  }
0xc: {  	[smem:$0x3FB2] =	sst s4  }
0xd: {  	[smem:$0x3FB3] =	sst s5  }
0xe: {  	[smem:$0x3FB4] =	sst s6  }
0xf: {  	[smem:$0x3FB5] =	sst s7  }
0x10: {  	[smem:$0x3FB6] =	sst s8  }
0x11: {  	[smem:$0x3FB7] =	sst s9;
	s0 =	simm.s32 @!p0 $0x0  }
0x12: {  	s1 =	sld [smem:$0x3F9D];
	s0 =	simm.s32 @p0 $0x1  }
0x13: {  	[smem:$0x3FB8] =	sst s0;
	s0 =	simm.s32 @!p1 $0x0  }
0x14: {  	s2 =	sld [smem:$0x3F9C];
	s0 =	simm.s32 @p1 $0x1  }
0x15: {  	[smem:$0x3FB9] =	sst s0;
	s0 =	simm.s32 @!p2 $0x0  }
0x16: {  	s3 =	sld [smem:$0x3FDB];
	s0 =	simm.s32 @p2 $0x1  }
0x17: {  	s4 =	simm.s32 $0x1BF5;
	[smem:$0x3FBB] =	sst s0  }
0x18: {  	s0 =	sld [smem:$0x3F9E];
	_ =	swait.ge [sflag:s4], $0x0  }
0x19: {  	s7 =	sld [smem:$0x3F9F]  }
0x1a: {  	s8 =	sadd.s32 $0xFFFFE003, lr  }
0x1b: {  	s9 =	sadd.s32 $0xFFFFFEF7, lr;
	s5 =	simm.s32 $0xFFFFFFFF;
	p2 =	slt.u32 s8, $0xFFFFF086  }
0x1c: {  	p1 =	slt.u32 s9, $0xF7A;
	s5 =	simm.s32 @!p2 $0x0  }
0x1d: {  	s5 =	simm.s32 @p1 $0x1;
	p0 =	seq.s32 s7, s2  }
0x1e: {  	s7 =	smul.u32 @!p0 $0xF7A, s2;
	p2 =	seq.s32 @!p0 s5, $0x0  }
0x1f: {  	s9 =	smul.u32 $0xF7A, s1;
	s8 =	simm.s32 @!p0 $0x1BF5;
	p2 =	por !p2, p0  }
0x20: {  	[sflag:s8] =	ssyncset.s32 @!p0 $0xFFFFF086;
	s6 =	sadd.s32 @!p0 s3, s7;
	s7 =	simm.s32 @!p0 $0x108  }
0x21: {  	s3 =	sadd.s32 s3, s9;
	s6 =	sadd.s32 @!p0 $0x88, s6;
	s7 =	simm.s32 @p2 $0x1082  }
0x22: {  	[simem:s7], [sflag:s8] =	dma.local @!p0 [hbm:s6], $0xF7A  }
0x23: {  	s9 =	sor.u32 $0xD0000000, s2;
	s6 =	simm.s32 $0x108;
	_ =	swait.ge @!p0 [sflag:s8], $0x0  }
0x24: {  	s3 =	sadd.s32 $0x88, s3;
	s6 =	simm.s32 @!p1 $0x1082;
	[sflag:s4] =	ssyncset.s32 $0xFFFFF086  }
0x25: {  	[simem:s6], [sflag:s4] =	dma.local [hbm:s3], $0xF7A  }
0x26: {  	[smem:$0x3F9F] =	sst s1;
	(tag) =	ssettag s2;
	_ =	strace s9  }
0x27: {  	s1 =	sld [smem:$0x3FAF]  }
0x28: {  	s2 =	sld [smem:$0x3FB0]  }
0x29: {  	s4 =	sld [smem:$0x3FB2]  }
0x2a: {  	p0 =	seq.s32 s5, $0x0;
	s5 =	sld [smem:$0x3FB3]  }
0x2b: {  	s6 =	sld [smem:$0x3FB4]  }
0x2c: {  	s7 =	sld [smem:$0x3FB5]  }
0x2d: {  	s3 =	simm.s32 $0x108;
	s8 =	sld [smem:$0x3FB6]  }
0x2e: {  	s3 =	simm.s32 @!p0 $0x1082;
	s9 =	sld [smem:$0x3FB7]  }
0x2f: {  	lr =	sadd.s32 s0, s3;
	s0 =	sld [smem:$0x3FAE]  }
0x30: {  	s3 =	sld [smem:$0x3FB1]  }
0x31: {  	[smem:$0x3FBA] =	sst s10  }
0x32: {  	s10 =	sld [smem:$0x3FB8];
	_ =	sdelay $0x3  }
0x33: {  	p0 =	seq.s32 s10, $0x1;
	s10 =	sld [smem:$0x3FBA];
	_ =	sdelay $0x3  }
0x34: {  	[smem:$0x3FBA] =	sst s10  }
0x35: {  	s10 =	sld [smem:$0x3FB9];
	_ =	sdelay $0x3  }
0x36: {  	p1 =	seq.s32 s10, $0x1;
	s10 =	sld [smem:$0x3FBA];
	_ =	sdelay $0x3  }
0x37: {  	[smem:$0x3FBA] =	sst s10  }
0x38: {  	s10 =	sld [smem:$0x3FBB]  }
0x39: {  	_ = 	snop;
	(pc) =	sbr.ind lr, $3  }
0x3a: {  	_ = 	snop  }
0x3b: {  	_ = 	snop  }
0x3c: {  	p2 =	seq.s32 s10, $0x1;
	s10 =	sld [smem:$0x3FBA]  }
0x3d: {  	_ =	shalt  }
0x3e: {  	_ =	shalt  }
0x3f: {  	_ =	shalt  }
0x40: {  	_ =	shalt  }
0x41: {  	_ =	shalt  }
0x42: {  	_ =	shalt  }
0x43: {  	_ =	shalt  }
0x44: {  	_ =	shalt  }
0x45: {  	_ =	shalt  }
0x46: {  	_ =	shalt  }
0x47: {  	_ =	shalt  }
0x48: {  	_ =	shalt  }
0x49: {  	_ =	shalt  }
0x4a: {  	_ =	shalt  }
0x4b: {  	_ =	shalt  }
0x4c: {  	_ =	shalt  }
0x4d: {  	_ =	shalt  }
0x4e: {  	_ =	shalt  }
0x4f: {  	_ =	shalt  }
0x50: {  	_ =	shalt  }
0x51: {  	_ =	shalt  }
0x52: {  	_ =	shalt  }
0x53: {  	_ =	shalt  }
0x54: {  	_ =	shalt  }
0x55: {  	_ =	shalt  }
0x56: {  	_ =	shalt  }
0x57: {  	_ =	shalt  }
0x58: {  	_ =	shalt  }
0x59: {  	_ =	shalt  }
0x5a: {  	_ =	shalt  }
0x5b: {  	_ =	shalt  }
0x5c: {  	_ =	shalt  }
0x5d: {  	_ =	shalt  }
0x5e: {  	_ =	shalt  }
0x5f: {  	_ =	shalt  }
0x60: {  	_ =	shalt  }
0x61: {  	_ =	shalt  }
0x62: {  	_ =	shalt  }
0x63: {  	_ =	shalt  }
0x64: {  	_ =	shalt  }
0x65: {  	_ =	shalt  }
0x66: {  	_ =	shalt  }
0x67: {  	_ =	shalt  }
0x68: {  	_ =	shalt  }
0x69: {  	_ =	shalt  }
0x6a: {  	_ =	shalt  }
0x6b: {  	_ =	shalt  }
0x6c: {  	_ =	shalt  }
0x6d: {  	_ =	shalt  }
0x6e: {  	_ =	shalt  }
0x6f: {  	_ =	shalt  }
0x70: {  	_ =	shalt  }
0x71: {  	_ =	shalt  }
0x72: {  	_ =	shalt  }
0x73: {  	_ =	shalt  }
0x74: {  	_ =	shalt  }
0x75: {  	_ =	shalt  }
0x76: {  	_ =	shalt  }
0x77: {  	_ =	shalt  }
0x78: {  	_ =	shalt  }
0x79: {  	_ =	shalt  }
0x7a: {  	_ =	shalt  }
0x7b: {  	_ =	shalt  }
0x7c: {  	_ =	shalt  }
0x7d: {  	_ =	shalt  }
0x7e: {  	_ =	shalt  }
0x7f: {  	_ =	shalt  }
0x80: {  	_ =	shalt  }
0x81: {  	_ =	shalt  }
0x82: {  	_ =	shalt  }
0x83: {  	_ =	shalt  }
0x84: {  	_ =	shalt  }
0x85: {  	_ =	shalt  }
0x86: {  	_ =	shalt  }
0x87: {  	_ =	shalt  }
.Lfunc_end0:
.L_simem_size_0:
called_computation.1_lowered:
.L_overlay_start_0:
0x88: {  	s2 =	sld [smem:$0x3FD9]  }
0x89: {  	s3 =	sld [smem:$0x3FFE];
	_ =	sdelay $0x1  }
0x8a: {  	s1 =	srdreg.scid  }
0x8b: {  	s0 =	sand.u32 $0x1, s1  }
0x8c: {  	s17 =	sshll.u32 s0, $0xA;
	s2 =	sadd.s32 s3, s2  }
0x8d: {  	s2 =	sadd.s32 s2, s17  }
0x8e: {  	[smem:$0x3FC6] =	sst s2  }
0x8f: {  	_ = 	snop  }
0x90: {  	s2 =	sld [smem:$0x3FD0];
	(tm) =	ssettm $0x1  }
0x91: {  	s18 =	sld [smem:$0x3FFB];
	_ =	sdelay $0x3  }
0x92: {  	_ =	strace s18  }
0x93: {  	s3 =	sld [smem:$0x3FFC];
	_ =	sdelay $0x3  }
0x94: {  	_ =	strace s3  }
0x95: {  	s3 =	sld [smem:$0x3FFD];
	_ =	sdelay $0x3  }
0x96: {  	_ =	strace s3  }
0x97: {  	_ =	strace $0x8FFFFFFF  }
0x98: {  	s19 =	sld [smem:$0x3FDB];
	_ =	sdelay $0x1  }
0x99: {  	s4 =	simm.s32 $_scs_section_size  }
0x9a: {  	s5 =	simm.s32 $_size__tile_overlayer_lowered;
	s6 =	simm.s32 $_tile_overlayer_lowered  }
0x9b: {  	s22 =	simm.s32 $0x1BFF;
	s21 =	sshll.u32 s6, $0x1;
	s3 =	sadd.s32 s4, s19  }
0x9c: {  	s7 =	simm.s32 $0x0;
	s20 =	sshll.u32 s5, $0x1;
	s5 =	sadd.s32 s21, s3  }
0x9d: {  	[timem:s7], [sflag:s22] =	dma.local [hbm:s5], s20  }
0x9e: {  	_ =	swait.ge [sflag:s22], s20  }
0x9f: {  	s4 =	ssub.s32 $0x0, s20;
	[sflag:s22] =	ssyncset.done $0x0  }
0xa0: {  	[sflag:s22] =	ssyncadd.s32 s4;
	_ =	sdelay $0x1  }
0xa1: {  	s23 =	simm.s32 $0x1B8B  }
0xa2: {  	_ =	swait.ge [sflag:s23], $0x1  }
0xa3: {  	[sflag:s23] =	ssyncset.done $0x0  }
0xa4: {  	s25 =	simm.s32 $0x1B8E;
	s24 =	sld [smem:$0x3FFE];
	[sflag:s23] =	ssyncadd.s32 $0xFFFFFFFF  }
0xa5: {  	s26 =	simm.s32 $execute0_lowered;
	[smem:$0x3FD2] =	sst s25  }
0xa6: {  	s5 =	sshll.u32 s26, $0x1;
	_ =	strace $0x80000046;
	[dreg:$0x1] =	wrdreg $0xFFFFFFFF  }
0xa7: {  	s28 =	simm.s32 $_size_execute0_lowered;
	s3 =	sadd.s32 s3, s5;
	[dreg:$0x0] =	wrdreg $0x0  }
0xa8: {  	s5 =	sshll.u32 s28, $0x1;
	[dreg:$0x2] =	wrdreg s3  }
0xa9: {  	[dreg:$0x3] =	wrdreg s5  }
0xaa: {  	[dreg:$0x4] =	wrdreg $0xC0  }
0xab: {  	_ =	task [dreg:s7], $0x5FFFF  }
0xac: {  	[dreg:$0x1] =	wrdreg $0xFFFFFFFF  }
0xad: {  	[dreg:$0x0] =	wrdreg $0x60  }
0xae: {  	[dreg:$0x2] =	wrdreg s24  }
0xaf: {  	[dreg:$0x3] =	wrdreg s2  }
0xb0: {  	[dreg:$0x4] =	wrdreg $0x9  }
0xb1: {  	_ =	task.clear_ibuf [dreg:s7], $0x5FFFF;
	_ =	strace $0x90000046  }
0xb2: {  	s29 =	simm.s32 $0x9;
	_ =	strace $0x80000048  }
0xb3: {  	_ =	swait.ge [sflag:s29], $0x1  }
0xb4: {  	[sflag:s29] =	ssyncadd.s32 $0xFFFFFFFF  }
0xb5: {  	_ =	strace $0x90000048  }
0xb6: {  	_ =	sfence  }
0xb7: {  	s30 =	sld [smem:$0x0];
	_ =	sdelay $0x2  }
0xb8: {  	s31 =	sshll.u32 s1, $0xD;
	s1 =	sshrl.u32 s1, $0x2  }
0xb9: {  	s3 =	sand.u32 $0x4000, s31;
	s1 =	sadd.s32 s1, s30  }
0xba: {  	s0 =	sor.u32 s3, s0;
	s1 =	sshll.u32 s1, $0x11  }
0xbb: {  	s0 =	sor.u32 s1, s0  }
0xbc: {  	s0 =	sadd.s32 $0x8F2B, s0  }
0xbd: {  	[sflag:s0] =	ssyncadd.remote.s32 $0x1  }
0xbe: {  	_ =	sfence.sel $0xFFFF  }
0xbf: {  	[dreg:$0x0] =	wrdreg $0xFFFFFFFF;
	(pc) =	sbr.abs _section_cstart, $3  }
0xc0: {  	[dreg:$0x1] =	wrdreg $0xFFFFFFFF  }
0xc1: {  	_ =	task.clear_ibuf [dreg:s7], $0x2FFFF;
	_ =	strace $0x9FFFFFFF  }
0xc2: {  	(tm) =	ssettm $0x7FFFFFFF  }
0xc3: {  	_ =	shalt  }
tec
execute0_lowered:
.L_overlay_start_1:
0x0: {  	(tag) =	ssettag $0x1  }
0x1: {  	s1 =	srdreg.scid  }
0x2: {  	s0 =	stileid.u32;
	s4 =	rddreg [dreg:$0x0]  }
0x3: {  	s5 =	rddreg [dreg:$0x1];
	s3 =	sand.u32 $0x1, s1;
	s6 =	smul.u32 $0xC8000, s0  }
0x4: {  	s2 =	simm.s32 $0x0;
	s1 =	rddreg [dreg:$0x2];
	s7 =	smul.u32 $0x64000, s3  }
0x5: {  	[smem:$0x7FF] =	sst s2  }
0x6: {  	s8 =	sadd.s32 $0xF42E00, s4;
	_ =	strace $0x80000047;
	s6 =	sadd.s32 s7, s6  }
0x7: {  	[dreg:$0x3] =	wrdreg s8;
	s7 =	sadd.s32 $0x18380, s6;
	s21 =	sadd.s32 $0x17700, s6  }
0x8: {  	s23 =	sadd.s32 $0x16A80, s6;
	s9 =	sadd.s32 $0x15E00, s6;
	s28 =	sadd.s32 $0x15180, s6  }
0x9: {  	s30 =	sadd.s32 $0x14500, s6;
	s31 =	sadd.s32 $0x13880, s6;
	s13 =	sadd.s32 $0x12C00, s6  }
0xa: {  	s15 =	sadd.s32 $0x11F80, s6;
	s16 =	sadd.s32 $0x11300, s6;
	s20 =	sadd.s32 $0x10680, s6  }
0xb: {  	s7 =	sshrl.u32 s7, $0x3;
	s22 =	sshrl.u32 s21, $0x3;
	s8 =	sshrl.u32 s23, $0x3  }
0xc: {  	s25 =	sshrl.u32 s9, $0x3;
	s29 =	sshrl.u32 s28, $0x3;
	s11 =	sshrl.u32 s31, $0x3  }
0xd: {  	s14 =	sshrl.u32 s13, $0x3;
	s18 =	sshrl.u32 s16, $0x3;
	s9 =	simm.s32 $0xA8C0  }
0xe: {  	s21 =	sshrl.u32 s20, $0x3;
	s7 =	sadd.s32 s7, s5;
	[smem:$0x7EB] =	sst s9  }
0xf: {  	s23 =	sadd.s32 $0xED80, s6;
	s24 =	sadd.s32 s8, s5;
	[dreg:$0x4] =	wrdreg s7  }
0x10: {  	s28 =	sadd.s32 $0xE100, s6;
	s26 =	sadd.s32 s25, s5;
	[dreg:$0x6] =	wrdreg s24  }
0x11: {  	s31 =	sadd.s32 $0xC800, s6;
	s12 =	sadd.s32 s11, s5;
	[dreg:$0x7] =	wrdreg s26  }
0x12: {  	s16 =	sadd.s32 $0xA280, s6;
	s19 =	sadd.s32 s18, s5;
	[dreg:$0xa] =	wrdreg s12  }
0x13: {  	s8 =	sshrl.u32 s30, $0x3;
	s7 =	sadd.s32 s22, s5;
	[dreg:$0xd] =	wrdreg s19  }
0x14: {  	s25 =	sshrl.u32 s23, $0x3;
	s10 =	sadd.s32 s8, s5;
	[dreg:$0x5] =	wrdreg s7  }
0x15: {  	s11 =	sshrl.u32 s31, $0x3;
	s26 =	sadd.s32 s25, s5;
	[dreg:$0x9] =	wrdreg s10  }
0x16: {  	s18 =	sshrl.u32 s16, $0x3;
	s12 =	sadd.s32 s11, s5;
	[dreg:$0x10] =	wrdreg s26  }
0x17: {  	s23 =	sadd.s32 $0x7D00, s6;
	s19 =	sadd.s32 s18, s5;
	[dreg:$0x13] =	wrdreg s12  }
0x18: {  	s25 =	sshrl.u32 s23, $0x3;
	s23 =	simm.s32 $0x1F40;
	[dreg:$0x16] =	wrdreg s19  }
0x19: {  	s8 =	sshrl.u32 s15, $0x3;
	s7 =	sadd.s32 s29, s5;
	[smem:$0x7E0] =	sst s23  }
0x1a: {  	s13 =	sadd.s32 $0xBB80, s6;
	s17 =	sadd.s32 s8, s5;
	[dreg:$0x8] =	wrdreg s7  }
0x1b: {  	s30 =	sadd.s32 $0xD480, s6;
	s26 =	sadd.s32 s25, s5;
	[dreg:$0xc] =	wrdreg s17  }
0x1c: {  	s31 =	sadd.s32 $0x5780, s6;
	s25 =	simm.s32 $0x3840;
	[dreg:$0x19] =	wrdreg s26  }
0x1d: {  	s22 =	sadd.s32 $0xFA00, s6;
	s23 =	simm.s32 $0x13EC0;
	[smem:$0x7E2] =	sst s25  }
0x1e: {  	s8 =	sshrl.u32 s22, $0x3;
	s7 =	sadd.s32 s14, s5;
	[smem:$0x7F7] =	sst s23  }
0x1f: {  	s12 =	sadd.s32 $0x4B00, s6;
	s24 =	sadd.s32 s8, s5;
	[dreg:$0xb] =	wrdreg s7  }
0x20: {  	s14 =	sshrl.u32 s13, $0x3;
	s26 =	simm.s32 $0x44C0;
	[dreg:$0xf] =	wrdreg s24  }
0x21: {  	s13 =	sshrl.u32 s12, $0x3;
	s12 =	simm.s32 $0xCE40;
	[smem:$0x7E3] =	sst s26  }
0x22: {  	s15 =	sadd.s32 $0xAF00, s6;
	s25 =	simm.s32 $0x14B40;
	[smem:$0x7EE] =	sst s12  }
0x23: {  	s8 =	sshrl.u32 s30, $0x3;
	s7 =	sadd.s32 s21, s5;
	[smem:$0x7F8] =	sst s25  }
0x24: {  	s29 =	sshrl.u32 s28, $0x3;
	s10 =	sadd.s32 s8, s5;
	[dreg:$0xe] =	wrdreg s7  }
0x25: {  	s22 =	sadd.s32 $0x8980, s6;
	s26 =	simm.s32 $0x157C0;
	[dreg:$0x12] =	wrdreg s10  }
0x26: {  	s8 =	sshrl.u32 s15, $0x3;
	s7 =	sadd.s32 s29, s5;
	[smem:$0x7F9] =	sst s26  }
0x27: {  	s28 =	sadd.s32 $0x7080, s6;
	s17 =	sadd.s32 s8, s5;
	[dreg:$0x11] =	wrdreg s7  }
0x28: {  	s8 =	sshrl.u32 s22, $0x3;
	s22 =	simm.s32 $0x12C0;
	[dreg:$0x15] =	wrdreg s17  }
0x29: {  	s29 =	sshrl.u32 s28, $0x3;
	s28 =	simm.s32 $0x5140;
	[smem:$0x7DF] =	sst s22  }
0x2a: {  	s10 =	sshrl.u32 s31, $0x3;
	s31 =	simm.s32 $0x76C0;
	[smem:$0x7E4] =	sst s28  }
0x2b: {  	s7 =	sadd.s32 s14, s5;
	[smem:$0x7E7] =	sst s31  }
0x2c: {  	s24 =	sadd.s32 s8, s5;
	[dreg:$0x14] =	wrdreg s7  }
0x2d: {  	s30 =	sadd.s32 $0x6400, s6;
	s11 =	sadd.s32 s10, s5;
	[dreg:$0x18] =	wrdreg s24  }
0x2e: {  	s8 =	sshrl.u32 s30, $0x3;
	s30 =	simm.s32 $0x6A40;
	[dreg:$0x1c] =	wrdreg s11  }
0x2f: {  	s10 =	simm.s32 $0xB540;
	[smem:$0x7E6] =	sst s30  }
0x30: {  	s22 =	simm.s32 $0x13240;
	[smem:$0x7EC] =	sst s10  }
0x31: {  	s20 =	sadd.s32 $0x9600, s6;
	s28 =	simm.s32 $0x16440;
	[smem:$0x7F6] =	sst s22  }
0x32: {  	s21 =	sshrl.u32 s20, $0x3;
	s31 =	simm.s32 $0x189C0;
	[smem:$0x7FA] =	sst s28  }
0x33: {  	s15 =	sor.u32 $0x3200, s6;
	s7 =	sadd.s32 s21, s5;
	[smem:$0x7FD] =	sst s31  }
0x34: {  	s17 =	sshrl.u32 s15, $0x3;
	s8 =	sadd.s32 s8, s5;
	[dreg:$0x17] =	wrdreg s7  }
0x35: {  	s18 =	sadd.s32 s17, s5;
	[dreg:$0x1b] =	wrdreg s8  }
0x36: {  	s19 =	sor.u32 $0x2580, s6;
	s24 =	simm.s32 $0x2BC0;
	[dreg:$0x1f] =	wrdreg s18  }
0x37: {  	s14 =	sor.u32 $0x3E80, s6;
	s11 =	simm.s32 $0xC1C0;
	[smem:$0x7E1] =	sst s24  }
0x38: {  	s6 =	sor.u32 $0x1900, s6;
	s30 =	simm.s32 $0x17D40;
	[smem:$0x7ED] =	sst s11  }
0x39: {  	s6 =	sshrl.u32 s6, $0x3;
	s7 =	sadd.s32 s29, s5;
	[smem:$0x7FC] =	sst s30  }
0x3a: {  	s6 =	sadd.s32 s6, s5;
	[dreg:$0x1a] =	wrdreg s7  }
0x3b: {  	s29 =	simm.s32 $0x5DC0;
	[smem:$0x7DD] =	sst s6  }
0x3c: {  	s8 =	sshrl.u32 s14, $0x3;
	s14 =	simm.s32 $0xE740;
	[smem:$0x7E5] =	sst s29  }
0x3d: {  	s18 =	simm.s32 $0x10040;
	[smem:$0x7F0] =	sst s14  }
0x3e: {  	s20 =	smul.u32 $0x19000, s0;
	s7 =	sadd.s32 s13, s5;
	[smem:$0x7F2] =	sst s18  }
0x3f: {  	s15 =	smul.u32 $0x3200, s0;
	s16 =	sadd.s32 s8, s5;
	[dreg:$0x1d] =	wrdreg s7  }
0x40: {  	s21 =	smul.u32 $0xC800, s3;
	s6 =	simm.s32 $0x8340;
	[dreg:$0x1e] =	wrdreg s16  }
0x41: {  	s17 =	smul.u32 $0x1900, s3;
	s8 =	simm.s32 $0x9C40;
	[smem:$0x7E8] =	sst s6  }
0x42: {  	s3 =	ssub.s32 $0x2, s3;
	s13 =	simm.s32 $0xDAC0;
	[smem:$0x7EA] =	sst s8  }
0x43: {  	s24 =	sshrl.u32 s3, $0x1;
	s29 =	simm.s32 $0x170C0;
	[smem:$0x7EF] =	sst s13  }
0x44: {  	s3 =	ssub.s32 s3, s24;
	s16 =	simm.s32 $0xF3C0;
	[smem:$0x7FB] =	sst s29  }
0x45: {  	s7 =	sshrl.u32 s19, $0x3;
	s19 =	simm.s32 $0x10CC0;
	[smem:$0x7F1] =	sst s16  }
0x46: {  	s6 =	sadd.s32 s17, s15;
	s7 =	sadd.s32 s7, s5;
	[smem:$0x7F3] =	sst s19  }
0x47: {  	s5 =	sadd.s32 s20, s5;
	s20 =	simm.s32 $0x11940;
	[smem:$0x7DC] =	sst s7  }
0x48: {  	s3 =	smax.u32 s3, $0x1;
	s5 =	sadd.s32 s21, s5;
	[smem:$0x7F4] =	sst s20  }
0x49: {  	s8 =	simm.s32 $0x0;
	s7 =	simm.s32 $0x8FC0;
	[smem:$0x7DE] =	sst s5  }
0x4a: {  	s6 =	sshrl.u32 s6, $0x3;
	s21 =	simm.s32 $0x125C0;
	[smem:$0x7E9] =	sst s7  }
0x4b: {  	s4 =	sadd.s32 s6, s4;
	s6 =	simm.s32 $0x640;
	[smem:$0x7F5] =	sst s21  }
0x4c: {  	s4 =	sadd.s32 $0xA00, s4;
	s5 =	simm.s32 $0x2;
	s7 =	simm.s32 $0x1  }
.LBB2_1:
0x4d: {  	[tilespmem:s2], [sflag:$0x2] =	stream.linear.gather [hbm4b:s4+s2], $0x640, $0x38;
	[tilespmem:$0x19640] =	vst v63  }
0x4e: {  	_ =	swait.ge [sflag:s5], $0x640  }
0x4f: {  	[sflag:s5] =	ssyncset.done $0x0  }
0x50: {  	s9 =	rddreg [dreg:$0x3];
	[sflag:s5] =	ssyncadd.s32 $0xFFFFF9C0  }
0x51: {  	[tilespmem:s6], [sflag:$0x1] =	stream.indirect.gather [hbm4b:s9+s6], $0x40, s2, s6, $0xb8;
	[tilespmem:$0x19640] =	vst v63  }
0x52: {  	_ =	swait.ge [sflag:s7], $0x19000  }
0x53: {  	s10 =	sld [smem:$0x7DE];
	_ =	sdelay $0x1  }
0x54: {  	[sflag:s7] =	ssyncset.done $0x0  }
0x55: {  	[sflag:s7] =	ssyncadd.s32 $0xFFFE7000;
	s9 =	sadd.s32 $0x0, s10  }
0x56: {  	[hbm4b:s9+s2] =	stream.linear.scatter [tilespmem:s6], [sflag:$0x2], $0xC80, $0x38;
	[tilespmem:$0x19640] =	vst v63  }
0x57: {  	_ =	swait.ge [sflag:s5], $0xC80  }
0x58: {  	s10 =	sld [smem:$0x7DF]  }
0x59: {  	[sflag:s5] =	ssyncset.done $0x0  }
0x5a: {  	s9 =	sadd.s32 $0x190, s9;
	[sflag:s5] =	ssyncadd.s32 $0xFFFFF380  }
0x5b: {  	[hbm4b:s9+s2] =	stream.linear.scatter [tilespmem:s10], [sflag:$0x2], $0xC80, $0x38;
	[tilespmem:$0x19640] =	vst v63  }
0x5c: {  	_ =	swait.ge [sflag:s5], $0xC80  }
0x5d: {  	s11 =	sld [smem:$0x7DD]  }
0x5e: {  	s12 =	sld [smem:$0x7E0]  }
0x5f: {  	[sflag:s5] =	ssyncset.done $0x0  }
0x60: {  	[sflag:s5] =	ssyncadd.s32 $0xFFFFF380;
	s9 =	sadd.s32 $0x0, s11  }
0x61: {  	[hbm4b:s9+s2] =	stream.linear.scatter [tilespmem:s12], [sflag:$0x2], $0xC80, $0x38;
	[tilespmem:$0x19640] =	vst v63  }
0x62: {  	_ =	swait.ge [sflag:s5], $0xC80  }
0x63: {  	s13 =	sld [smem:$0x7DC]  }
0x64: {  	s14 =	sld [smem:$0x7E1]  }
0x65: {  	[sflag:s5] =	ssyncset.done $0x0  }
0x66: {  	[sflag:s5] =	ssyncadd.s32 $0xFFFFF380;
	s9 =	sadd.s32 $0x0, s13  }
0x67: {  	[hbm4b:s9+s2] =	stream.linear.scatter [tilespmem:s14], [sflag:$0x2], $0xC80, $0x38;
	[tilespmem:$0x19640] =	vst v63  }
0x68: {  	_ =	swait.ge [sflag:s5], $0xC80  }
0x69: {  	s16 =	sld [smem:$0x7E2]  }
0x6a: {  	s15 =	rddreg [dreg:$0x1f];
	[sflag:s5] =	ssyncset.done $0x0  }
0x6b: {  	[sflag:s5] =	ssyncadd.s32 $0xFFFFF380;
	s9 =	sadd.s32 $0x0, s15  }
0x6c: {  	[hbm4b:s9+s2] =	stream.linear.scatter [tilespmem:s16], [sflag:$0x2], $0xC80, $0x38;
	[tilespmem:$0x19640] =	vst v63  }
0x6d: {  	_ =	swait.ge [sflag:s5], $0xC80  }
0x6e: {  	s18 =	sld [smem:$0x7E3]  }
0x6f: {  	s17 =	rddreg [dreg:$0x1e];
	[sflag:s5] =	ssyncset.done $0x0  }
0x70: {  	[sflag:s5] =	ssyncadd.s32 $0xFFFFF380;
	s9 =	sadd.s32 $0x0, s17  }
0x71: {  	[hbm4b:s9+s2] =	stream.linear.scatter [tilespmem:s18], [sflag:$0x2], $0xC80, $0x38;
	[tilespmem:$0x19640] =	vst v63  }
0x72: {  	_ =	swait.ge [sflag:s5], $0xC80  }
0x73: {  	s20 =	sld [smem:$0x7E4]  }
0x74: {  	s19 =	rddreg [dreg:$0x1d];
	[sflag:s5] =	ssyncset.done $0x0  }
0x75: {  	[sflag:s5] =	ssyncadd.s32 $0xFFFFF380;
	s9 =	sadd.s32 $0x0, s19  }
0x76: {  	[hbm4b:s9+s2] =	stream.linear.scatter [tilespmem:s20], [sflag:$0x2], $0xC80, $0x38;
	[tilespmem:$0x19640] =	vst v63  }
0x77: {  	_ =	swait.ge [sflag:s5], $0xC80  }
0x78: {  	s22 =	sld [smem:$0x7E5]  }
0x79: {  	s21 =	rddreg [dreg:$0x1c];
	[sflag:s5] =	ssyncset.done $0x0  }
0x7a: {  	[sflag:s5] =	ssyncadd.s32 $0xFFFFF380;
	s9 =	sadd.s32 $0x0, s21  }
0x7b: {  	[hbm4b:s9+s2] =	stream.linear.scatter [tilespmem:s22], [sflag:$0x2], $0xC80, $0x38;
	[tilespmem:$0x19640] =	vst v63  }
0x7c: {  	_ =	swait.ge [sflag:s5], $0xC80  }
0x7d: {  	s24 =	sld [smem:$0x7E6]  }
0x7e: {  	s23 =	rddreg [dreg:$0x1b];
	[sflag:s5] =	ssyncset.done $0x0  }
0x7f: {  	[sflag:s5] =	ssyncadd.s32 $0xFFFFF380;
	s9 =	sadd.s32 $0x0, s23  }
0x80: {  	[hbm4b:s9+s2] =	stream.linear.scatter [tilespmem:s24], [sflag:$0x2], $0xC80, $0x38;
	[tilespmem:$0x19640] =	vst v63  }
0x81: {  	_ =	swait.ge [sflag:s5], $0xC80  }
0x82: {  	s26 =	sld [smem:$0x7E7]  }
0x83: {  	s25 =	rddreg [dreg:$0x1a];
	[sflag:s5] =	ssyncset.done $0x0  }
0x84: {  	[sflag:s5] =	ssyncadd.s32 $0xFFFFF380;
	s9 =	sadd.s32 $0x0, s25  }
0x85: {  	[hbm4b:s9+s2] =	stream.linear.scatter [tilespmem:s26], [sflag:$0x2], $0xC80, $0x38;
	[tilespmem:$0x19640] =	vst v63  }
0x86: {  	_ =	swait.ge [sflag:s5], $0xC80  }
0x87: {  	s29 =	sld [smem:$0x7E8]  }
0x88: {  	s28 =	rddreg [dreg:$0x19];
	[sflag:s5] =	ssyncset.done $0x0  }
0x89: {  	[sflag:s5] =	ssyncadd.s32 $0xFFFFF380;
	s9 =	sadd.s32 $0x0, s28  }
0x8a: {  	[hbm4b:s9+s2] =	stream.linear.scatter [tilespmem:s29], [sflag:$0x2], $0xC80, $0x38;
	[tilespmem:$0x19640] =	vst v63  }
0x8b: {  	_ =	swait.ge [sflag:s5], $0xC80  }
0x8c: {  	s31 =	sld [smem:$0x7E9]  }
0x8d: {  	s30 =	rddreg [dreg:$0x18];
	[sflag:s5] =	ssyncset.done $0x0  }
0x8e: {  	[sflag:s5] =	ssyncadd.s32 $0xFFFFF380;
	s9 =	sadd.s32 $0x0, s30  }
0x8f: {  	[hbm4b:s9+s2] =	stream.linear.scatter [tilespmem:s31], [sflag:$0x2], $0xC80, $0x38;
	[tilespmem:$0x19640] =	vst v63  }
0x90: {  	_ =	swait.ge [sflag:s5], $0xC80  }
0x91: {  	s12 =	sld [smem:$0x7EA]  }
0x92: {  	s11 =	rddreg [dreg:$0x17];
	[sflag:s5] =	ssyncset.done $0x0  }
0x93: {  	[sflag:s5] =	ssyncadd.s32 $0xFFFFF380;
	s9 =	sadd.s32 $0x0, s11  }
0x94: {  	[hbm4b:s9+s2] =	stream.linear.scatter [tilespmem:s12], [sflag:$0x2], $0xC80, $0x38;
	[tilespmem:$0x19640] =	vst v63  }
0x95: {  	_ =	swait.ge [sflag:s5], $0xC80  }
0x96: {  	s14 =	sld [smem:$0x7EB]  }
0x97: {  	s13 =	rddreg [dreg:$0x16];
	[sflag:s5] =	ssyncset.done $0x0  }
0x98: {  	[sflag:s5] =	ssyncadd.s32 $0xFFFFF380;
	s9 =	sadd.s32 $0x0, s13  }
0x99: {  	[hbm4b:s9+s2] =	stream.linear.scatter [tilespmem:s14], [sflag:$0x2], $0xC80, $0x38;
	[tilespmem:$0x19640] =	vst v63  }
0x9a: {  	_ =	swait.ge [sflag:s5], $0xC80  }
0x9b: {  	s16 =	sld [smem:$0x7EC]  }
0x9c: {  	s15 =	rddreg [dreg:$0x15];
	[sflag:s5] =	ssyncset.done $0x0  }
0x9d: {  	[sflag:s5] =	ssyncadd.s32 $0xFFFFF380;
	s9 =	sadd.s32 $0x0, s15  }
0x9e: {  	[hbm4b:s9+s2] =	stream.linear.scatter [tilespmem:s16], [sflag:$0x2], $0xC80, $0x38;
	[tilespmem:$0x19640] =	vst v63  }
0x9f: {  	_ =	swait.ge [sflag:s5], $0xC80  }
0xa0: {  	s18 =	sld [smem:$0x7ED]  }
0xa1: {  	s17 =	rddreg [dreg:$0x14];
	[sflag:s5] =	ssyncset.done $0x0  }
0xa2: {  	[sflag:s5] =	ssyncadd.s32 $0xFFFFF380;
	s9 =	sadd.s32 $0x0, s17  }
0xa3: {  	[hbm4b:s9+s2] =	stream.linear.scatter [tilespmem:s18], [sflag:$0x2], $0xC80, $0x38;
	[tilespmem:$0x19640] =	vst v63  }
0xa4: {  	_ =	swait.ge [sflag:s5], $0xC80  }
0xa5: {  	s20 =	sld [smem:$0x7EE]  }
0xa6: {  	s19 =	rddreg [dreg:$0x13];
	[sflag:s5] =	ssyncset.done $0x0  }
0xa7: {  	[sflag:s5] =	ssyncadd.s32 $0xFFFFF380;
	s9 =	sadd.s32 $0x0, s19  }
0xa8: {  	[hbm4b:s9+s2] =	stream.linear.scatter [tilespmem:s20], [sflag:$0x2], $0xC80, $0x38;
	[tilespmem:$0x19640] =	vst v63  }
0xa9: {  	_ =	swait.ge [sflag:s5], $0xC80  }
0xaa: {  	s22 =	sld [smem:$0x7EF]  }
0xab: {  	s21 =	rddreg [dreg:$0x12];
	[sflag:s5] =	ssyncset.done $0x0  }
0xac: {  	[sflag:s5] =	ssyncadd.s32 $0xFFFFF380;
	s9 =	sadd.s32 $0x0, s21  }
0xad: {  	[hbm4b:s9+s2] =	stream.linear.scatter [tilespmem:s22], [sflag:$0x2], $0xC80, $0x38;
	[tilespmem:$0x19640] =	vst v63  }
0xae: {  	_ =	swait.ge [sflag:s5], $0xC80  }
0xaf: {  	s24 =	sld [smem:$0x7F0]  }
0xb0: {  	s23 =	rddreg [dreg:$0x11];
	[sflag:s5] =	ssyncset.done $0x0  }
0xb1: {  	[sflag:s5] =	ssyncadd.s32 $0xFFFFF380;
	s9 =	sadd.s32 $0x0, s23  }
0xb2: {  	[hbm4b:s9+s2] =	stream.linear.scatter [tilespmem:s24], [sflag:$0x2], $0xC80, $0x38;
	[tilespmem:$0x19640] =	vst v63  }
0xb3: {  	_ =	swait.ge [sflag:s5], $0xC80  }
0xb4: {  	s26 =	sld [smem:$0x7F1]  }
0xb5: {  	s25 =	rddreg [dreg:$0x10];
	[sflag:s5] =	ssyncset.done $0x0  }
0xb6: {  	[sflag:s5] =	ssyncadd.s32 $0xFFFFF380;
	s9 =	sadd.s32 $0x0, s25  }
0xb7: {  	[hbm4b:s9+s2] =	stream.linear.scatter [tilespmem:s26], [sflag:$0x2], $0xC80, $0x38;
	[tilespmem:$0x19640] =	vst v63  }
0xb8: {  	_ =	swait.ge [sflag:s5], $0xC80  }
0xb9: {  	s29 =	sld [smem:$0x7F2]  }
0xba: {  	s28 =	rddreg [dreg:$0xf];
	[sflag:s5] =	ssyncset.done $0x0  }
0xbb: {  	[sflag:s5] =	ssyncadd.s32 $0xFFFFF380;
	s9 =	sadd.s32 $0x0, s28  }
0xbc: {  	[hbm4b:s9+s2] =	stream.linear.scatter [tilespmem:s29], [sflag:$0x2], $0xC80, $0x38;
	[tilespmem:$0x19640] =	vst v63  }
0xbd: {  	_ =	swait.ge [sflag:s5], $0xC80  }
0xbe: {  	s31 =	sld [smem:$0x7F3]  }
0xbf: {  	s30 =	rddreg [dreg:$0xe];
	[sflag:s5] =	ssyncset.done $0x0  }
0xc0: {  	[sflag:s5] =	ssyncadd.s32 $0xFFFFF380;
	s9 =	sadd.s32 $0x0, s30  }
0xc1: {  	[hbm4b:s9+s2] =	stream.linear.scatter [tilespmem:s31], [sflag:$0x2], $0xC80, $0x38;
	[tilespmem:$0x19640] =	vst v63  }
0xc2: {  	_ =	swait.ge [sflag:s5], $0xC80  }
0xc3: {  	s12 =	sld [smem:$0x7F4]  }
0xc4: {  	s11 =	rddreg [dreg:$0xd];
	[sflag:s5] =	ssyncset.done $0x0  }
0xc5: {  	[sflag:s5] =	ssyncadd.s32 $0xFFFFF380;
	s9 =	sadd.s32 $0x0, s11  }
0xc6: {  	[hbm4b:s9+s2] =	stream.linear.scatter [tilespmem:s12], [sflag:$0x2], $0xC80, $0x38;
	[tilespmem:$0x19640] =	vst v63  }
0xc7: {  	_ =	swait.ge [sflag:s5], $0xC80  }
0xc8: {  	s14 =	sld [smem:$0x7F5]  }
0xc9: {  	s13 =	rddreg [dreg:$0xc];
	[sflag:s5] =	ssyncset.done $0x0  }
0xca: {  	[sflag:s5] =	ssyncadd.s32 $0xFFFFF380;
	s9 =	sadd.s32 $0x0, s13  }
0xcb: {  	[hbm4b:s9+s2] =	stream.linear.scatter [tilespmem:s14], [sflag:$0x2], $0xC80, $0x38;
	[tilespmem:$0x19640] =	vst v63  }
0xcc: {  	_ =	swait.ge [sflag:s5], $0xC80  }
0xcd: {  	s16 =	sld [smem:$0x7F6]  }
0xce: {  	s15 =	rddreg [dreg:$0xb];
	[sflag:s5] =	ssyncset.done $0x0  }
0xcf: {  	[sflag:s5] =	ssyncadd.s32 $0xFFFFF380;
	s9 =	sadd.s32 $0x0, s15  }
0xd0: {  	[hbm4b:s9+s2] =	stream.linear.scatter [tilespmem:s16], [sflag:$0x2], $0xC80, $0x38;
	[tilespmem:$0x19640] =	vst v63  }
0xd1: {  	_ =	swait.ge [sflag:s5], $0xC80  }
0xd2: {  	s18 =	sld [smem:$0x7F7]  }
0xd3: {  	s17 =	rddreg [dreg:$0xa];
	[sflag:s5] =	ssyncset.done $0x0  }
0xd4: {  	[sflag:s5] =	ssyncadd.s32 $0xFFFFF380;
	s9 =	sadd.s32 $0x0, s17  }
0xd5: {  	[hbm4b:s9+s2] =	stream.linear.scatter [tilespmem:s18], [sflag:$0x2], $0xC80, $0x38;
	[tilespmem:$0x19640] =	vst v63  }
0xd6: {  	_ =	swait.ge [sflag:s5], $0xC80  }
0xd7: {  	s20 =	sld [smem:$0x7F8]  }
0xd8: {  	s19 =	rddreg [dreg:$0x9];
	[sflag:s5] =	ssyncset.done $0x0  }
0xd9: {  	[sflag:s5] =	ssyncadd.s32 $0xFFFFF380;
	s9 =	sadd.s32 $0x0, s19  }
0xda: {  	[hbm4b:s9+s2] =	stream.linear.scatter [tilespmem:s20], [sflag:$0x2], $0xC80, $0x38;
	[tilespmem:$0x19640] =	vst v63  }
0xdb: {  	_ =	swait.ge [sflag:s5], $0xC80  }
0xdc: {  	s22 =	sld [smem:$0x7F9]  }
0xdd: {  	s21 =	rddreg [dreg:$0x8];
	[sflag:s5] =	ssyncset.done $0x0  }
0xde: {  	[sflag:s5] =	ssyncadd.s32 $0xFFFFF380;
	s9 =	sadd.s32 $0x0, s21  }
0xdf: {  	[hbm4b:s9+s2] =	stream.linear.scatter [tilespmem:s22], [sflag:$0x2], $0xC80, $0x38;
	[tilespmem:$0x19640] =	vst v63  }
0xe0: {  	_ =	swait.ge [sflag:s5], $0xC80  }
0xe1: {  	s24 =	sld [smem:$0x7FA]  }
0xe2: {  	s23 =	rddreg [dreg:$0x7];
	[sflag:s5] =	ssyncset.done $0x0  }
0xe3: {  	[sflag:s5] =	ssyncadd.s32 $0xFFFFF380;
	s9 =	sadd.s32 $0x0, s23  }
0xe4: {  	[hbm4b:s9+s2] =	stream.linear.scatter [tilespmem:s24], [sflag:$0x2], $0xC80, $0x38;
	[tilespmem:$0x19640] =	vst v63  }
0xe5: {  	_ =	swait.ge [sflag:s5], $0xC80  }
0xe6: {  	s26 =	sld [smem:$0x7FB]  }
0xe7: {  	s25 =	rddreg [dreg:$0x6];
	[sflag:s5] =	ssyncset.done $0x0  }
0xe8: {  	[sflag:s5] =	ssyncadd.s32 $0xFFFFF380;
	s9 =	sadd.s32 $0x0, s25  }
0xe9: {  	[hbm4b:s9+s2] =	stream.linear.scatter [tilespmem:s26], [sflag:$0x2], $0xC80, $0x38;
	[tilespmem:$0x19640] =	vst v63  }
0xea: {  	_ =	swait.ge [sflag:s5], $0xC80  }
0xeb: {  	s29 =	sld [smem:$0x7FC]  }
0xec: {  	s28 =	rddreg [dreg:$0x5];
	[sflag:s5] =	ssyncset.done $0x0  }
0xed: {  	[sflag:s5] =	ssyncadd.s32 $0xFFFFF380;
	s9 =	sadd.s32 $0x0, s28  }
0xee: {  	[hbm4b:s9+s2] =	stream.linear.scatter [tilespmem:s29], [sflag:$0x2], $0xC80, $0x38;
	[tilespmem:$0x19640] =	vst v63  }
0xef: {  	_ =	swait.ge [sflag:s5], $0xC80  }
0xf0: {  	s31 =	sld [smem:$0x7FD]  }
0xf1: {  	s30 =	rddreg [dreg:$0x4];
	[sflag:s5] =	ssyncset.done $0x0  }
0xf2: {  	[sflag:s5] =	ssyncadd.s32 $0xFFFFF380;
	s9 =	sadd.s32 $0x0, s30  }
0xf3: {  	[hbm4b:s9+s2] =	stream.linear.scatter [tilespmem:s31], [sflag:$0x2], $0xC80, $0x38;
	[tilespmem:$0x19640] =	vst v63  }
0xf4: {  	_ =	swait.ge [sflag:s5], $0xC80  }
0xf5: {  	s10 =	smov.u32 s4;
	s9 =	simm.s32 $0x3200;
	[sflag:s5] =	ssyncset.done $0x0  }
.LBB2_2:
0xf6: {  	[sflag:s5] =	ssyncadd.s32 $0xFFFFF380;
	s10 =	sadd.s32 $0xC8, s10  }
0xf7: {  	[tilespmem:s2], [sflag:$0x2] =	stream.linear.gather [hbm4b:s10+s2], $0x640, $0x38;
	[tilespmem:$0x19640] =	vst v63  }
0xf8: {  	_ =	swait.ge [sflag:s5], $0x640  }
0xf9: {  	[sflag:s5] =	ssyncset.done $0x0  }
0xfa: {  	s12 =	rddreg [dreg:$0x3];
	[sflag:s5] =	ssyncadd.s32 $0xFFFFF9C0  }
0xfb: {  	[tilespmem:s6], [sflag:$0x1] =	stream.indirect.gather [hbm4b:s12+s6], $0x40, s2, s6, $0xb8;
	[tilespmem:$0x19640] =	vst v63  }
0xfc: {  	_ =	swait.ge [sflag:s7], $0x19000  }
0xfd: {  	s24 =	sld [smem:$0x7DE];
	_ =	sdelay $0x1  }
0xfe: {  	s11 =	smov.u32 s9;
	[sflag:s7] =	ssyncset.done $0x0  }
0xff: {  	[sflag:s7] =	ssyncadd.s32 $0xFFFE7000;
	s12 =	sadd.s32 s11, s24  }
0x100: {  	[hbm4b:s12+s2] =	stream.linear.scatter [tilespmem:s6], [sflag:$0x2], $0xC80, $0x38;
	[tilespmem:$0x19640] =	vst v63  }
0x101: {  	_ =	swait.ge [sflag:s5], $0xC80  }
0x102: {  	s13 =	sld [smem:$0x7DF]  }
0x103: {  	[sflag:s5] =	ssyncset.done $0x0  }
0x104: {  	s12 =	sadd.s32 $0x190, s12;
	[sflag:s5] =	ssyncadd.s32 $0xFFFFF380  }
0x105: {  	[hbm4b:s12+s2] =	stream.linear.scatter [tilespmem:s13], [sflag:$0x2], $0xC80, $0x38;
	[tilespmem:$0x19640] =	vst v63  }
0x106: {  	_ =	swait.ge [sflag:s5], $0xC80  }
0x107: {  	s25 =	sld [smem:$0x7DD]  }
0x108: {  	s26 =	sld [smem:$0x7E0]  }
0x109: {  	[sflag:s5] =	ssyncset.done $0x0  }
0x10a: {  	[sflag:s5] =	ssyncadd.s32 $0xFFFFF380;
	s12 =	sadd.s32 s11, s25  }
0x10b: {  	[hbm4b:s12+s2] =	stream.linear.scatter [tilespmem:s26], [sflag:$0x2], $0xC80, $0x38;
	[tilespmem:$0x19640] =	vst v63  }
0x10c: {  	_ =	swait.ge [sflag:s5], $0xC80  }
0x10d: {  	s28 =	sld [smem:$0x7DC]  }
0x10e: {  	s29 =	sld [smem:$0x7E1]  }
0x10f: {  	[sflag:s5] =	ssyncset.done $0x0  }
0x110: {  	[sflag:s5] =	ssyncadd.s32 $0xFFFFF380;
	s12 =	sadd.s32 s11, s28  }
0x111: {  	[hbm4b:s12+s2] =	stream.linear.scatter [tilespmem:s29], [sflag:$0x2], $0xC80, $0x38;
	[tilespmem:$0x19640] =	vst v63  }
0x112: {  	_ =	swait.ge [sflag:s5], $0xC80  }
0x113: {  	s31 =	sld [smem:$0x7E2]  }
0x114: {  	s30 =	rddreg [dreg:$0x1f];
	[sflag:s5] =	ssyncset.done $0x0  }
0x115: {  	[sflag:s5] =	ssyncadd.s32 $0xFFFFF380;
	s12 =	sadd.s32 s11, s30  }
0x116: {  	[hbm4b:s12+s2] =	stream.linear.scatter [tilespmem:s31], [sflag:$0x2], $0xC80, $0x38;
	[tilespmem:$0x19640] =	vst v63  }
0x117: {  	_ =	swait.ge [sflag:s5], $0xC80  }
0x118: {  	s14 =	sld [smem:$0x7E3]  }
0x119: {  	s13 =	rddreg [dreg:$0x1e];
	[sflag:s5] =	ssyncset.done $0x0  }
0x11a: {  	[sflag:s5] =	ssyncadd.s32 $0xFFFFF380;
	s12 =	sadd.s32 s11, s13  }
0x11b: {  	[hbm4b:s12+s2] =	stream.linear.scatter [tilespmem:s14], [sflag:$0x2], $0xC80, $0x38;
	[tilespmem:$0x19640] =	vst v63  }
0x11c: {  	_ =	swait.ge [sflag:s5], $0xC80  }
0x11d: {  	s16 =	sld [smem:$0x7E4]  }
0x11e: {  	s15 =	rddreg [dreg:$0x1d];
	[sflag:s5] =	ssyncset.done $0x0  }
0x11f: {  	[sflag:s5] =	ssyncadd.s32 $0xFFFFF380;
	s12 =	sadd.s32 s11, s15  }
0x120: {  	[hbm4b:s12+s2] =	stream.linear.scatter [tilespmem:s16], [sflag:$0x2], $0xC80, $0x38;
	[tilespmem:$0x19640] =	vst v63  }
0x121: {  	_ =	swait.ge [sflag:s5], $0xC80  }
0x122: {  	s18 =	sld [smem:$0x7E5]  }
0x123: {  	s17 =	rddreg [dreg:$0x1c];
	[sflag:s5] =	ssyncset.done $0x0  }
0x124: {  	[sflag:s5] =	ssyncadd.s32 $0xFFFFF380;
	s12 =	sadd.s32 s11, s17  }
0x125: {  	[hbm4b:s12+s2] =	stream.linear.scatter [tilespmem:s18], [sflag:$0x2], $0xC80, $0x38;
	[tilespmem:$0x19640] =	vst v63  }
0x126: {  	_ =	swait.ge [sflag:s5], $0xC80  }
0x127: {  	s20 =	sld [smem:$0x7E6]  }
0x128: {  	s19 =	rddreg [dreg:$0x1b];
	[sflag:s5] =	ssyncset.done $0x0  }
0x129: {  	[sflag:s5] =	ssyncadd.s32 $0xFFFFF380;
	s12 =	sadd.s32 s11, s19  }
0x12a: {  	[hbm4b:s12+s2] =	stream.linear.scatter [tilespmem:s20], [sflag:$0x2], $0xC80, $0x38;
	[tilespmem:$0x19640] =	vst v63  }
0x12b: {  	_ =	swait.ge [sflag:s5], $0xC80  }
0x12c: {  	s22 =	sld [smem:$0x7E7]  }
0x12d: {  	s21 =	rddreg [dreg:$0x1a];
	[sflag:s5] =	ssyncset.done $0x0  }
0x12e: {  	[sflag:s5] =	ssyncadd.s32 $0xFFFFF380;
	s12 =	sadd.s32 s11, s21  }
0x12f: {  	[hbm4b:s12+s2] =	stream.linear.scatter [tilespmem:s22], [sflag:$0x2], $0xC80, $0x38;
	[tilespmem:$0x19640] =	vst v63  }
0x130: {  	_ =	swait.ge [sflag:s5], $0xC80  }
0x131: {  	s24 =	sld [smem:$0x7E8]  }
0x132: {  	s23 =	rddreg [dreg:$0x19];
	[sflag:s5] =	ssyncset.done $0x0  }
0x133: {  	[sflag:s5] =	ssyncadd.s32 $0xFFFFF380;
	s12 =	sadd.s32 s11, s23  }
0x134: {  	[hbm4b:s12+s2] =	stream.linear.scatter [tilespmem:s24], [sflag:$0x2], $0xC80, $0x38;
	[tilespmem:$0x19640] =	vst v63  }
0x135: {  	_ =	swait.ge [sflag:s5], $0xC80  }
0x136: {  	s26 =	sld [smem:$0x7E9]  }
0x137: {  	s25 =	rddreg [dreg:$0x18];
	[sflag:s5] =	ssyncset.done $0x0  }
0x138: {  	[sflag:s5] =	ssyncadd.s32 $0xFFFFF380;
	s12 =	sadd.s32 s11, s25  }
0x139: {  	[hbm4b:s12+s2] =	stream.linear.scatter [tilespmem:s26], [sflag:$0x2], $0xC80, $0x38;
	[tilespmem:$0x19640] =	vst v63  }
0x13a: {  	_ =	swait.ge [sflag:s5], $0xC80  }
0x13b: {  	s29 =	sld [smem:$0x7EA]  }
0x13c: {  	s28 =	rddreg [dreg:$0x17];
	[sflag:s5] =	ssyncset.done $0x0  }
0x13d: {  	[sflag:s5] =	ssyncadd.s32 $0xFFFFF380;
	s12 =	sadd.s32 s11, s28  }
0x13e: {  	[hbm4b:s12+s2] =	stream.linear.scatter [tilespmem:s29], [sflag:$0x2], $0xC80, $0x38;
	[tilespmem:$0x19640] =	vst v63  }
0x13f: {  	_ =	swait.ge [sflag:s5], $0xC80  }
0x140: {  	s31 =	sld [smem:$0x7EB]  }
0x141: {  	s30 =	rddreg [dreg:$0x16];
	[sflag:s5] =	ssyncset.done $0x0  }
0x142: {  	[sflag:s5] =	ssyncadd.s32 $0xFFFFF380;
	s12 =	sadd.s32 s11, s30  }
0x143: {  	[hbm4b:s12+s2] =	stream.linear.scatter [tilespmem:s31], [sflag:$0x2], $0xC80, $0x38;
	[tilespmem:$0x19640] =	vst v63  }
0x144: {  	_ =	swait.ge [sflag:s5], $0xC80  }
0x145: {  	s14 =	sld [smem:$0x7EC]  }
0x146: {  	s13 =	rddreg [dreg:$0x15];
	[sflag:s5] =	ssyncset.done $0x0  }
0x147: {  	[sflag:s5] =	ssyncadd.s32 $0xFFFFF380;
	s12 =	sadd.s32 s11, s13  }
0x148: {  	[hbm4b:s12+s2] =	stream.linear.scatter [tilespmem:s14], [sflag:$0x2], $0xC80, $0x38;
	[tilespmem:$0x19640] =	vst v63  }
0x149: {  	_ =	swait.ge [sflag:s5], $0xC80  }
0x14a: {  	s16 =	sld [smem:$0x7ED]  }
0x14b: {  	s15 =	rddreg [dreg:$0x14];
	[sflag:s5] =	ssyncset.done $0x0  }
0x14c: {  	[sflag:s5] =	ssyncadd.s32 $0xFFFFF380;
	s12 =	sadd.s32 s11, s15  }
0x14d: {  	[hbm4b:s12+s2] =	stream.linear.scatter [tilespmem:s16], [sflag:$0x2], $0xC80, $0x38;
	[tilespmem:$0x19640] =	vst v63  }
0x14e: {  	_ =	swait.ge [sflag:s5], $0xC80  }
0x14f: {  	s18 =	sld [smem:$0x7EE]  }
0x150: {  	s17 =	rddreg [dreg:$0x13];
	[sflag:s5] =	ssyncset.done $0x0  }
0x151: {  	[sflag:s5] =	ssyncadd.s32 $0xFFFFF380;
	s12 =	sadd.s32 s11, s17  }
0x152: {  	[hbm4b:s12+s2] =	stream.linear.scatter [tilespmem:s18], [sflag:$0x2], $0xC80, $0x38;
	[tilespmem:$0x19640] =	vst v63  }
0x153: {  	_ =	swait.ge [sflag:s5], $0xC80  }
0x154: {  	s20 =	sld [smem:$0x7EF]  }
0x155: {  	s19 =	rddreg [dreg:$0x12];
	[sflag:s5] =	ssyncset.done $0x0  }
0x156: {  	[sflag:s5] =	ssyncadd.s32 $0xFFFFF380;
	s12 =	sadd.s32 s11, s19  }
0x157: {  	[hbm4b:s12+s2] =	stream.linear.scatter [tilespmem:s20], [sflag:$0x2], $0xC80, $0x38;
	[tilespmem:$0x19640] =	vst v63  }
0x158: {  	_ =	swait.ge [sflag:s5], $0xC80  }
0x159: {  	s22 =	sld [smem:$0x7F0]  }
0x15a: {  	s21 =	rddreg [dreg:$0x11];
	[sflag:s5] =	ssyncset.done $0x0  }
0x15b: {  	[sflag:s5] =	ssyncadd.s32 $0xFFFFF380;
	s12 =	sadd.s32 s11, s21  }
0x15c: {  	[hbm4b:s12+s2] =	stream.linear.scatter [tilespmem:s22], [sflag:$0x2], $0xC80, $0x38;
	[tilespmem:$0x19640] =	vst v63  }
0x15d: {  	_ =	swait.ge [sflag:s5], $0xC80  }
0x15e: {  	s24 =	sld [smem:$0x7F1]  }
0x15f: {  	s23 =	rddreg [dreg:$0x10];
	[sflag:s5] =	ssyncset.done $0x0  }
0x160: {  	[sflag:s5] =	ssyncadd.s32 $0xFFFFF380;
	s12 =	sadd.s32 s11, s23  }
0x161: {  	[hbm4b:s12+s2] =	stream.linear.scatter [tilespmem:s24], [sflag:$0x2], $0xC80, $0x38;
	[tilespmem:$0x19640] =	vst v63  }
0x162: {  	_ =	swait.ge [sflag:s5], $0xC80  }
0x163: {  	s26 =	sld [smem:$0x7F2]  }
0x164: {  	s25 =	rddreg [dreg:$0xf];
	[sflag:s5] =	ssyncset.done $0x0  }
0x165: {  	[sflag:s5] =	ssyncadd.s32 $0xFFFFF380;
	s12 =	sadd.s32 s11, s25  }
0x166: {  	[hbm4b:s12+s2] =	stream.linear.scatter [tilespmem:s26], [sflag:$0x2], $0xC80, $0x38;
	[tilespmem:$0x19640] =	vst v63  }
0x167: {  	_ =	swait.ge [sflag:s5], $0xC80  }
0x168: {  	s29 =	sld [smem:$0x7F3]  }
0x169: {  	s28 =	rddreg [dreg:$0xe];
	[sflag:s5] =	ssyncset.done $0x0  }
0x16a: {  	[sflag:s5] =	ssyncadd.s32 $0xFFFFF380;
	s12 =	sadd.s32 s11, s28  }
0x16b: {  	[hbm4b:s12+s2] =	stream.linear.scatter [tilespmem:s29], [sflag:$0x2], $0xC80, $0x38;
	[tilespmem:$0x19640] =	vst v63  }
0x16c: {  	_ =	swait.ge [sflag:s5], $0xC80  }
0x16d: {  	s31 =	sld [smem:$0x7F4]  }
0x16e: {  	s30 =	rddreg [dreg:$0xd];
	[sflag:s5] =	ssyncset.done $0x0  }
0x16f: {  	[sflag:s5] =	ssyncadd.s32 $0xFFFFF380;
	s12 =	sadd.s32 s11, s30  }
0x170: {  	[hbm4b:s12+s2] =	stream.linear.scatter [tilespmem:s31], [sflag:$0x2], $0xC80, $0x38;
	[tilespmem:$0x19640] =	vst v63  }
0x171: {  	_ =	swait.ge [sflag:s5], $0xC80  }
0x172: {  	s14 =	sld [smem:$0x7F5]  }
0x173: {  	s13 =	rddreg [dreg:$0xc];
	[sflag:s5] =	ssyncset.done $0x0  }
0x174: {  	[sflag:s5] =	ssyncadd.s32 $0xFFFFF380;
	s12 =	sadd.s32 s11, s13  }
0x175: {  	[hbm4b:s12+s2] =	stream.linear.scatter [tilespmem:s14], [sflag:$0x2], $0xC80, $0x38;
	[tilespmem:$0x19640] =	vst v63  }
0x176: {  	_ =	swait.ge [sflag:s5], $0xC80  }
0x177: {  	s16 =	sld [smem:$0x7F6]  }
0x178: {  	s15 =	rddreg [dreg:$0xb];
	[sflag:s5] =	ssyncset.done $0x0  }
0x179: {  	[sflag:s5] =	ssyncadd.s32 $0xFFFFF380;
	s12 =	sadd.s32 s11, s15  }
0x17a: {  	[hbm4b:s12+s2] =	stream.linear.scatter [tilespmem:s16], [sflag:$0x2], $0xC80, $0x38;
	[tilespmem:$0x19640] =	vst v63  }
0x17b: {  	_ =	swait.ge [sflag:s5], $0xC80  }
0x17c: {  	s18 =	sld [smem:$0x7F7]  }
0x17d: {  	s17 =	rddreg [dreg:$0xa];
	[sflag:s5] =	ssyncset.done $0x0  }
0x17e: {  	[sflag:s5] =	ssyncadd.s32 $0xFFFFF380;
	s12 =	sadd.s32 s11, s17  }
0x17f: {  	[hbm4b:s12+s2] =	stream.linear.scatter [tilespmem:s18], [sflag:$0x2], $0xC80, $0x38;
	[tilespmem:$0x19640] =	vst v63  }
0x180: {  	_ =	swait.ge [sflag:s5], $0xC80  }
0x181: {  	s20 =	sld [smem:$0x7F8]  }
0x182: {  	s19 =	rddreg [dreg:$0x9];
	[sflag:s5] =	ssyncset.done $0x0  }
0x183: {  	[sflag:s5] =	ssyncadd.s32 $0xFFFFF380;
	s12 =	sadd.s32 s11, s19  }
0x184: {  	[hbm4b:s12+s2] =	stream.linear.scatter [tilespmem:s20], [sflag:$0x2], $0xC80, $0x38;
	[tilespmem:$0x19640] =	vst v63  }
0x185: {  	_ =	swait.ge [sflag:s5], $0xC80  }
0x186: {  	s22 =	sld [smem:$0x7F9]  }
0x187: {  	s21 =	rddreg [dreg:$0x8];
	[sflag:s5] =	ssyncset.done $0x0  }
0x188: {  	[sflag:s5] =	ssyncadd.s32 $0xFFFFF380;
	s12 =	sadd.s32 s11, s21  }
0x189: {  	[hbm4b:s12+s2] =	stream.linear.scatter [tilespmem:s22], [sflag:$0x2], $0xC80, $0x38;
	[tilespmem:$0x19640] =	vst v63  }
0x18a: {  	_ =	swait.ge [sflag:s5], $0xC80  }
0x18b: {  	s24 =	sld [smem:$0x7FA]  }
0x18c: {  	s23 =	rddreg [dreg:$0x7];
	[sflag:s5] =	ssyncset.done $0x0  }
0x18d: {  	[sflag:s5] =	ssyncadd.s32 $0xFFFFF380;
	s12 =	sadd.s32 s11, s23  }
0x18e: {  	[hbm4b:s12+s2] =	stream.linear.scatter [tilespmem:s24], [sflag:$0x2], $0xC80, $0x38;
	[tilespmem:$0x19640] =	vst v63  }
0x18f: {  	_ =	swait.ge [sflag:s5], $0xC80  }
0x190: {  	s26 =	sld [smem:$0x7FB]  }
0x191: {  	s25 =	rddreg [dreg:$0x6];
	[sflag:s5] =	ssyncset.done $0x0  }
0x192: {  	[sflag:s5] =	ssyncadd.s32 $0xFFFFF380;
	s12 =	sadd.s32 s11, s25  }
0x193: {  	[hbm4b:s12+s2] =	stream.linear.scatter [tilespmem:s26], [sflag:$0x2], $0xC80, $0x38;
	[tilespmem:$0x19640] =	vst v63  }
0x194: {  	_ =	swait.ge [sflag:s5], $0xC80  }
0x195: {  	s29 =	sld [smem:$0x7FC]  }
0x196: {  	s28 =	rddreg [dreg:$0x5];
	[sflag:s5] =	ssyncset.done $0x0  }
0x197: {  	[sflag:s5] =	ssyncadd.s32 $0xFFFFF380;
	s12 =	sadd.s32 s11, s28  }
0x198: {  	[hbm4b:s12+s2] =	stream.linear.scatter [tilespmem:s29], [sflag:$0x2], $0xC80, $0x38;
	[tilespmem:$0x19640] =	vst v63  }
0x199: {  	_ =	swait.ge [sflag:s5], $0xC80  }
0x19a: {  	p0 =	sne.s32 s9, $0x9600;
	s31 =	sld [smem:$0x7FD]  }
.Ltmp0:
0x19b: {  	s30 =	rddreg [dreg:$0x4];
	[sflag:s5] =	ssyncset.done $0x0;
	(pc) =	sbr.rel @p0 .LBB2_2-.Ltmp0, $4  }
0x19c: {  	[sflag:s5] =	ssyncadd.s32 $0xFFFFF380;
	s11 =	sadd.s32 s11, s30  }
0x19d: {  	[hbm4b:s11+s2] =	stream.linear.scatter [tilespmem:s31], [sflag:$0x2], $0xC80, $0x38;
	[tilespmem:$0x19640] =	vst v63  }
0x19e: {  	_ =	swait.ge [sflag:s5], $0xC80  }
0x19f: {  	s9 =	sadd.s32 $0x3200, s9;
	[sflag:s5] =	ssyncset.done $0x0  }
0x1a0: {  	s8 =	sadd.s32 $0x1, s8  }
0x1a1: {  	p0 =	sne.s32 s8, s3  }
.Ltmp1:
0x1a2: {  	_ = 	snop;
	(pc) =	sbr.rel @p0 .LBB2_1-.Ltmp1, $2  }
0x1a3: {  	_ =	sdelay $0x2  }
0x1a4: {  	[sflag:s5] =	ssyncadd.s32 $0xFFFFF380  }
0x1a5: {  	_ =	sfence.sel $0x180000  }
0x1a6: {  	[bflag:$0x0] =	sbarrier.arrive $0xFFFF  }
0x1a7: {  	p0 =	sne.s32 s0, $0x0;
	_ =	strace $0x90000047  }
0x1a8: {  	s0 =	sadd.s32 @!p0 $0x100000, s1;
	[bflag:$0x2] =	sbarrier.arrive $0xFFFF  }
0x1a9: {  	[sflag:s0] =	ssyncadd.tile.s32 @!p0 $0x1;
	_ =	shalt  }
.Lfunc_end2:
_tile_overlayer_lowered:
.L_overlay_start_2:
0x1aa: {  	(tag) =	ssettag $0x2  }
0x1ab: {  	s0 =	rddreg [dreg:$0x0];
	s2 =	stileid.u32  }
0x1ac: {  	s1 =	rddreg [dreg:$0x1];
	p0 =	sne.s32 s2, $0x0  }
0x1ad: {  	s3 =	rddreg [dreg:$0x2];
	[bflag:$0x3] =	sbarrier.arrive $0xFFFF;
	s2 =	simm.s32 @!p0 $0x1C02  }
0x1ae: {  	[timem:s3], [sflag:s2] =	dma.local @!p0 [hbm:s0], s1  }
0x1af: {  	s0 =	simm.s32 @!p0 $0x2  }
0x1b0: {  	_ =	swait.ge @!p0 [sflag:s0], s1  }
0x1b1: {  	s1 =	ssub.s32 @!p0 $0x0, s1;
	[sflag:s0] =	ssyncset.done @!p0 $0x0  }
0x1b2: {  	[sflag:s0] =	ssyncadd.s32 @!p0 s1  }
0x1b3: {  	[bflag:$0x3] =	sbarrier.arrive $0xFFFF  }
0x1b4: {  	_ =	shalt  }

// kernel: sparse-core-data-format-call.cloned.1.call-start
scs
called_computation_lowered:
.L_overlay_start_0:
0x0: {  	s2 =	sld [smem:$0x3FD9]  }
0x1: {  	s3 =	sld [smem:$0x3FFE];
	_ =	sdelay $0x1  }
0x2: {  	s1 =	srdreg.scid  }
0x3: {  	s0 =	sand.u32 $0x1, s1  }
0x4: {  	s18 =	sshll.u32 s0, $0xA;
	s2 =	sadd.s32 s3, s2  }
0x5: {  	s2 =	sadd.s32 s2, s18  }
0x6: {  	[smem:$0x3FC6] =	sst s2  }
0x7: {  	_ = 	snop  }
0x8: {  	s2 =	sld [smem:$0x3FD0];
	(tm) =	ssettm $0x1  }
0x9: {  	s19 =	sld [smem:$0x3FFB];
	_ =	sdelay $0x3  }
0xa: {  	_ =	strace s19  }
0xb: {  	s3 =	sld [smem:$0x3FFC];
	_ =	sdelay $0x3  }
0xc: {  	_ =	strace s3  }
0xd: {  	s3 =	sld [smem:$0x3FFD];
	_ =	sdelay $0x3  }
0xe: {  	_ =	strace s3  }
0xf: {  	_ =	strace $0x8FFFFFFF  }
0x10: {  	s20 =	sld [smem:$0x3FDB];
	_ =	sdelay $0x1  }
0x11: {  	s4 =	simm.s32 $_scs_section_size  }
0x12: {  	s5 =	simm.s32 $_size__tile_overlayer_lowered;
	s6 =	simm.s32 $_tile_overlayer_lowered  }
0x13: {  	s23 =	simm.s32 $0x1BFF;
	s22 =	sshll.u32 s6, $0x1;
	s3 =	sadd.s32 s4, s20  }
0x14: {  	s7 =	simm.s32 $0x0;
	s21 =	sshll.u32 s5, $0x1;
	s5 =	sadd.s32 s22, s3  }
0x15: {  	[timem:s7], [sflag:s23] =	dma.local [hbm:s5], s21  }
0x16: {  	_ =	swait.ge [sflag:s23], s21  }
0x17: {  	s4 =	ssub.s32 $0x0, s21;
	[sflag:s23] =	ssyncset.done $0x0  }
0x18: {  	[sflag:s23] =	ssyncadd.s32 s4;
	_ =	sdelay $0x1  }
0x19: {  	s24 =	simm.s32 $0x1B8B  }
0x1a: {  	_ =	swait.ge [sflag:s24], $0x1  }
0x1b: {  	[sflag:s24] =	ssyncset.done $0x0  }
0x1c: {  	s26 =	simm.s32 $0x1B8E;
	s25 =	sld [smem:$0x3FFE];
	[sflag:s24] =	ssyncadd.s32 $0xFFFFFFFF  }
0x1d: {  	s27 =	simm.s32 $execute0_lowered;
	[smem:$0x3FD2] =	sst s26  }
0x1e: {  	s5 =	sshll.u32 s27, $0x1;
	_ =	strace $0x80000049;
	[dreg:$0x1] =	wrdreg $0xFFFFFFFF  }
0x1f: {  	s28 =	simm.s32 $_size_execute0_lowered;
	s3 =	sadd.s32 s3, s5;
	[dreg:$0x0] =	wrdreg $0x0  }
0x20: {  	s5 =	sshll.u32 s28, $0x1;
	[dreg:$0x2] =	wrdreg s3  }
0x21: {  	[dreg:$0x3] =	wrdreg s5  }
0x22: {  	[dreg:$0x4] =	wrdreg $0xC0  }
0x23: {  	_ =	task [dreg:s7], $0x5FFFF  }
0x24: {  	[dreg:$0x1] =	wrdreg $0xFFFFFFFF  }
0x25: {  	[dreg:$0x0] =	wrdreg $0x60  }
0x26: {  	[dreg:$0x2] =	wrdreg s25  }
0x27: {  	[dreg:$0x3] =	wrdreg s2  }
0x28: {  	[dreg:$0x4] =	wrdreg $0x9  }
0x29: {  	_ =	task.clear_ibuf [dreg:s7], $0x5FFFF;
	_ =	strace $0x90000049  }
0x2a: {  	s29 =	simm.s32 $0x9;
	_ =	strace $0x8000004B  }
0x2b: {  	_ =	swait.ge [sflag:s29], $0x1  }
0x2c: {  	[sflag:s29] =	ssyncadd.s32 $0xFFFFFFFF  }
0x2d: {  	_ =	strace $0x9000004B  }
0x2e: {  	_ =	sfence  }
0x2f: {  	s30 =	sld [smem:$0x0];
	_ =	sdelay $0x2  }
0x30: {  	s31 =	sshll.u32 s1, $0xD;
	s1 =	sshrl.u32 s1, $0x2  }
0x31: {  	s3 =	sand.u32 $0x4000, s31;
	s1 =	sadd.s32 s1, s30  }
0x32: {  	s0 =	sor.u32 s3, s0;
	s1 =	sshll.u32 s1, $0x11  }
0x33: {  	s0 =	sor.u32 s1, s0  }
0x34: {  	s0 =	sadd.s32 $0x8F2B, s0  }
0x35: {  	[sflag:s0] =	ssyncadd.remote.s32 $0x1  }
0x36: {  	_ =	sfence.sel $0xFFFF  }
0x37: {  	[dreg:$0x0] =	wrdreg $0xFFFFFFFF;
	(pc) =	sbr.abs _section_cstart, $3  }
0x38: {  	[dreg:$0x1] =	wrdreg $0xFFFFFFFF  }
0x39: {  	_ =	task.clear_ibuf [dreg:s7], $0x2FFFF;
	_ =	strace $0x9FFFFFFF  }
0x3a: {  	(tm) =	ssettm $0x7FFFFFFF  }
0x3b: {  	_ =	shalt  }
tec
execute0_lowered:
.L_overlay_start_1:
0x0: {  	(tag) =	ssettag $0x1  }
0x1: {  	s0 =	srdreg.scid  }
0x2: {  	s1 =	sshll.u32 s0, $0x4  }
0x3: {  	s0 =	stileid.u32;
	s1 =	sand.u32 $0x10, s1  }
0x4: {  	s1 =	sor.u32 s0, s1  }
0x5: {  	s6 =	rddreg [dreg:$0x0];
	s4 =	simm.s32 $0x1;
	s2 =	sshll.u32 s1, $0x7  }
0x6: {  	s7 =	simm.s32 $0x2;
	s12 =	simm.s32 $0x0;
	s1 =	ssub.s32 $0x1000, s2  }
0x7: {  	s8 =	simm.s32 $0x8000;
	s13 =	simm.s32 $0x0;
	s3 =	sand.u32 $0xF80, s1  }
0x8: {  	s9 =	simm.s32 $0x0;
	s5 =	sshrl.u32 s1, $0xC;
	p0 =	sne.s32 s3, $0x0  }
.Ltmp0:
0x9: {  	s1 =	rddreg [dreg:$0x2];
	s4 =	simm.s32 @!p0 $0x0;
	(pc) =	sbr.rel .LBB1_1-.Ltmp0, $4  }
0xa: {  	s11 =	simm.s32 $0x0;
	s3 =	rddreg [dreg:$0x1];
	s5 =	sadd.s32 s4, s5  }
0xb: {  	_ =	strace $0x8000004A;
	s4 =	simm.s32 $0x1;
	s5 =	smul.u32 $0x32, s5  }
0xc: {  	s6 =	sadd.s32 $0xA00, s6;
	s10 =	smov.u32 s2;
	[sflag:s4] =	ssyncpa.u1 $0x0  }
0xd: {  	p0 =	por $0x0, $0x0;
	[sflag:s7] =	ssyncpa.u1 $0x0;
	s7 =	sor.u32 $0x1, s5  }
.LBB1_4:
0xe: {  	s16 =	sshll.u32 s13, $0x3;
	s17 =	sand.u32 $0x78, s13  }
0xf: {  	s30 =	sand.u32 $0x7E00, s13;
	s12 =	sshll.u32 s12, $0xF;
	s16 =	sand.u32 $0xC00, s16  }
0x10: {  	[tilespmem:s15+$0x810 ss:$0x81] =	vst.msk $0xffff, v2;
	s31 =	sand.u32 $0x7, s13;
	s16 =	sor.u32 s17, s16;
	s17 =	sadd.s32 s3, s30  }
0x11: {  	[tilespmem:s15+$0x1020 ss:$0x81] =	vst.msk $0xffff, v0;
	s13 =	sshll.u32 s31, $0x12;
	s12 =	sadd.s32 s12, s17;
	s16 =	sshrl.u32 s16, $0x3  }
0x12: {  	[tilespmem:s15+$0x0 ss:$0x81] =	vst.msk $0xffff, v1;
	s13 =	sor.u32 $0x400, s13;
	s12 =	sadd.s32 s16, s12  }
0x13: {  	[hbm4b:s12+s13] =	stream.strided.scatter [tilespmem:s14], [sflag:$0x2], $0x2000, s8, s13, $0x20;
	[tilespmem:$0x8080] =	vst v63  }
.LBB1_5:
0x14: {  	s14 =	sadd.s32 $0x1, s9  }
0x15: {  	s12 =	sadd.s32 $0x1000, s10;
	s16 =	smov.u32 s10;
	p2 =	sgt.s32 s14, $0x31  }
0x16: {  	s16 =	smov.u32 @p2 s12  }
0x17: {  	s14 =	simm.s32 @p2 $0x0;
	p2 =	sgt.s32 s16, $0xFFF  }
0x18: {  	s16 =	smov.u32 @p2 s2;
	p2 =	sne.s32 s11, s7  }
.Ltmp1:
0x19: {  	p1 =	slt.u32 s11, $0x2;
	(pc) =	sbr.rel @!p2 .LBB1_6-.Ltmp1, $4  }
0x1a: {  	s15 =	simm.s32 @!p1 $0x2  }
0x1b: {  	s13 =	smov.u32 s10;
	p0 =	por !p0, !p0;
	_ =	swait.ge @!p1 [sflag:s15], $0x2000  }
0x1c: {  	s12 =	smov.u32 s9;
	[sflag:s15] =	ssyncset.done @!p1 $0x0;
	s9 =	smov.u32 s14  }
0x1d: {  	s11 =	sadd.s32 $0x1, s11;
	[sflag:s15] =	ssyncadd.s32 @!p1 $0xFFFFE000;
	s10 =	smov.u32 s16  }
.LBB1_1:
0x1e: {  	p1 =	sge.u32 s11, s5  }
0x1f: {  	s14 =	sand.u32 @!p1 $0x1FFFFFF, s9  }
0x20: {  	s15 =	smulhi.u32 @!p1 $0x4924925, s14;
	_ =	sdelay $0x1  }
0x21: {  	s15 =	smul.u32 @!p1 $0x38, s15  }
0x22: {  	s16 =	sxor.u32 @!p1 $0xFFFFFFFF, s11;
	s17 =	smul.u32 @!p1 $0x380, s10  }
0x23: {  	s31 =	sadd.s32 $0xFFFFFFFF, s11;
	s16 =	sshll.u32 @!p1 s16, $0xD;
	s14 =	ssub.s32 @!p1 s14, s15  }
0x24: {  	s15 =	sand.u32 @!p1 $0x2000, s16;
	s16 =	sadd.s32 @!p1 s6, s17;
	s14 =	sshll.u32 @!p1 s14, $0x4  }
0x25: {  	s17 =	simm.s32 @!p1 $0x1C00;
	s14 =	sadd.s32 @!p1 s14, s16;
	s16 =	simm.s32 @!p1 $0x40  }
0x26: {  	[tilespmem:s15], [sflag:$0x1] =	stream.strided.gather @!p1 [hbm4b:s14+s16], $0x2000, s17, s16, $0x38;
	[tilespmem:$0x8080] =	vst v63  }
0x27: {  	p1 =	sge.u32 s31, s5  }
.Ltmp2:
0x28: {  	_ = 	snop;
	(pc) =	sbr.rel @p1 .LBB1_5-.Ltmp2, $1  }
0x29: {  	_ =	sdelay $0x3  }
0x2a: {  	s14 =	simm.s32 $0x1  }
0x2b: {  	_ =	swait.ge [sflag:s4], $0x2000;
	s14 =	simm.s32 @!p0 $0x0  }
0x2c: {  	[sflag:s4] =	ssyncset.done $0x0;
	s15 =	sshll.u32 s14, $0xD  }
0x2d: {  	[sflag:s4] =	ssyncadd.s32 $0xFFFFE000;
	s18 =	sor.u32 $0x20, s15  }
0x2e: {  	s14 =	smul.u32 $0x8100, s14;
	v3 =	vld [tilespmem:s18+$0x10]  }
0x2f: {  	s30 =	sand.u32 $0x1, s11;
	v2 =	vld [tilespmem:s18+$0xFFFFFFF0]  }
0x30: {  	s15 =	smul.u32 $0x8100, s30;
	s14 =	sshrl.u32 s14, $0x2;
	v0 =	vld [tilespmem:s18+$0x0]  }
0x31: {  	v1 =	vld [tilespmem:s18+$0xFFFFFFE0];
	s16 =	sor.u32 $0x4000, s14  }
0x32: {  	s31 =	sshrl.u32 s15, $0x2;
	s15 =	sadd.s32 $0x0, s16  }
0x33: {  	s17 =	simm.s32 $0x4;
	s18 =	sadd.s32 $0x40, s18;
	s14 =	sor.u32 $0x4000, s31;
	[tilespmem:s15+$0x1830 ss:$0x81] =	vst.msk $0xffff, v3  }
.LBB1_3:
0x34: {  	v3 =	vld [tilespmem:s18+$0x10];
	p1 =	sne.s32 s17, $0x1FC;
	[tilespmem:s15+$0x810 ss:$0x81] =	vst.msk $0xffff, v2;
	s19 =	smov.u32 s17;
	s17 =	sadd.s32 $0x4, s17  }
.Ltmp3:
0x35: {  	v2 =	vld [tilespmem:s18+$0xFFFFFFF0];
	[tilespmem:s15+$0x1020 ss:$0x81] =	vst.msk $0xffff, v0;
	(pc) =	sbr.rel @p1 .LBB1_3-.Ltmp3, $4  }
0x36: {  	v0 =	vld [tilespmem:s18+$0x0];
	[tilespmem:s15+$0x0 ss:$0x81] =	vst.msk $0xffff, v1  }
0x37: {  	s15 =	sshra.s32 s19, $0x2;
	v1 =	vld [tilespmem:s18+$0xFFFFFFE0]  }
0x38: {  	s15 =	sadd.s32 s15, s16  }
0x39: {  	s18 =	sadd.s32 $0x40, s18;
	[tilespmem:s15+$0x1830 ss:$0x81] =	vst.msk $0xffff, v3  }
.Ltmp4:
0x3a: {  	_ = 	snop;
	(pc) =	sbr.rel .LBB1_4-.Ltmp4, $1  }
0x3b: {  	_ =	sdelay $0x3  }
.LBB1_6:
0x3c: {  	_ =	sfence.sel $0x180000  }
0x3d: {  	s2 =	simm.s32 $0x1;
	[bflag:$0x0] =	sbarrier.arrive $0xFFFF  }
0x3e: {  	s31 =	simm.s32 $0x2;
	[sflag:s2] =	ssyncpa.u1 $0x1  }
0x3f: {  	[sflag:s31] =	ssyncpa.u1 $0x1  }
0x40: {  	p0 =	sne.s32 s0, $0x0;
	_ =	strace $0x9000004A  }
0x41: {  	s0 =	sadd.s32 @!p0 $0x100000, s1;
	[bflag:$0x2] =	sbarrier.arrive $0xFFFF  }
0x42: {  	[sflag:s0] =	ssyncadd.tile.s32 @!p0 $0x1;
	_ =	shalt  }
.Lfunc_end1:
_tile_overlayer_lowered:
.L_overlay_start_2:
0x43: {  	(tag) =	ssettag $0x2  }
0x44: {  	s0 =	rddreg [dreg:$0x0];
	s2 =	stileid.u32  }
0x45: {  	s1 =	rddreg [dreg:$0x1];
	p0 =	sne.s32 s2, $0x0  }
0x46: {  	s3 =	rddreg [dreg:$0x2];
	[bflag:$0x3] =	sbarrier.arrive $0xFFFF;
	s2 =	simm.s32 @!p0 $0x1C01  }
0x47: {  	[timem:s3], [sflag:s2] =	dma.local @!p0 [hbm:s0], s1  }
0x48: {  	s0 =	simm.s32 @!p0 $0x1  }
0x49: {  	_ =	swait.ge @!p0 [sflag:s0], s1  }
0x4a: {  	s1 =	ssub.s32 @!p0 $0x0, s1;
	[sflag:s0] =	ssyncset.done @!p0 $0x0  }
0x4b: {  	[sflag:s0] =	ssyncadd.s32 @!p0 s1  }
0x4c: {  	[bflag:$0x3] =	sbarrier.arrive $0xFFFF  }
0x4d: {  	_ =	shalt  }

</sc_bundles>
